<compile_context>
chip_gen: v7x
topology: tpu7x:2x2x1
jax: 0.10.2.dev20260603
libtpu: 0.0.44.dev20260713+nightly
codegen_flags: <defaults>
</compile_context>

<pallas_src>
import functools

import jax
import jax.numpy as jnp
import numpy as np
from jax import lax
from jax.experimental import pallas as pl
from jax.experimental.pallas import tpu as pltpu
from jax.experimental.pallas import tpu_sc as plsc

_H = 7
_NN = _H * _H
_B = 128
_F = 1024
_HID = 512
_SCW = 8
_SROWS = (_B // _SCW) * _NN
_VR = _SROWS // 16
_VR0 = 24
_PL = 896
_CHUNKS = 4
_CB = _B // _CHUNKS
_ROWS = _CB * _NN
_WPC = _SCW // _CHUNKS
_N = _B * _NN


def _row_masks():
    rid = jax.lax.broadcasted_iota(jnp.int32, (_ROWS, 1), 0)
    node = rid % _NN
    c = node % _H
    mask_h = (c > 0).astype(jnp.float32)
    mask_v = (node >= _H).astype(jnp.float32)
    return mask_h, mask_v


def _sd(x, k):
    return jnp.concatenate([jnp.zeros((k, x.shape[1]), x.dtype), x[:-k]], axis=0)


def _colsum(a):
    return jnp.sum(a, axis=0, keepdims=True)


def _bn_fold(stats, gamma, beta, b):
    n = jnp.float32(_N)
    sy, sr, sy2, sr2, syr, s_tot = (stats[k:k + 1] for k in range(6))
    rs = 1.0 / (s_tot + 1e-8)
    mu0 = (sy * rs + sr) / n
    q0 = (sy2 * rs * rs + 2.0 * syr * rs + sr2) / n
    var = q0 - mu0 * mu0
    m = mu0 + b
    sc = gamma * jax.lax.rsqrt(var + 1e-5)
    sh = beta - m * sc + b * sc
    return rs, sc, sh



def _kernel_coords(x_ref, wprojT_ref, bproj_ref, cp_ref):
    coords = jnp.dot(x_ref[...], wprojT_ref[...],
                     preferred_element_type=jnp.float32) + bproj_ref[...]
    ct = jnp.transpose(coords, (1, 0))

    def sdn(a, k):
        return jnp.concatenate([jnp.zeros((2, k), jnp.float32), a[:, :-k]], 1)

    def sup(a, k):
        return jnp.concatenate([a[:, k:], jnp.zeros((2, k), jnp.float32)], 1)

    packed = jnp.concatenate(
        [ct, sdn(ct, 1), sdn(ct, _H), sup(ct, 1), sup(ct, _H)], axis=0)
    packed = jnp.concatenate(
        [packed, jnp.zeros((10, _PL - _SROWS), jnp.float32)], axis=1)
    cp_ref[...] = packed.reshape(1, 10, _PL)



def _sqrt_heron(d2):
    s = jnp.where(d2 < 1e-4, 5.6e-3,
        jnp.where(d2 < 1e-3, 1.78e-2,
        jnp.where(d2 < 1e-2, 5.6e-2,
        jnp.where(d2 < 1e-1, 1.78e-1,
        jnp.where(d2 < 1.0, 5.6e-1,
        jnp.where(d2 < 10.0, 1.78,
        jnp.where(d2 < 100.0, 5.6, 17.8)))))))
    for _ in range(5):
        s = 0.5 * (s + d2 / s)
    return s


def _sc_tables():
    ft = np.zeros((_VR * 6, 16), np.float32)
    for k in range(_VR):
        l = np.arange(16) + 16 * k
        j = l % _NN
        c = j % _H
        fmh = (c > 0).astype(np.float32)
        fmv = (j >= _H).astype(np.float32)
        fh2 = (c < _H - 1).astype(np.float32)
        fv2 = (j < _NN - _H).astype(np.float32)
        ft[6 * k + 0] = fmh
        ft[6 * k + 1] = fmv
        ft[6 * k + 2] = 1.0 / np.maximum(fmh + fmv, 1.0)
        ft[6 * k + 3] = fh2
        ft[6 * k + 4] = fv2
        ft[6 * k + 5] = 1.0 / (fmh + fmv + fh2 + fv2)
    return ft


def _sc_maps_body(cp_hbm, ftab_hbm, maps_hbm, sp_hbm, cpv, ftv, mv, spv):
    wid = lax.axis_index("s") * 2 + lax.axis_index("c")
    chunk = wid >> 1
    half = wid & 1

    def ea_of(dx, dy, fm):
        d2 = dx * dx + dy * dy
        dist = _sqrt_heron(d2)
        z = 1.0 / (dist + 1e-6)
        return fm / (1.0 + jnp.exp(-z))

    def run(k_off, n_k, l_len):
        l_off = 16 * k_off
        pltpu.sync_copy(cp_hbm.at[chunk, :, pl.ds(l_off, l_len)],
                        cpv.at[:, pl.ds(0, l_len)])
        pltpu.sync_copy(ftab_hbm, ftv)

        def body(k, spacc):
            sl = pl.ds(16 * k, 16)
            cx0 = cpv[0, sl]
            cy0 = cpv[1, sl]
            kg = k_off + k
            fmh = ftv[6 * kg]
            fmv = ftv[6 * kg + 1]
            icnt = ftv[6 * kg + 2]
            fh2 = ftv[6 * kg + 3]
            fv2 = ftv[6 * kg + 4]
            invdeg = ftv[6 * kg + 5]
            eah = ea_of(cx0 - cpv[2, sl], cy0 - cpv[3, sl], fmh)
            eav = ea_of(cx0 - cpv[4, sl], cy0 - cpv[5, sl], fmv)
            eahf = ea_of(cpv[6, sl] - cx0, cpv[7, sl] - cy0, fh2)
            eavf = ea_of(cpv[8, sl] - cx0, cpv[9, sl] - cy0, fv2)
            a_h = jnp.exp(eah) * fmh
            a_v = jnp.exp(eav) * fmv
            mv[0, sl] = a_h * icnt
            mv[1, sl] = a_v * icnt
            nw = (eah + eav + eahf + eavf) * invdeg
            mv[2, sl] = nw
            mv[3, sl] = nw
            return spacc + a_h + a_v

        spv[...] = lax.fori_loop(0, n_k, body, jnp.zeros((16,), jnp.float32))
        pltpu.sync_copy(mv.at[:, pl.ds(0, l_len)],
                        maps_hbm.at[chunk, :, pl.ds(l_off, l_len)])
        pltpu.sync_copy(spv, sp_hbm.at[wid])

    @pl.when((wid < 2 * _SCW) & (half == 0))
    def _():
        run(0, _VR0, 16 * _VR0)

    @pl.when((wid < 2 * _SCW) & (half == 1))
    def _():
        run(_VR0, _VR - _VR0, _PL - 16 * _VR0)


def _sc_maps(cp):
    ft = _sc_tables()
    mesh = plsc.VectorSubcoreMesh(core_axis_name="c", subcore_axis_name="s")
    f = functools.partial(
        pl.kernel,
        mesh=mesh,
        out_type=[jax.ShapeDtypeStruct((_SCW, 4, _PL), jnp.float32),
                  jax.ShapeDtypeStruct((2 * _SCW, 16), jnp.float32)],
        scratch_types=[pltpu.VMEM((10, _PL - 16 * _VR0), jnp.float32),
                       pltpu.VMEM(ft.shape, jnp.float32),
                       pltpu.VMEM((4, _PL - 16 * _VR0), jnp.float32),
                       pltpu.VMEM((16,), jnp.float32)],
    )(_sc_maps_body)
    return f(cp, jnp.asarray(ft))



def _kernel_a(x_ref, maps_ref, sp_ref, w1relT_ref, w1rootT_ref,
              y1_ref, r1_ref, stats_ref):
    i = pl.program_id(0)
    x = x_ref[...]
    m = jnp.transpose(maps_ref[...], (0, 2, 1))[:, :_SROWS, :].reshape(_ROWS, 4)
    ah = m[:, 0:1]
    av = m[:, 1:2]
    s_part = jnp.sum(sp_ref[...]) / _CHUNKS

    xf = x.astype(jnp.float32)
    agg_u = (ah * _sd(xf, 1) + av * _sd(xf, _H)).astype(jnp.bfloat16)
    y1 = jnp.dot(agg_u, w1relT_ref[...], preferred_element_type=jnp.float32)
    r1 = jnp.dot(x, w1rootT_ref[...], preferred_element_type=jnp.float32)
    y1_ref[...] = y1.astype(jnp.bfloat16)
    r1_ref[...] = r1.astype(jnp.bfloat16)

    upd = jnp.concatenate(
        [_colsum(y1), _colsum(r1), _colsum(y1 * y1), _colsum(r1 * r1),
         _colsum(y1 * r1), jnp.full((1, _HID), s_part, jnp.float32),
         jnp.zeros((2, _HID), jnp.float32)], axis=0)

    @pl.when(i == 0)
    def _():
        stats_ref[...] = jnp.zeros((8, _HID), jnp.float32)

    stats_ref[...] += upd



def _kernel_bc(y1_ref, r1_ref, maps_ref, stats1_ref,
               g1_ref, bt1_ref, b1_ref, w2relT_ref, w2rootT_ref,
               g2_ref, bt2_ref, b2_ref, wd1T_ref, wlast_ref, bdec_ref,
               out_ref,
               y2_s, r2_s, st2_s):
    p = pl.program_id(0)
    i = pl.program_id(1)

    @pl.when(p == 0)
    def _phase_b():
        rs, sc, sh = _bn_fold(stats1_ref[...], g1_ref[...], bt1_ref[...],
                              b1_ref[...])
        z1 = y1_ref[...].astype(jnp.float32) * rs + r1_ref[...].astype(jnp.float32)
        h1 = jnp.maximum(z1 * sc + sh, 0.0)

        m = jnp.transpose(maps_ref[...], (0, 2, 1))[:, :_SROWS, :].reshape(_ROWS, 4)
        ah = m[:, 0:1]
        av = m[:, 1:2]
        h1b = h1.astype(jnp.bfloat16)
        agg_u = (ah * _sd(h1, 1) + av * _sd(h1, _H)).astype(jnp.bfloat16)
        y2 = jnp.dot(agg_u, w2relT_ref[...], preferred_element_type=jnp.float32)
        r2 = jnp.dot(h1b, w2rootT_ref[...], preferred_element_type=jnp.float32)
        y2_s[i] = y2
        r2_s[i] = r2

        upd = jnp.concatenate(
            [_colsum(y2), _colsum(r2), _colsum(y2 * y2), _colsum(r2 * r2),
             _colsum(y2 * r2), stats1_ref[5:6, :] / _CHUNKS,
             jnp.zeros((2, _HID), jnp.float32)], axis=0)

        @pl.when(i == 0)
        def _():
            st2_s[...] = jnp.zeros((8, _HID), jnp.float32)

        st2_s[...] += upd

    @pl.when(p == 1)
    def _phase_c():
        rs, sc, sh = _bn_fold(st2_s[...], g2_ref[...], bt2_ref[...],
                              b2_ref[...])
        z2 = y2_s[i] * rs + r2_s[i]
        h2 = jnp.maximum(z2 * sc + sh, 0.0)
        node_w = jnp.transpose(maps_ref[...], (0, 2, 1))[:, :_SROWS, :].reshape(_ROWS, 4)[:, 2:3]
        dec = jnp.dot(h2.astype(jnp.bfloat16), wd1T_ref[...],
                      preferred_element_type=jnp.float32)
        out_ref[...] = jnp.maximum(
            dec + node_w * wlast_ref[...] + bdec_ref[...], 0.0
        ).astype(jnp.bfloat16)


def kernel(visual_feat, tactile_feat, W_proj, b_proj, W1_rel, b1_rel, W1_root,
           gamma1, beta1, W2_rel, b2_rel, W2_root, gamma2, beta2, W_dec, b_dec,
           edge_index):
    f32 = jnp.float32
    bf16 = jnp.bfloat16
    nf = jnp.concatenate([visual_feat, tactile_feat], axis=1)
    x = (nf.reshape(_B, _F, _NN).transpose(0, 2, 1)
         .reshape(_N, _F).astype(bf16))

    wprojT = W_proj.T.astype(bf16)
    bproj = b_proj.reshape(1, 2)
    w1relT = W1_rel.T.astype(bf16)
    w1rootT = W1_root.T.astype(bf16)
    w2relT = W2_rel.T.astype(bf16)
    w2rootT = W2_root.T.astype(bf16)
    wd1T = W_dec[:, :_HID].T.astype(bf16)
    wlast = W_dec[:, _HID].reshape(1, _HID)
    bdec = b_dec.reshape(1, _HID)
    row = lambda a: a.reshape(1, _HID)

    def full1(a):
        return pl.BlockSpec(a.shape, lambda i: (0,) * a.ndim)

    def full2(a):
        return pl.BlockSpec(a.shape, lambda p, i: (0,) * a.ndim)

    cp = pl.pallas_call(
        _kernel_coords,
        grid=(_SCW,),
        in_specs=[pl.BlockSpec((_SROWS, _F), lambda i: (i, 0)),
                  full1(wprojT), full1(bproj)],
        out_specs=pl.BlockSpec((1, 10, _PL), lambda i: (i, 0, 0)),
        out_shape=jax.ShapeDtypeStruct((_SCW, 10, _PL), f32),
    )(x, wprojT, bproj)

    maps, sp = _sc_maps(cp)

    y1, r1, stats1 = pl.pallas_call(
        _kernel_a,
        grid=(_CHUNKS,),
        in_specs=[pl.BlockSpec((_ROWS, _F), lambda i: (i, 0)),
                  pl.BlockSpec((_WPC, 4, _PL), lambda i: (i, 0, 0)),
                  pl.BlockSpec((2 * _SCW, 16), lambda i: (0, 0)),
                  full1(w1relT), full1(w1rootT)],
        out_specs=[pl.BlockSpec((_ROWS, _HID), lambda i: (i, 0)),
                   pl.BlockSpec((_ROWS, _HID), lambda i: (i, 0)),
                   pl.BlockSpec((8, _HID), lambda i: (0, 0))],
        out_shape=[jax.ShapeDtypeStruct((_N, _HID), bf16),
                   jax.ShapeDtypeStruct((_N, _HID), bf16),
                   jax.ShapeDtypeStruct((8, _HID), f32)],
    )(x, maps, sp, w1relT, w1rootT)

    chunk_b = lambda p, i: (jnp.where(p == 0, i, 0), 0)
    out = pl.pallas_call(
        _kernel_bc,
        grid=(2, _CHUNKS),
        in_specs=[pl.BlockSpec((_ROWS, _HID), chunk_b),
                  pl.BlockSpec((_ROWS, _HID), chunk_b),
                  pl.BlockSpec((_WPC, 4, _PL), lambda p, i: (i, 0, 0)),
                  full2(stats1),
                  full2(row(gamma1)), full2(row(beta1)), full2(row(b1_rel)),
                  full2(w2relT), full2(w2rootT),
                  full2(row(gamma2)), full2(row(beta2)), full2(row(b2_rel)),
                  full2(wd1T), full2(wlast), full2(bdec)],
        out_specs=pl.BlockSpec((_ROWS, _HID),
                               lambda p, i: (jnp.where(p == 1, i, 0), 0)),
        out_shape=jax.ShapeDtypeStruct((_N, _HID), bf16),
        scratch_shapes=[pltpu.VMEM((_CHUNKS, _ROWS, _HID), f32),
                        pltpu.VMEM((_CHUNKS, _ROWS, _HID), f32),
                        pltpu.VMEM((8, _HID), f32)],
    )(y1, r1, maps, stats1, row(gamma1), row(beta1), row(b1_rel),
      w2relT, w2rootT, row(gamma2), row(beta2), row(b2_rel),
      wd1T, wlast, bdec)

    return out.reshape(_B, _H, _H, _HID).transpose(0, 3, 1, 2).astype(f32)

# --- scband reference (transcript-rebuilt; emitter-appended) ---
"""Pipeline reference for scband-multi-modal-gc-69518340653373 (READ-ONLY COPY).

The authoritative reference and input builder live on the scoring server;
editing this copy changes nothing except your own understanding.
"""

import jax, jax.numpy as jnp
import numpy as np

H, W_GRID, C = 7, 7, 512
IN_DIM, HID = 1024, 512
B = 128

def _grid_edges(h, w):
    edges = []
    for r in range(h):
        for c in range(w):
            nid = r * w + c
            if c < w - 1:
                edges.append([nid, nid + 1])
            if r < h - 1:
                edges.append([nid, nid + w])
    return np.asarray(edges, dtype=np.int64).T  # [2, 84]

def setup_inputs(seed: int = 0) -> dict:
    key = jax.random.key(seed)
    ks = jax.random.split(key, 20)
    s_in = 1.0 / np.sqrt(IN_DIM)
    s_hid = 1.0 / np.sqrt(HID)
    s_dec = 1.0 / np.sqrt(HID + 1)
    inp = {
        'visual_feat': jax.random.normal(ks[0], (B, C, H, W_GRID), jnp.float32),
        'tactile_feat': jax.random.normal(ks[1], (B, C, H, W_GRID), jnp.float32),
        'W_proj': jax.random.uniform(ks[2], (2, IN_DIM), jnp.float32, -s_in, s_in),
        'b_proj': jax.random.uniform(ks[3], (2,), jnp.float32, -s_in, s_in),
        'W1_rel': jax.random.uniform(ks[4], (HID, IN_DIM), jnp.float32, -s_in, s_in),
        'b1_rel': jax.random.uniform(ks[5], (HID,), jnp.float32, -s_in, s_in),
        'W1_root': jax.random.uniform(ks[6], (HID, IN_DIM), jnp.float32, -s_in, s_in),
        'gamma1': jnp.ones((HID,), jnp.float32),
        'beta1': jnp.zeros((HID,), jnp.float32),
        'W2_rel': jax.random.uniform(ks[7], (HID, HID), jnp.float32, -s_hid, s_hid),
        'b2_rel': jax.random.uniform(ks[8], (HID,), jnp.float32, -s_hid, s_hid),
        'W2_root': jax.random.uniform(ks[9], (HID, HID), jnp.float32, -s_hid, s_hid),
        'gamma2': jnp.ones((HID,), jnp.float32),
        'beta2': jnp.zeros((HID,), jnp.float32),
        'W_dec': jax.random.uniform(ks[10], (HID, HID + 1), jnp.float32, -s_dec, s_dec),
        'b_dec': jax.random.uniform(ks[11], (HID,), jnp.float32, -s_dec, s_dec),
        'edge_index': jnp.asarray(_grid_edges(H, W_GRID)),
    }
    return inp

def _graph_conv(x, src, dst, w, W_rel, b_rel, W_root, N):
    # PyG GraphConv(aggr='mean'): out = lin_rel(mean_j(w_j * x_j)) + lin_root(x)
    msg = x[src] * w[:, None]
    sums = jnp.zeros((N, x.shape[1]), x.dtype).at[dst].add(msg)
    cnt = jnp.zeros((N,), x.dtype).at[dst].add(1.0)
    agg = sums / jnp.clip(cnt, 1.0, None)[:, None]
    return agg @ W_rel.T + b_rel + x @ W_root.T

def _bn(x, gamma, beta):
    m = x.mean(axis=0)
    v = x.var(axis=0)
    return (x - m) / jnp.sqrt(v + 1e-5) * gamma + beta

def reference(visual_feat, tactile_feat, W_proj, b_proj, W1_rel, b1_rel, W1_root,
              gamma1, beta1, W2_rel, b2_rel, W2_root, gamma2, beta2, W_dec, b_dec,
              edge_index):
    Bn = visual_feat.shape[0]
    n_nodes = H * W_GRID
    node_feat = jnp.concatenate([visual_feat, tactile_feat], axis=1)
    node_feat = node_feat.transpose(0, 2, 3, 1).reshape(Bn, n_nodes, -1)  # [B,49,1024]
    coords = node_feat @ W_proj.T + b_proj  # [B,49,2]
    src, dst = edge_index[0], edge_index[1]
    diff = coords[:, src, :] - coords[:, dst, :]
    dist = jnp.linalg.norm(diff, axis=-1)  # [B,84]
    edge_attr = jax.nn.sigmoid(1.0 / (dist + 1e-6))[..., None]  # [B,84,1]
    N = Bn * n_nodes
    x = node_feat.reshape(N, -1)
    offs = (jnp.arange(Bn, dtype=src.dtype) * n_nodes)[:, None]
    src_b = (src[None, :] + offs).reshape(-1)
    dst_b = (dst[None, :] + offs).reshape(-1)
    ea = edge_attr.reshape(-1, 1)
    alpha = jnp.exp(ea.reshape(-1))
    alpha = alpha / (alpha.sum() + 1e-8)
    h1 = jax.nn.relu(_bn(_graph_conv(x, src_b, dst_b, alpha, W1_rel, b1_rel, W1_root, N), gamma1, beta1))
    h2 = jax.nn.relu(_bn(_graph_conv(h1, src_b, dst_b, alpha, W2_rel, b2_rel, W2_root, N), gamma2, beta2))
    edges = jnp.concatenate([src_b, dst_b])
    ea_rep = jnp.concatenate([ea, ea], axis=0)
    nw_sum = jnp.zeros((N, 1), x.dtype).at[edges].add(ea_rep)
    nw_cnt = jnp.zeros((N,), x.dtype).at[edges].add(1.0)
    node_w = nw_sum / jnp.clip(nw_cnt, 1.0, None)[:, None]
    hcat = jnp.concatenate([h2, node_w], axis=1)
    out = jax.nn.relu(hcat @ W_dec.T + b_dec)
    out = out.reshape(Bn, H, W_GRID, HID).transpose(0, 3, 1, 2)
    return out

if __name__ == "__main__":
    import jax
    _d = setup_inputs()
    print(jax.jit(kernel)(*tuple(_d.values())))

</pallas_src>

<mosaic_0001>
#map = affine_map<(d0, d1) -> (0, 0, 0)>
#map1 = affine_map<(d0, d1) -> (0, 0)>
module attributes {stable_mosaic.version = 14 : i64} {
  func.func @_sc_maps_body(%arg0: i32, %arg1: i32, %arg2: memref<8x10x896xf32, #tpu.memory_space<hbm>>, %arg3: memref<294x16xf32, #tpu.memory_space<hbm>>, %arg4: memref<8x4x896xf32, #tpu.memory_space<hbm>>, %arg5: memref<16x16xf32, #tpu.memory_space<hbm>>, %arg6: memref<10x512xf32, #tpu.memory_space<vmem>>, %arg7: memref<294x16xf32, #tpu.memory_space<vmem>>, %arg8: memref<4x512xf32, #tpu.memory_space<vmem>>, %arg9: memref<16xf32, #tpu.memory_space<vmem>>) attributes {dimension_semantics = [#tpu.dimension_semantics<core_parallel>, #tpu.dimension_semantics<subcore_parallel>], iteration_bounds = array<i64: 2, 16>, scalar_prefetch = 0 : i64, scratch_operands = 4 : i64, tpu.core_type = #tpu.core_type<sc_vector_subcore>, window_params = [{transform_indices = #map}, {transform_indices = #map1}, {transform_indices = #map}, {transform_indices = #map1}]} {
    %mul3A = arith.constant 2 : i32
    %mul3A_0 = arith.muli %arg1, %mul3A : i32
    %add3A = arith.addi %mul3A_0, %arg0 : i32
    %shift_right_arithmetic3A = arith.constant 1 : i32
    %shift_right_arithmetic3A_1 = arith.shrsi %add3A, %shift_right_arithmetic3A : i32
    %and3A = arith.constant 1 : i32
    %and3A_2 = arith.andi %add3A, %and3A : i32
    %lt3A = arith.constant 16 : i32
    %lt3A_3 = arith.cmpi slt, %add3A, %lt3A : i32
    %eq3A = arith.constant 0 : i32
    %eq3A_4 = arith.cmpi eq, %and3A_2, %eq3A : i32
    %and3A_5 = arith.andi %lt3A_3, %eq3A_4 : i1
    %convert_element_type3A = arith.extui %and3A_5 : i1 to i32
    %cond3A = arith.constant 0 : i32
    %cond3A_6 = arith.cmpi ne, %convert_element_type3A, %cond3A : i32
    scf.if %cond3A_6 {
      "tpu.region"() ({
        %run_scoped3A = tpu.sem_alloc : memref<!tpu.dma_semaphore, #tpu.memory_space<semaphore_mem>>
        %dma_start3A = arith.constant 0 : i32
        %dma_start3A_24 = arith.constant 0 : i32
        %dma_start3A_25 = tpu.memref_slice %arg6[%dma_start3A, %dma_start3A_24] : memref<10x512xf32, #tpu.memory_space<vmem>> -> memref<10x384xf32, #tpu.memory_space<vmem>>
        %dma_start3A_26 = arith.constant 0 : i32
        %dma_start3A_27 = arith.constant 0 : i32
        %dma_start3A_28 = tpu.memref_slice %arg2[%shift_right_arithmetic3A_1, %dma_start3A_26, %dma_start3A_27] : memref<8x10x896xf32, #tpu.memory_space<hbm>> -> memref<1x10x384xf32, #tpu.memory_space<hbm>>
        %dma_start3A_29 = tpu.memref_squeeze %dma_start3A_28 : memref<1x10x384xf32, #tpu.memory_space<hbm>> -> memref<10x384xf32, #tpu.memory_space<hbm>>
        %dma_start3A_30 = arith.constant 0 : i32
        %dma_start3A_31 = arith.constant 0 : i32
        %dma_start3A_32 = tpu.memref_slice %arg6[%dma_start3A_30, %dma_start3A_31] : memref<10x512xf32, #tpu.memory_space<vmem>> -> memref<10x384xf32, #tpu.memory_space<vmem>>
        %dma_start3A_33 = arith.constant 0 : i32
        %dma_start3A_34 = arith.constant 0 : i32
        %dma_start3A_35 = tpu.memref_slice %arg2[%shift_right_arithmetic3A_1, %dma_start3A_33, %dma_start3A_34] : memref<8x10x896xf32, #tpu.memory_space<hbm>> -> memref<1x10x384xf32, #tpu.memory_space<hbm>>
        %dma_start3A_36 = tpu.memref_squeeze %dma_start3A_35 : memref<1x10x384xf32, #tpu.memory_space<hbm>> -> memref<10x384xf32, #tpu.memory_space<hbm>>
        tpu.enqueue_dma source(%dma_start3A_36 : memref<10x384xf32, #tpu.memory_space<hbm>>) target(%dma_start3A_32 : memref<10x384xf32, #tpu.memory_space<vmem>>) target_semaphore(%run_scoped3A : memref<!tpu.dma_semaphore, #tpu.memory_space<semaphore_mem>>)
        %dma_wait3A = arith.constant 0 : i32
        %dma_wait3A_37 = arith.constant 0 : i32
        %dma_wait3A_38 = tpu.memref_slice %arg6[%dma_wait3A, %dma_wait3A_37] : memref<10x512xf32, #tpu.memory_space<vmem>> -> memref<10x384xf32, #tpu.memory_space<vmem>>
        %dma_wait3A_39 = arith.constant 0 : i32
        %dma_wait3A_40 = arith.constant 0 : i32
        %dma_wait3A_41 = tpu.memref_slice %arg2[%shift_right_arithmetic3A_1, %dma_wait3A_39, %dma_wait3A_40] : memref<8x10x896xf32, #tpu.memory_space<hbm>> -> memref<1x10x384xf32, #tpu.memory_space<hbm>>
        %dma_wait3A_42 = tpu.memref_squeeze %dma_wait3A_41 : memref<1x10x384xf32, #tpu.memory_space<hbm>> -> memref<10x384xf32, #tpu.memory_space<hbm>>
        %dma_wait3A_43 = arith.constant 0 : i32
        %dma_wait3A_44 = arith.constant 0 : i32
        %dma_wait3A_45 = tpu.memref_slice %arg6[%dma_wait3A_43, %dma_wait3A_44] : memref<10x512xf32, #tpu.memory_space<vmem>> -> memref<10x384xf32, #tpu.memory_space<vmem>>
        %dma_wait3A_46 = arith.constant 0 : i32
        %dma_wait3A_47 = arith.constant 0 : i32
        %dma_wait3A_48 = tpu.memref_slice %arg2[%shift_right_arithmetic3A_1, %dma_wait3A_46, %dma_wait3A_47] : memref<8x10x896xf32, #tpu.memory_space<hbm>> -> memref<1x10x384xf32, #tpu.memory_space<hbm>>
        %dma_wait3A_49 = tpu.memref_squeeze %dma_wait3A_48 : memref<1x10x384xf32, #tpu.memory_space<hbm>> -> memref<10x384xf32, #tpu.memory_space<hbm>>
        tpu.wait_dma2 semaphore(%run_scoped3A : memref<!tpu.dma_semaphore, #tpu.memory_space<semaphore_mem>>) src(%dma_wait3A_49 : memref<10x384xf32, #tpu.memory_space<hbm>>) dst(%dma_wait3A_45 : memref<10x384xf32, #tpu.memory_space<vmem>>)
        tpu.yield
      }) : () -> ()
      "tpu.region"() ({
        %run_scoped3A = tpu.sem_alloc : memref<!tpu.dma_semaphore, #tpu.memory_space<semaphore_mem>>
        tpu.enqueue_dma source(%arg3 : memref<294x16xf32, #tpu.memory_space<hbm>>) target(%arg7 : memref<294x16xf32, #tpu.memory_space<vmem>>) target_semaphore(%run_scoped3A : memref<!tpu.dma_semaphore, #tpu.memory_space<semaphore_mem>>)
        tpu.wait_dma2 semaphore(%run_scoped3A : memref<!tpu.dma_semaphore, #tpu.memory_space<semaphore_mem>>) src(%arg3 : memref<294x16xf32, #tpu.memory_space<hbm>>) dst(%arg7 : memref<294x16xf32, #tpu.memory_space<vmem>>)
        tpu.yield
      }) : () -> ()
      %broadcast_in_dim3A = arith.constant 0.000000e+00 : f32
      %broadcast_in_dim3A_15 = vector.broadcast %broadcast_in_dim3A : f32 to vector<16xf32>
      %scan3A = arith.constant 0 : i32
      %scan3A_16 = arith.constant 24 : i32
      %scan3A_17 = arith.addi %scan3A, %scan3A_16 : i32
      %scan3A_18 = arith.constant 1 : i32
      %scan3A_19 = scf.for %scan3A_24 = %scan3A to %scan3A_17 step %scan3A_18 iter_args(%scan3A_25 = %broadcast_in_dim3A_15) -> (vector<16xf32>)  : i32 {
        %mul3A_26 = arith.constant 16 : i32
        %mul3A_27 = arith.muli %mul3A_26, %scan3A_24 : i32
        %get3A = arith.constant 0 : i32
        %get3A_28 = arith.index_cast %get3A : i32 to index
        %get3A_29 = arith.index_cast %mul3A_27 : i32 to index
        %get3A_30 = tpu.vector_load %arg6[%get3A_28, %get3A_29] {strides = array<i32>} : memref<10x512xf32, #tpu.memory_space<vmem>>, vector<1x16xf32>,
        %get3A_31 = vector.shape_cast %get3A_30 : vector<1x16xf32> to vector<16xf32>
        %get3A_32 = arith.constant 1 : i32
        %get3A_33 = arith.index_cast %get3A_32 : i32 to index
        %get3A_34 = arith.index_cast %mul3A_27 : i32 to index
        %get3A_35 = tpu.vector_load %arg6[%get3A_33, %get3A_34] {strides = array<i32>} : memref<10x512xf32, #tpu.memory_space<vmem>>, vector<1x16xf32>,
        %get3A_36 = vector.shape_cast %get3A_35 : vector<1x16xf32> to vector<16xf32>
        %add3A_37 = arith.constant 0 : i32
        %add3A_38 = arith.addi %add3A_37, %scan3A_24 : i32
        %mul3A_39 = arith.constant 6 : i32
        %mul3A_40 = arith.muli %mul3A_39, %add3A_38 : i32
        %get3A_41 = arith.index_cast %mul3A_40 : i32 to index
        %get3A_42 = arith.constant 0 : index
        %get3A_43 = tpu.vector_load %arg7[%get3A_41, %get3A_42] {strides = array<i32>} : memref<294x16xf32, #tpu.memory_space<vmem>>, vector<1x16xf32>,
        %get3A_44 = vector.shape_cast %get3A_43 : vector<1x16xf32> to vector<16xf32>
        %mul3A_45 = arith.constant 6 : i32
        %mul3A_46 = arith.muli %mul3A_45, %add3A_38 : i32
        %add3A_47 = arith.constant 1 : i32
        %add3A_48 = arith.addi %mul3A_46, %add3A_47 : i32
        %get3A_49 = arith.index_cast %add3A_48 : i32 to index
        %get3A_50 = arith.constant 0 : index
        %get3A_51 = tpu.vector_load %arg7[%get3A_49, %get3A_50] {strides = array<i32>} : memref<294x16xf32, #tpu.memory_space<vmem>>, vector<1x16xf32>,
        %get3A_52 = vector.shape_cast %get3A_51 : vector<1x16xf32> to vector<16xf32>
        %mul3A_53 = arith.constant 6 : i32
        %mul3A_54 = arith.muli %mul3A_53, %add3A_38 : i32
        %add3A_55 = arith.constant 2 : i32
        %add3A_56 = arith.addi %mul3A_54, %add3A_55 : i32
        %get3A_57 = arith.index_cast %add3A_56 : i32 to index
        %get3A_58 = arith.constant 0 : index
        %get3A_59 = tpu.vector_load %arg7[%get3A_57, %get3A_58] {strides = array<i32>} : memref<294x16xf32, #tpu.memory_space<vmem>>, vector<1x16xf32>,
        %get3A_60 = vector.shape_cast %get3A_59 : vector<1x16xf32> to vector<16xf32>
        %mul3A_61 = arith.constant 6 : i32
        %mul3A_62 = arith.muli %mul3A_61, %add3A_38 : i32
        %add3A_63 = arith.constant 3 : i32
        %add3A_64 = arith.addi %mul3A_62, %add3A_63 : i32
        %get3A_65 = arith.index_cast %add3A_64 : i32 to index
        %get3A_66 = arith.constant 0 : index
        %get3A_67 = tpu.vector_load %arg7[%get3A_65, %get3A_66] {strides = array<i32>} : memref<294x16xf32, #tpu.memory_space<vmem>>, vector<1x16xf32>,
        %get3A_68 = vector.shape_cast %get3A_67 : vector<1x16xf32> to vector<16xf32>
        %mul3A_69 = arith.constant 6 : i32
        %mul3A_70 = arith.muli %mul3A_69, %add3A_38 : i32
        %add3A_71 = arith.constant 4 : i32
        %add3A_72 = arith.addi %mul3A_70, %add3A_71 : i32
        %get3A_73 = arith.index_cast %add3A_72 : i32 to index
        %get3A_74 = arith.constant 0 : index
        %get3A_75 = tpu.vector_load %arg7[%get3A_73, %get3A_74] {strides = array<i32>} : memref<294x16xf32, #tpu.memory_space<vmem>>, vector<1x16xf32>,
        %get3A_76 = vector.shape_cast %get3A_75 : vector<1x16xf32> to vector<16xf32>
        %mul3A_77 = arith.constant 6 : i32
        %mul3A_78 = arith.muli %mul3A_77, %add3A_38 : i32
        %add3A_79 = arith.constant 5 : i32
        %add3A_80 = arith.addi %mul3A_78, %add3A_79 : i32
        %get3A_81 = arith.index_cast %add3A_80 : i32 to index
        %get3A_82 = arith.constant 0 : index
        %get3A_83 = tpu.vector_load %arg7[%get3A_81, %get3A_82] {strides = array<i32>} : memref<294x16xf32, #tpu.memory_space<vmem>>, vector<1x16xf32>,
        %get3A_84 = vector.shape_cast %get3A_83 : vector<1x16xf32> to vector<16xf32>
        %get3A_85 = arith.constant 2 : i32
        %get3A_86 = arith.index_cast %get3A_85 : i32 to index
        %get3A_87 = arith.index_cast %mul3A_27 : i32 to index
        %get3A_88 = tpu.vector_load %arg6[%get3A_86, %get3A_87] {strides = array<i32>} : memref<10x512xf32, #tpu.memory_space<vmem>>, vector<1x16xf32>,
        %get3A_89 = vector.shape_cast %get3A_88 : vector<1x16xf32> to vector<16xf32>
        %sub3A = arith.subf %get3A_31, %get3A_89 : vector<16xf32>
        %get3A_90 = arith.constant 3 : i32
        %get3A_91 = arith.index_cast %get3A_90 : i32 to index
        %get3A_92 = arith.index_cast %mul3A_27 : i32 to index
        %get3A_93 = tpu.vector_load %arg6[%get3A_91, %get3A_92] {strides = array<i32>} : memref<10x512xf32, #tpu.memory_space<vmem>>, vector<1x16xf32>,
        %get3A_94 = vector.shape_cast %get3A_93 : vector<1x16xf32> to vector<16xf32>
        %sub3A_95 = arith.subf %get3A_36, %get3A_94 : vector<16xf32>
        %mul3A_96 = arith.mulf %sub3A, %sub3A : vector<16xf32>
        %mul3A_97 = arith.mulf %sub3A_95, %sub3A_95 : vector<16xf32>
        %add3A_98 = arith.addf %mul3A_96, %mul3A_97 : vector<16xf32>
        %lt3A_99 = arith.constant 9.99999974E-5 : f32
        %lt3A_100 = vector.broadcast %lt3A_99 : f32 to vector<16xf32>
        %lt3A_101 = arith.cmpf olt, %add3A_98, %lt3A_100 : vector<16xf32>
        %lt3A_102 = arith.constant 1.000000e-03 : f32
        %lt3A_103 = vector.broadcast %lt3A_102 : f32 to vector<16xf32>
        %lt3A_104 = arith.cmpf olt, %add3A_98, %lt3A_103 : vector<16xf32>
        %lt3A_105 = arith.constant 0.00999999977 : f32
        %lt3A_106 = vector.broadcast %lt3A_105 : f32 to vector<16xf32>
        %lt3A_107 = arith.cmpf olt, %add3A_98, %lt3A_106 : vector<16xf32>
        %lt3A_108 = arith.constant 1.000000e-01 : f32
        %lt3A_109 = vector.broadcast %lt3A_108 : f32 to vector<16xf32>
        %lt3A_110 = arith.cmpf olt, %add3A_98, %lt3A_109 : vector<16xf32>
        %lt3A_111 = arith.constant 1.000000e+00 : f32
        %lt3A_112 = vector.broadcast %lt3A_111 : f32 to vector<16xf32>
        %lt3A_113 = arith.cmpf olt, %add3A_98, %lt3A_112 : vector<16xf32>
        %lt3A_114 = arith.constant 1.000000e+01 : f32
        %lt3A_115 = vector.broadcast %lt3A_114 : f32 to vector<16xf32>
        %lt3A_116 = arith.cmpf olt, %add3A_98, %lt3A_115 : vector<16xf32>
        %lt3A_117 = arith.constant 1.000000e+02 : f32
        %lt3A_118 = vector.broadcast %lt3A_117 : f32 to vector<16xf32>
        %lt3A_119 = arith.cmpf olt, %add3A_98, %lt3A_118 : vector<16xf32>
        %jit3A = arith.constant 5.600000e+00 : f32
        %jit3A_120 = arith.constant 1.780000e+01 : f32
        %broadcast_in_dim3A_121 = vector.broadcast %jit3A : f32 to vector<16xf32>
        %broadcast_in_dim3A_122 = vector.broadcast %jit3A_120 : f32 to vector<16xf32>
        %select_n3A = arith.select %lt3A_119, %broadcast_in_dim3A_121, %broadcast_in_dim3A_122 : vector<16xi1>, vector<16xf32>
        %jit3A_123 = arith.constant 1.780000e+00 : f32
        %broadcast_in_dim3A_124 = vector.broadcast %jit3A_123 : f32 to vector<16xf32>
        %select_n3A_125 = arith.select %lt3A_116, %broadcast_in_dim3A_124, %select_n3A : vector<16xi1>, vector<16xf32>
        %jit3A_126 = arith.constant 5.600000e-01 : f32
        %broadcast_in_dim3A_127 = vector.broadcast %jit3A_126 : f32 to vector<16xf32>
        %select_n3A_128 = arith.select %lt3A_113, %broadcast_in_dim3A_127, %select_n3A_125 : vector<16xi1>, vector<16xf32>
        %jit3A_129 = arith.constant 1.780000e-01 : f32
        %broadcast_in_dim3A_130 = vector.broadcast %jit3A_129 : f32 to vector<16xf32>
        %select_n3A_131 = arith.select %lt3A_110, %broadcast_in_dim3A_130, %select_n3A_128 : vector<16xi1>, vector<16xf32>
        %jit3A_132 = arith.constant 5.600000e-02 : f32
        %broadcast_in_dim3A_133 = vector.broadcast %jit3A_132 : f32 to vector<16xf32>
        %select_n3A_134 = arith.select %lt3A_107, %broadcast_in_dim3A_133, %select_n3A_131 : vector<16xi1>, vector<16xf32>
        %jit3A_135 = arith.constant 1.780000e-02 : f32
        %broadcast_in_dim3A_136 = vector.broadcast %jit3A_135 : f32 to vector<16xf32>
        %select_n3A_137 = arith.select %lt3A_104, %broadcast_in_dim3A_136, %select_n3A_134 : vector<16xi1>, vector<16xf32>
        %jit3A_138 = arith.constant 5.600000e-03 : f32
        %broadcast_in_dim3A_139 = vector.broadcast %jit3A_138 : f32 to vector<16xf32>
        %select_n3A_140 = arith.select %lt3A_101, %broadcast_in_dim3A_139, %select_n3A_137 : vector<16xi1>, vector<16xf32>
        %div3A = arith.divf %add3A_98, %select_n3A_140 : vector<16xf32>
        %add3A_141 = arith.addf %select_n3A_140, %div3A : vector<16xf32>
        %mul3A_142 = arith.constant 5.000000e-01 : f32
        %mul3A_143 = vector.broadcast %mul3A_142 : f32 to vector<16xf32>
        %mul3A_144 = arith.mulf %mul3A_143, %add3A_141 : vector<16xf32>
        %div3A_145 = arith.divf %add3A_98, %mul3A_144 : vector<16xf32>
        %add3A_146 = arith.addf %mul3A_144, %div3A_145 : vector<16xf32>
        %mul3A_147 = arith.constant 5.000000e-01 : f32
        %mul3A_148 = vector.broadcast %mul3A_147 : f32 to vector<16xf32>
        %mul3A_149 = arith.mulf %mul3A_148, %add3A_146 : vector<16xf32>
        %div3A_150 = arith.divf %add3A_98, %mul3A_149 : vector<16xf32>
        %add3A_151 = arith.addf %mul3A_149, %div3A_150 : vector<16xf32>
        %mul3A_152 = arith.constant 5.000000e-01 : f32
        %mul3A_153 = vector.broadcast %mul3A_152 : f32 to vector<16xf32>
        %mul3A_154 = arith.mulf %mul3A_153, %add3A_151 : vector<16xf32>
        %div3A_155 = arith.divf %add3A_98, %mul3A_154 : vector<16xf32>
        %add3A_156 = arith.addf %mul3A_154, %div3A_155 : vector<16xf32>
        %mul3A_157 = arith.constant 5.000000e-01 : f32
        %mul3A_158 = vector.broadcast %mul3A_157 : f32 to vector<16xf32>
        %mul3A_159 = arith.mulf %mul3A_158, %add3A_156 : vector<16xf32>
        %div3A_160 = arith.divf %add3A_98, %mul3A_159 : vector<16xf32>
        %add3A_161 = arith.addf %mul3A_159, %div3A_160 : vector<16xf32>
        %mul3A_162 = arith.constant 5.000000e-01 : f32
        %mul3A_163 = vector.broadcast %mul3A_162 : f32 to vector<16xf32>
        %mul3A_164 = arith.mulf %mul3A_163, %add3A_161 : vector<16xf32>
        %add3A_165 = arith.constant 9.99999997E-7 : f32
        %add3A_166 = vector.broadcast %add3A_165 : f32 to vector<16xf32>
        %add3A_167 = arith.addf %mul3A_164, %add3A_166 : vector<16xf32>
        %div3A_168 = arith.constant 1.000000e+00 : f32
        %div3A_169 = vector.broadcast %div3A_168 : f32 to vector<16xf32>
        %div3A_170 = arith.divf %div3A_169, %add3A_167 : vector<16xf32>
        %neg3A = arith.constant 0.000000e+00 : f32
        %neg3A_171 = vector.broadcast %neg3A : f32 to vector<16xf32>
        %neg3A_172 = arith.subf %neg3A_171, %div3A_170 : vector<16xf32>
        %exp3A = math.exp %neg3A_172 : vector<16xf32>
        %add3A_173 = arith.constant 1.000000e+00 : f32
        %add3A_174 = vector.broadcast %add3A_173 : f32 to vector<16xf32>
        %add3A_175 = arith.addf %add3A_174, %exp3A : vector<16xf32>
        %div3A_176 = arith.divf %get3A_44, %add3A_175 : vector<16xf32>
        %get3A_177 = arith.constant 4 : i32
        %get3A_178 = arith.index_cast %get3A_177 : i32 to index
        %get3A_179 = arith.index_cast %mul3A_27 : i32 to index
        %get3A_180 = tpu.vector_load %arg6[%get3A_178, %get3A_179] {strides = array<i32>} : memref<10x512xf32, #tpu.memory_space<vmem>>, vector<1x16xf32>,
        %get3A_181 = vector.shape_cast %get3A_180 : vector<1x16xf32> to vector<16xf32>
        %sub3A_182 = arith.subf %get3A_31, %get3A_181 : vector<16xf32>
        %get3A_183 = arith.constant 5 : i32
        %get3A_184 = arith.index_cast %get3A_183 : i32 to index
        %get3A_185 = arith.index_cast %mul3A_27 : i32 to index
        %get3A_186 = tpu.vector_load %arg6[%get3A_184, %get3A_185] {strides = array<i32>} : memref<10x512xf32, #tpu.memory_space<vmem>>, vector<1x16xf32>,
        %get3A_187 = vector.shape_cast %get3A_186 : vector<1x16xf32> to vector<16xf32>
        %sub3A_188 = arith.subf %get3A_36, %get3A_187 : vector<16xf32>
        %mul3A_189 = arith.mulf %sub3A_182, %sub3A_182 : vector<16xf32>
        %mul3A_190 = arith.mulf %sub3A_188, %sub3A_188 : vector<16xf32>
        %add3A_191 = arith.addf %mul3A_189, %mul3A_190 : vector<16xf32>
        %lt3A_192 = arith.constant 9.99999974E-5 : f32
        %lt3A_193 = vector.broadcast %lt3A_192 : f32 to vector<16xf32>
        %lt3A_194 = arith.cmpf olt, %add3A_191, %lt3A_193 : vector<16xf32>
        %lt3A_195 = arith.constant 1.000000e-03 : f32
        %lt3A_196 = vector.broadcast %lt3A_195 : f32 to vector<16xf32>
        %lt3A_197 = arith.cmpf olt, %add3A_191, %lt3A_196 : vector<16xf32>
        %lt3A_198 = arith.constant 0.00999999977 : f32
        %lt3A_199 = vector.broadcast %lt3A_198 : f32 to vector<16xf32>
        %lt3A_200 = arith.cmpf olt, %add3A_191, %lt3A_199 : vector<16xf32>
        %lt3A_201 = arith.constant 1.000000e-01 : f32
        %lt3A_202 = vector.broadcast %lt3A_201 : f32 to vector<16xf32>
        %lt3A_203 = arith.cmpf olt, %add3A_191, %lt3A_202 : vector<16xf32>
        %lt3A_204 = arith.constant 1.000000e+00 : f32
        %lt3A_205 = vector.broadcast %lt3A_204 : f32 to vector<16xf32>
        %lt3A_206 = arith.cmpf olt, %add3A_191, %lt3A_205 : vector<16xf32>
        %lt3A_207 = arith.constant 1.000000e+01 : f32
        %lt3A_208 = vector.broadcast %lt3A_207 : f32 to vector<16xf32>
        %lt3A_209 = arith.cmpf olt, %add3A_191, %lt3A_208 : vector<16xf32>
        %lt3A_210 = arith.constant 1.000000e+02 : f32
        %lt3A_211 = vector.broadcast %lt3A_210 : f32 to vector<16xf32>
        %lt3A_212 = arith.cmpf olt, %add3A_191, %lt3A_211 : vector<16xf32>
        %jit3A_213 = arith.constant 5.600000e+00 : f32
        %jit3A_214 = arith.constant 1.780000e+01 : f32
        %broadcast_in_dim3A_215 = vector.broadcast %jit3A_213 : f32 to vector<16xf32>
        %broadcast_in_dim3A_216 = vector.broadcast %jit3A_214 : f32 to vector<16xf32>
        %select_n3A_217 = arith.select %lt3A_212, %broadcast_in_dim3A_215, %broadcast_in_dim3A_216 : vector<16xi1>, vector<16xf32>
        %jit3A_218 = arith.constant 1.780000e+00 : f32
        %broadcast_in_dim3A_219 = vector.broadcast %jit3A_218 : f32 to vector<16xf32>
        %select_n3A_220 = arith.select %lt3A_209, %broadcast_in_dim3A_219, %select_n3A_217 : vector<16xi1>, vector<16xf32>
        %jit3A_221 = arith.constant 5.600000e-01 : f32
        %broadcast_in_dim3A_222 = vector.broadcast %jit3A_221 : f32 to vector<16xf32>
        %select_n3A_223 = arith.select %lt3A_206, %broadcast_in_dim3A_222, %select_n3A_220 : vector<16xi1>, vector<16xf32>
        %jit3A_224 = arith.constant 1.780000e-01 : f32
        %broadcast_in_dim3A_225 = vector.broadcast %jit3A_224 : f32 to vector<16xf32>
        %select_n3A_226 = arith.select %lt3A_203, %broadcast_in_dim3A_225, %select_n3A_223 : vector<16xi1>, vector<16xf32>
        %jit3A_227 = arith.constant 5.600000e-02 : f32
        %broadcast_in_dim3A_228 = vector.broadcast %jit3A_227 : f32 to vector<16xf32>
        %select_n3A_229 = arith.select %lt3A_200, %broadcast_in_dim3A_228, %select_n3A_226 : vector<16xi1>, vector<16xf32>
        %jit3A_230 = arith.constant 1.780000e-02 : f32
        %broadcast_in_dim3A_231 = vector.broadcast %jit3A_230 : f32 to vector<16xf32>
        %select_n3A_232 = arith.select %lt3A_197, %broadcast_in_dim3A_231, %select_n3A_229 : vector<16xi1>, vector<16xf32>
        %jit3A_233 = arith.constant 5.600000e-03 : f32
        %broadcast_in_dim3A_234 = vector.broadcast %jit3A_233 : f32 to vector<16xf32>
        %select_n3A_235 = arith.select %lt3A_194, %broadcast_in_dim3A_234, %select_n3A_232 : vector<16xi1>, vector<16xf32>
        %div3A_236 = arith.divf %add3A_191, %select_n3A_235 : vector<16xf32>
        %add3A_237 = arith.addf %select_n3A_235, %div3A_236 : vector<16xf32>
        %mul3A_238 = arith.constant 5.000000e-01 : f32
        %mul3A_239 = vector.broadcast %mul3A_238 : f32 to vector<16xf32>
        %mul3A_240 = arith.mulf %mul3A_239, %add3A_237 : vector<16xf32>
        %div3A_241 = arith.divf %add3A_191, %mul3A_240 : vector<16xf32>
        %add3A_242 = arith.addf %mul3A_240, %div3A_241 : vector<16xf32>
        %mul3A_243 = arith.constant 5.000000e-01 : f32
        %mul3A_244 = vector.broadcast %mul3A_243 : f32 to vector<16xf32>
        %mul3A_245 = arith.mulf %mul3A_244, %add3A_242 : vector<16xf32>
        %div3A_246 = arith.divf %add3A_191, %mul3A_245 : vector<16xf32>
        %add3A_247 = arith.addf %mul3A_245, %div3A_246 : vector<16xf32>
        %mul3A_248 = arith.constant 5.000000e-01 : f32
        %mul3A_249 = vector.broadcast %mul3A_248 : f32 to vector<16xf32>
        %mul3A_250 = arith.mulf %mul3A_249, %add3A_247 : vector<16xf32>
        %div3A_251 = arith.divf %add3A_191, %mul3A_250 : vector<16xf32>
        %add3A_252 = arith.addf %mul3A_250, %div3A_251 : vector<16xf32>
        %mul3A_253 = arith.constant 5.000000e-01 : f32
        %mul3A_254 = vector.broadcast %mul3A_253 : f32 to vector<16xf32>
        %mul3A_255 = arith.mulf %mul3A_254, %add3A_252 : vector<16xf32>
        %div3A_256 = arith.divf %add3A_191, %mul3A_255 : vector<16xf32>
        %add3A_257 = arith.addf %mul3A_255, %div3A_256 : vector<16xf32>
        %mul3A_258 = arith.constant 5.000000e-01 : f32
        %mul3A_259 = vector.broadcast %mul3A_258 : f32 to vector<16xf32>
        %mul3A_260 = arith.mulf %mul3A_259, %add3A_257 : vector<16xf32>
        %add3A_261 = arith.constant 9.99999997E-7 : f32
        %add3A_262 = vector.broadcast %add3A_261 : f32 to vector<16xf32>
        %add3A_263 = arith.addf %mul3A_260, %add3A_262 : vector<16xf32>
        %div3A_264 = arith.constant 1.000000e+00 : f32
        %div3A_265 = vector.broadcast %div3A_264 : f32 to vector<16xf32>
        %div3A_266 = arith.divf %div3A_265, %add3A_263 : vector<16xf32>
        %neg3A_267 = arith.constant 0.000000e+00 : f32
        %neg3A_268 = vector.broadcast %neg3A_267 : f32 to vector<16xf32>
        %neg3A_269 = arith.subf %neg3A_268, %div3A_266 : vector<16xf32>
        %exp3A_270 = math.exp %neg3A_269 : vector<16xf32>
        %add3A_271 = arith.constant 1.000000e+00 : f32
        %add3A_272 = vector.broadcast %add3A_271 : f32 to vector<16xf32>
        %add3A_273 = arith.addf %add3A_272, %exp3A_270 : vector<16xf32>
        %div3A_274 = arith.divf %get3A_52, %add3A_273 : vector<16xf32>
        %get3A_275 = arith.constant 6 : i32
        %get3A_276 = arith.index_cast %get3A_275 : i32 to index
        %get3A_277 = arith.index_cast %mul3A_27 : i32 to index
        %get3A_278 = tpu.vector_load %arg6[%get3A_276, %get3A_277] {strides = array<i32>} : memref<10x512xf32, #tpu.memory_space<vmem>>, vector<1x16xf32>,
        %get3A_279 = vector.shape_cast %get3A_278 : vector<1x16xf32> to vector<16xf32>
        %sub3A_280 = arith.subf %get3A_279, %get3A_31 : vector<16xf32>
        %get3A_281 = arith.constant 7 : i32
        %get3A_282 = arith.index_cast %get3A_281 : i32 to index
        %get3A_283 = arith.index_cast %mul3A_27 : i32 to index
        %get3A_284 = tpu.vector_load %arg6[%get3A_282, %get3A_283] {strides = array<i32>} : memref<10x512xf32, #tpu.memory_space<vmem>>, vector<1x16xf32>,
        %get3A_285 = vector.shape_cast %get3A_284 : vector<1x16xf32> to vector<16xf32>
        %sub3A_286 = arith.subf %get3A_285, %get3A_36 : vector<16xf32>
        %mul3A_287 = arith.mulf %sub3A_280, %sub3A_280 : vector<16xf32>
        %mul3A_288 = arith.mulf %sub3A_286, %sub3A_286 : vector<16xf32>
        %add3A_289 = arith.addf %mul3A_287, %mul3A_288 : vector<16xf32>
        %lt3A_290 = arith.constant 9.99999974E-5 : f32
        %lt3A_291 = vector.broadcast %lt3A_290 : f32 to vector<16xf32>
        %lt3A_292 = arith.cmpf olt, %add3A_289, %lt3A_291 : vector<16xf32>
        %lt3A_293 = arith.constant 1.000000e-03 : f32
        %lt3A_294 = vector.broadcast %lt3A_293 : f32 to vector<16xf32>
        %lt3A_295 = arith.cmpf olt, %add3A_289, %lt3A_294 : vector<16xf32>
        %lt3A_296 = arith.constant 0.00999999977 : f32
        %lt3A_297 = vector.broadcast %lt3A_296 : f32 to vector<16xf32>
        %lt3A_298 = arith.cmpf olt, %add3A_289, %lt3A_297 : vector<16xf32>
        %lt3A_299 = arith.constant 1.000000e-01 : f32
        %lt3A_300 = vector.broadcast %lt3A_299 : f32 to vector<16xf32>
        %lt3A_301 = arith.cmpf olt, %add3A_289, %lt3A_300 : vector<16xf32>
        %lt3A_302 = arith.constant 1.000000e+00 : f32
        %lt3A_303 = vector.broadcast %lt3A_302 : f32 to vector<16xf32>
        %lt3A_304 = arith.cmpf olt, %add3A_289, %lt3A_303 : vector<16xf32>
        %lt3A_305 = arith.constant 1.000000e+01 : f32
        %lt3A_306 = vector.broadcast %lt3A_305 : f32 to vector<16xf32>
        %lt3A_307 = arith.cmpf olt, %add3A_289, %lt3A_306 : vector<16xf32>
        %lt3A_308 = arith.constant 1.000000e+02 : f32
        %lt3A_309 = vector.broadcast %lt3A_308 : f32 to vector<16xf32>
        %lt3A_310 = arith.cmpf olt, %add3A_289, %lt3A_309 : vector<16xf32>
        %jit3A_311 = arith.constant 5.600000e+00 : f32
        %jit3A_312 = arith.constant 1.780000e+01 : f32
        %broadcast_in_dim3A_313 = vector.broadcast %jit3A_311 : f32 to vector<16xf32>
        %broadcast_in_dim3A_314 = vector.broadcast %jit3A_312 : f32 to vector<16xf32>
        %select_n3A_315 = arith.select %lt3A_310, %broadcast_in_dim3A_313, %broadcast_in_dim3A_314 : vector<16xi1>, vector<16xf32>
        %jit3A_316 = arith.constant 1.780000e+00 : f32
        %broadcast_in_dim3A_317 = vector.broadcast %jit3A_316 : f32 to vector<16xf32>
        %select_n3A_318 = arith.select %lt3A_307, %broadcast_in_dim3A_317, %select_n3A_315 : vector<16xi1>, vector<16xf32>
        %jit3A_319 = arith.constant 5.600000e-01 : f32
        %broadcast_in_dim3A_320 = vector.broadcast %jit3A_319 : f32 to vector<16xf32>
        %select_n3A_321 = arith.select %lt3A_304, %broadcast_in_dim3A_320, %select_n3A_318 : vector<16xi1>, vector<16xf32>
        %jit3A_322 = arith.constant 1.780000e-01 : f32
        %broadcast_in_dim3A_323 = vector.broadcast %jit3A_322 : f32 to vector<16xf32>
        %select_n3A_324 = arith.select %lt3A_301, %broadcast_in_dim3A_323, %select_n3A_321 : vector<16xi1>, vector<16xf32>
        %jit3A_325 = arith.constant 5.600000e-02 : f32
        %broadcast_in_dim3A_326 = vector.broadcast %jit3A_325 : f32 to vector<16xf32>
        %select_n3A_327 = arith.select %lt3A_298, %broadcast_in_dim3A_326, %select_n3A_324 : vector<16xi1>, vector<16xf32>
        %jit3A_328 = arith.constant 1.780000e-02 : f32
        %broadcast_in_dim3A_329 = vector.broadcast %jit3A_328 : f32 to vector<16xf32>
        %select_n3A_330 = arith.select %lt3A_295, %broadcast_in_dim3A_329, %select_n3A_327 : vector<16xi1>, vector<16xf32>
        %jit3A_331 = arith.constant 5.600000e-03 : f32
        %broadcast_in_dim3A_332 = vector.broadcast %jit3A_331 : f32 to vector<16xf32>
        %select_n3A_333 = arith.select %lt3A_292, %broadcast_in_dim3A_332, %select_n3A_330 : vector<16xi1>, vector<16xf32>
        %div3A_334 = arith.divf %add3A_289, %select_n3A_333 : vector<16xf32>
        %add3A_335 = arith.addf %select_n3A_333, %div3A_334 : vector<16xf32>
        %mul3A_336 = arith.constant 5.000000e-01 : f32
        %mul3A_337 = vector.broadcast %mul3A_336 : f32 to vector<16xf32>
        %mul3A_338 = arith.mulf %mul3A_337, %add3A_335 : vector<16xf32>
        %div3A_339 = arith.divf %add3A_289, %mul3A_338 : vector<16xf32>
        %add3A_340 = arith.addf %mul3A_338, %div3A_339 : vector<16xf32>
        %mul3A_341 = arith.constant 5.000000e-01 : f32
        %mul3A_342 = vector.broadcast %mul3A_341 : f32 to vector<16xf32>
        %mul3A_343 = arith.mulf %mul3A_342, %add3A_340 : vector<16xf32>
        %div3A_344 = arith.divf %add3A_289, %mul3A_343 : vector<16xf32>
        %add3A_345 = arith.addf %mul3A_343, %div3A_344 : vector<16xf32>
        %mul3A_346 = arith.constant 5.000000e-01 : f32
        %mul3A_347 = vector.broadcast %mul3A_346 : f32 to vector<16xf32>
        %mul3A_348 = arith.mulf %mul3A_347, %add3A_345 : vector<16xf32>
        %div3A_349 = arith.divf %add3A_289, %mul3A_348 : vector<16xf32>
        %add3A_350 = arith.addf %mul3A_348, %div3A_349 : vector<16xf32>
        %mul3A_351 = arith.constant 5.000000e-01 : f32
        %mul3A_352 = vector.broadcast %mul3A_351 : f32 to vector<16xf32>
        %mul3A_353 = arith.mulf %mul3A_352, %add3A_350 : vector<16xf32>
        %div3A_354 = arith.divf %add3A_289, %mul3A_353 : vector<16xf32>
        %add3A_355 = arith.addf %mul3A_353, %div3A_354 : vector<16xf32>
        %mul3A_356 = arith.constant 5.000000e-01 : f32
        %mul3A_357 = vector.broadcast %mul3A_356 : f32 to vector<16xf32>
        %mul3A_358 = arith.mulf %mul3A_357, %add3A_355 : vector<16xf32>
        %add3A_359 = arith.constant 9.99999997E-7 : f32
        %add3A_360 = vector.broadcast %add3A_359 : f32 to vector<16xf32>
        %add3A_361 = arith.addf %mul3A_358, %add3A_360 : vector<16xf32>
        %div3A_362 = arith.constant 1.000000e+00 : f32
        %div3A_363 = vector.broadcast %div3A_362 : f32 to vector<16xf32>
        %div3A_364 = arith.divf %div3A_363, %add3A_361 : vector<16xf32>
        %neg3A_365 = arith.constant 0.000000e+00 : f32
        %neg3A_366 = vector.broadcast %neg3A_365 : f32 to vector<16xf32>
        %neg3A_367 = arith.subf %neg3A_366, %div3A_364 : vector<16xf32>
        %exp3A_368 = math.exp %neg3A_367 : vector<16xf32>
        %add3A_369 = arith.constant 1.000000e+00 : f32
        %add3A_370 = vector.broadcast %add3A_369 : f32 to vector<16xf32>
        %add3A_371 = arith.addf %add3A_370, %exp3A_368 : vector<16xf32>
        %div3A_372 = arith.divf %get3A_68, %add3A_371 : vector<16xf32>
        %get3A_373 = arith.constant 8 : i32
        %get3A_374 = arith.index_cast %get3A_373 : i32 to index
        %get3A_375 = arith.index_cast %mul3A_27 : i32 to index
        %get3A_376 = tpu.vector_load %arg6[%get3A_374, %get3A_375] {strides = array<i32>} : memref<10x512xf32, #tpu.memory_space<vmem>>, vector<1x16xf32>,
        %get3A_377 = vector.shape_cast %get3A_376 : vector<1x16xf32> to vector<16xf32>
        %sub3A_378 = arith.subf %get3A_377, %get3A_31 : vector<16xf32>
        %get3A_379 = arith.constant 9 : i32
        %get3A_380 = arith.index_cast %get3A_379 : i32 to index
        %get3A_381 = arith.index_cast %mul3A_27 : i32 to index
        %get3A_382 = tpu.vector_load %arg6[%get3A_380, %get3A_381] {strides = array<i32>} : memref<10x512xf32, #tpu.memory_space<vmem>>, vector<1x16xf32>,
        %get3A_383 = vector.shape_cast %get3A_382 : vector<1x16xf32> to vector<16xf32>
        %sub3A_384 = arith.subf %get3A_383, %get3A_36 : vector<16xf32>
        %mul3A_385 = arith.mulf %sub3A_378, %sub3A_378 : vector<16xf32>
        %mul3A_386 = arith.mulf %sub3A_384, %sub3A_384 : vector<16xf32>
        %add3A_387 = arith.addf %mul3A_385, %mul3A_386 : vector<16xf32>
        %lt3A_388 = arith.constant 9.99999974E-5 : f32
        %lt3A_389 = vector.broadcast %lt3A_388 : f32 to vector<16xf32>
        %lt3A_390 = arith.cmpf olt, %add3A_387, %lt3A_389 : vector<16xf32>
        %lt3A_391 = arith.constant 1.000000e-03 : f32
        %lt3A_392 = vector.broadcast %lt3A_391 : f32 to vector<16xf32>
        %lt3A_393 = arith.cmpf olt, %add3A_387, %lt3A_392 : vector<16xf32>
        %lt3A_394 = arith.constant 0.00999999977 : f32
        %lt3A_395 = vector.broadcast %lt3A_394 : f32 to vector<16xf32>
        %lt3A_396 = arith.cmpf olt, %add3A_387, %lt3A_395 : vector<16xf32>
        %lt3A_397 = arith.constant 1.000000e-01 : f32
        %lt3A_398 = vector.broadcast %lt3A_397 : f32 to vector<16xf32>
        %lt3A_399 = arith.cmpf olt, %add3A_387, %lt3A_398 : vector<16xf32>
        %lt3A_400 = arith.constant 1.000000e+00 : f32
        %lt3A_401 = vector.broadcast %lt3A_400 : f32 to vector<16xf32>
        %lt3A_402 = arith.cmpf olt, %add3A_387, %lt3A_401 : vector<16xf32>
        %lt3A_403 = arith.constant 1.000000e+01 : f32
        %lt3A_404 = vector.broadcast %lt3A_403 : f32 to vector<16xf32>
        %lt3A_405 = arith.cmpf olt, %add3A_387, %lt3A_404 : vector<16xf32>
        %lt3A_406 = arith.constant 1.000000e+02 : f32
        %lt3A_407 = vector.broadcast %lt3A_406 : f32 to vector<16xf32>
        %lt3A_408 = arith.cmpf olt, %add3A_387, %lt3A_407 : vector<16xf32>
        %jit3A_409 = arith.constant 5.600000e+00 : f32
        %jit3A_410 = arith.constant 1.780000e+01 : f32
        %broadcast_in_dim3A_411 = vector.broadcast %jit3A_409 : f32 to vector<16xf32>
        %broadcast_in_dim3A_412 = vector.broadcast %jit3A_410 : f32 to vector<16xf32>
        %select_n3A_413 = arith.select %lt3A_408, %broadcast_in_dim3A_411, %broadcast_in_dim3A_412 : vector<16xi1>, vector<16xf32>
        %jit3A_414 = arith.constant 1.780000e+00 : f32
        %broadcast_in_dim3A_415 = vector.broadcast %jit3A_414 : f32 to vector<16xf32>
        %select_n3A_416 = arith.select %lt3A_405, %broadcast_in_dim3A_415, %select_n3A_413 : vector<16xi1>, vector<16xf32>
        %jit3A_417 = arith.constant 5.600000e-01 : f32
        %broadcast_in_dim3A_418 = vector.broadcast %jit3A_417 : f32 to vector<16xf32>
        %select_n3A_419 = arith.select %lt3A_402, %broadcast_in_dim3A_418, %select_n3A_416 : vector<16xi1>, vector<16xf32>
        %jit3A_420 = arith.constant 1.780000e-01 : f32
        %broadcast_in_dim3A_421 = vector.broadcast %jit3A_420 : f32 to vector<16xf32>
        %select_n3A_422 = arith.select %lt3A_399, %broadcast_in_dim3A_421, %select_n3A_419 : vector<16xi1>, vector<16xf32>
        %jit3A_423 = arith.constant 5.600000e-02 : f32
        %broadcast_in_dim3A_424 = vector.broadcast %jit3A_423 : f32 to vector<16xf32>
        %select_n3A_425 = arith.select %lt3A_396, %broadcast_in_dim3A_424, %select_n3A_422 : vector<16xi1>, vector<16xf32>
        %jit3A_426 = arith.constant 1.780000e-02 : f32
        %broadcast_in_dim3A_427 = vector.broadcast %jit3A_426 : f32 to vector<16xf32>
        %select_n3A_428 = arith.select %lt3A_393, %broadcast_in_dim3A_427, %select_n3A_425 : vector<16xi1>, vector<16xf32>
        %jit3A_429 = arith.constant 5.600000e-03 : f32
        %broadcast_in_dim3A_430 = vector.broadcast %jit3A_429 : f32 to vector<16xf32>
        %select_n3A_431 = arith.select %lt3A_390, %broadcast_in_dim3A_430, %select_n3A_428 : vector<16xi1>, vector<16xf32>
        %div3A_432 = arith.divf %add3A_387, %select_n3A_431 : vector<16xf32>
        %add3A_433 = arith.addf %select_n3A_431, %div3A_432 : vector<16xf32>
        %mul3A_434 = arith.constant 5.000000e-01 : f32
        %mul3A_435 = vector.broadcast %mul3A_434 : f32 to vector<16xf32>
        %mul3A_436 = arith.mulf %mul3A_435, %add3A_433 : vector<16xf32>
        %div3A_437 = arith.divf %add3A_387, %mul3A_436 : vector<16xf32>
        %add3A_438 = arith.addf %mul3A_436, %div3A_437 : vector<16xf32>
        %mul3A_439 = arith.constant 5.000000e-01 : f32
        %mul3A_440 = vector.broadcast %mul3A_439 : f32 to vector<16xf32>
        %mul3A_441 = arith.mulf %mul3A_440, %add3A_438 : vector<16xf32>
        %div3A_442 = arith.divf %add3A_387, %mul3A_441 : vector<16xf32>
        %add3A_443 = arith.addf %mul3A_441, %div3A_442 : vector<16xf32>
        %mul3A_444 = arith.constant 5.000000e-01 : f32
        %mul3A_445 = vector.broadcast %mul3A_444 : f32 to vector<16xf32>
        %mul3A_446 = arith.mulf %mul3A_445, %add3A_443 : vector<16xf32>
        %div3A_447 = arith.divf %add3A_387, %mul3A_446 : vector<16xf32>
        %add3A_448 = arith.addf %mul3A_446, %div3A_447 : vector<16xf32>
        %mul3A_449 = arith.constant 5.000000e-01 : f32
        %mul3A_450 = vector.broadcast %mul3A_449 : f32 to vector<16xf32>
        %mul3A_451 = arith.mulf %mul3A_450, %add3A_448 : vector<16xf32>
        %div3A_452 = arith.divf %add3A_387, %mul3A_451 : vector<16xf32>
        %add3A_453 = arith.addf %mul3A_451, %div3A_452 : vector<16xf32>
        %mul3A_454 = arith.constant 5.000000e-01 : f32
        %mul3A_455 = vector.broadcast %mul3A_454 : f32 to vector<16xf32>
        %mul3A_456 = arith.mulf %mul3A_455, %add3A_453 : vector<16xf32>
        %add3A_457 = arith.constant 9.99999997E-7 : f32
        %add3A_458 = vector.broadcast %add3A_457 : f32 to vector<16xf32>
        %add3A_459 = arith.addf %mul3A_456, %add3A_458 : vector<16xf32>
        %div3A_460 = arith.constant 1.000000e+00 : f32
        %div3A_461 = vector.broadcast %div3A_460 : f32 to vector<16xf32>
        %div3A_462 = arith.divf %div3A_461, %add3A_459 : vector<16xf32>
        %neg3A_463 = arith.constant 0.000000e+00 : f32
        %neg3A_464 = vector.broadcast %neg3A_463 : f32 to vector<16xf32>
        %neg3A_465 = arith.subf %neg3A_464, %div3A_462 : vector<16xf32>
        %exp3A_466 = math.exp %neg3A_465 : vector<16xf32>
        %add3A_467 = arith.constant 1.000000e+00 : f32
        %add3A_468 = vector.broadcast %add3A_467 : f32 to vector<16xf32>
        %add3A_469 = arith.addf %add3A_468, %exp3A_466 : vector<16xf32>
        %div3A_470 = arith.divf %get3A_76, %add3A_469 : vector<16xf32>
        %exp3A_471 = math.exp %div3A_176 : vector<16xf32>
        %mul3A_472 = arith.mulf %exp3A_471, %get3A_44 : vector<16xf32>
        %exp3A_473 = math.exp %div3A_274 : vector<16xf32>
        %mul3A_474 = arith.mulf %exp3A_473, %get3A_52 : vector<16xf32>
        %mul3A_475 = arith.mulf %mul3A_472, %get3A_60 : vector<16xf32>
        %swap3A_476 = arith.constant 0 : i32
        %swap3A_477 = arith.index_cast %swap3A_476 : i32 to index
        %swap3A_478 = arith.index_cast %mul3A_27 : i32 to index
        %swap3A_479 = tpu.vector_load %arg8[%swap3A_477, %swap3A_478] {strides = array<i32>} : memref<4x512xf32, #tpu.memory_space<vmem>>, vector<1x16xf32>,
        %swap3A_480 = vector.shape_cast %swap3A_479 : vector<1x16xf32> to vector<16xf32>
        %swap3A_481 = vector.shape_cast %mul3A_475 : vector<16xf32> to vector<1x16xf32>
        tpu.vector_store %arg8[%swap3A_477, %swap3A_478], %swap3A_481 {strides = array<i32>} : memref<4x512xf32, #tpu.memory_space<vmem>>, vector<1x16xf32>,
        %mul3A_482 = arith.mulf %mul3A_474, %get3A_60 : vector<16xf32>
        %swap3A_483 = arith.constant 1 : i32
        %swap3A_484 = arith.index_cast %swap3A_483 : i32 to index
        %swap3A_485 = arith.index_cast %mul3A_27 : i32 to index
        %swap3A_486 = tpu.vector_load %arg8[%swap3A_484, %swap3A_485] {strides = array<i32>} : memref<4x512xf32, #tpu.memory_space<vmem>>, vector<1x16xf32>,
        %swap3A_487 = vector.shape_cast %swap3A_486 : vector<1x16xf32> to vector<16xf32>
        %swap3A_488 = vector.shape_cast %mul3A_482 : vector<16xf32> to vector<1x16xf32>
        tpu.vector_store %arg8[%swap3A_484, %swap3A_485], %swap3A_488 {strides = array<i32>} : memref<4x512xf32, #tpu.memory_space<vmem>>, vector<1x16xf32>,
        %add3A_489 = arith.addf %div3A_176, %div3A_274 : vector<16xf32>
        %add3A_490 = arith.addf %add3A_489, %div3A_372 : vector<16xf32>
        %add3A_491 = arith.addf %add3A_490, %div3A_470 : vector<16xf32>
        %mul3A_492 = arith.mulf %add3A_491, %get3A_84 : vector<16xf32>
        %swap3A_493 = arith.constant 2 : i32
        %swap3A_494 = arith.index_cast %swap3A_493 : i32 to index
        %swap3A_495 = arith.index_cast %mul3A_27 : i32 to index
        %swap3A_496 = tpu.vector_load %arg8[%swap3A_494, %swap3A_495] {strides = array<i32>} : memref<4x512xf32, #tpu.memory_space<vmem>>, vector<1x16xf32>,
        %swap3A_497 = vector.shape_cast %swap3A_496 : vector<1x16xf32> to vector<16xf32>
        %swap3A_498 = vector.shape_cast %mul3A_492 : vector<16xf32> to vector<1x16xf32>
        tpu.vector_store %arg8[%swap3A_494, %swap3A_495], %swap3A_498 {strides = array<i32>} : memref<4x512xf32, #tpu.memory_space<vmem>>, vector<1x16xf32>,
        %swap3A_499 = arith.constant 3 : i32
        %swap3A_500 = arith.index_cast %swap3A_499 : i32 to index
        %swap3A_501 = arith.index_cast %mul3A_27 : i32 to index
        %swap3A_502 = tpu.vector_load %arg8[%swap3A_500, %swap3A_501] {strides = array<i32>} : memref<4x512xf32, #tpu.memory_space<vmem>>, vector<1x16xf32>,
        %swap3A_503 = vector.shape_cast %swap3A_502 : vector<1x16xf32> to vector<16xf32>
        %swap3A_504 = vector.shape_cast %mul3A_492 : vector<16xf32> to vector<1x16xf32>
        tpu.vector_store %arg8[%swap3A_500, %swap3A_501], %swap3A_504 {strides = array<i32>} : memref<4x512xf32, #tpu.memory_space<vmem>>, vector<1x16xf32>,
        %add3A_505 = arith.addf %scan3A_25, %mul3A_472 : vector<16xf32>
        %add3A_506 = arith.addf %add3A_505, %mul3A_474 : vector<16xf32>
        scf.yield %add3A_506 : vector<16xf32>
      }
      %scan3A_20 = arith.constant 24 : i32
      %swap3A = arith.constant 0 : index
      %swap3A_21 = tpu.vector_load %arg9[%swap3A] {strides = array<i32>} : memref<16xf32, #tpu.memory_space<vmem>>, vector<16xf32>,
      %swap3A_22 = vector.shape_cast %swap3A_21 : vector<16xf32> to vector<16xf32>
      %swap3A_23 = vector.shape_cast %scan3A_19 : vector<16xf32> to vector<16xf32>
      tpu.vector_store %arg9[%swap3A], %swap3A_23 {strides = array<i32>} : memref<16xf32, #tpu.memory_space<vmem>>, vector<16xf32>,
      "tpu.region"() ({
        %run_scoped3A = tpu.sem_alloc : memref<!tpu.dma_semaphore, #tpu.memory_space<semaphore_mem>>
        %dma_start3A = arith.constant 0 : i32
        %dma_start3A_24 = arith.constant 0 : i32
        %dma_start3A_25 = tpu.memref_slice %arg8[%dma_start3A, %dma_start3A_24] : memref<4x512xf32, #tpu.memory_space<vmem>> -> memref<4x384xf32, #tpu.memory_space<vmem>>
        %dma_start3A_26 = arith.constant 0 : i32
        %dma_start3A_27 = arith.constant 0 : i32
        %dma_start3A_28 = tpu.memref_slice %arg4[%shift_right_arithmetic3A_1, %dma_start3A_26, %dma_start3A_27] : memref<8x4x896xf32, #tpu.memory_space<hbm>> -> memref<1x4x384xf32, #tpu.memory_space<hbm>>
        %dma_start3A_29 = tpu.memref_squeeze %dma_start3A_28 : memref<1x4x384xf32, #tpu.memory_space<hbm>> -> memref<4x384xf32, #tpu.memory_space<hbm>>
        %dma_start3A_30 = arith.constant 0 : i32
        %dma_start3A_31 = arith.constant 0 : i32
        %dma_start3A_32 = tpu.memref_slice %arg4[%shift_right_arithmetic3A_1, %dma_start3A_30, %dma_start3A_31] : memref<8x4x896xf32, #tpu.memory_space<hbm>> -> memref<1x4x384xf32, #tpu.memory_space<hbm>>
        %dma_start3A_33 = tpu.memref_squeeze %dma_start3A_32 : memref<1x4x384xf32, #tpu.memory_space<hbm>> -> memref<4x384xf32, #tpu.memory_space<hbm>>
        %dma_start3A_34 = arith.constant 0 : i32
        %dma_start3A_35 = arith.constant 0 : i32
        %dma_start3A_36 = tpu.memref_slice %arg8[%dma_start3A_34, %dma_start3A_35] : memref<4x512xf32, #tpu.memory_space<vmem>> -> memref<4x384xf32, #tpu.memory_space<vmem>>
        tpu.enqueue_dma source(%dma_start3A_36 : memref<4x384xf32, #tpu.memory_space<vmem>>) target(%dma_start3A_33 : memref<4x384xf32, #tpu.memory_space<hbm>>) target_semaphore(%run_scoped3A : memref<!tpu.dma_semaphore, #tpu.memory_space<semaphore_mem>>)
        %dma_wait3A = arith.constant 0 : i32
        %dma_wait3A_37 = arith.constant 0 : i32
        %dma_wait3A_38 = tpu.memref_slice %arg8[%dma_wait3A, %dma_wait3A_37] : memref<4x512xf32, #tpu.memory_space<vmem>> -> memref<4x384xf32, #tpu.memory_space<vmem>>
        %dma_wait3A_39 = arith.constant 0 : i32
        %dma_wait3A_40 = arith.constant 0 : i32
        %dma_wait3A_41 = tpu.memref_slice %arg4[%shift_right_arithmetic3A_1, %dma_wait3A_39, %dma_wait3A_40] : memref<8x4x896xf32, #tpu.memory_space<hbm>> -> memref<1x4x384xf32, #tpu.memory_space<hbm>>
        %dma_wait3A_42 = tpu.memref_squeeze %dma_wait3A_41 : memref<1x4x384xf32, #tpu.memory_space<hbm>> -> memref<4x384xf32, #tpu.memory_space<hbm>>
        %dma_wait3A_43 = arith.constant 0 : i32
        %dma_wait3A_44 = arith.constant 0 : i32
        %dma_wait3A_45 = tpu.memref_slice %arg4[%shift_right_arithmetic3A_1, %dma_wait3A_43, %dma_wait3A_44] : memref<8x4x896xf32, #tpu.memory_space<hbm>> -> memref<1x4x384xf32, #tpu.memory_space<hbm>>
        %dma_wait3A_46 = tpu.memref_squeeze %dma_wait3A_45 : memref<1x4x384xf32, #tpu.memory_space<hbm>> -> memref<4x384xf32, #tpu.memory_space<hbm>>
        %dma_wait3A_47 = arith.constant 0 : i32
        %dma_wait3A_48 = arith.constant 0 : i32
        %dma_wait3A_49 = tpu.memref_slice %arg8[%dma_wait3A_47, %dma_wait3A_48] : memref<4x512xf32, #tpu.memory_space<vmem>> -> memref<4x384xf32, #tpu.memory_space<vmem>>
        tpu.wait_dma2 semaphore(%run_scoped3A : memref<!tpu.dma_semaphore, #tpu.memory_space<semaphore_mem>>) src(%dma_wait3A_49 : memref<4x384xf32, #tpu.memory_space<vmem>>) dst(%dma_wait3A_46 : memref<4x384xf32, #tpu.memory_space<hbm>>)
        tpu.yield
      }) : () -> ()
      "tpu.region"() ({
        %run_scoped3A = tpu.sem_alloc : memref<!tpu.dma_semaphore, #tpu.memory_space<semaphore_mem>>
        %dma_start3A = arith.constant 0 : i32
        %dma_start3A_24 = tpu.memref_slice %arg5[%add3A, %dma_start3A] : memref<16x16xf32, #tpu.memory_space<hbm>> -> memref<1x16xf32, #tpu.memory_space<hbm>>
        %dma_start3A_25 = tpu.memref_squeeze %dma_start3A_24 : memref<1x16xf32, #tpu.memory_space<hbm>> -> memref<16xf32, #tpu.memory_space<hbm>>
        %dma_start3A_26 = arith.constant 0 : i32
        %dma_start3A_27 = tpu.memref_slice %arg5[%add3A, %dma_start3A_26] : memref<16x16xf32, #tpu.memory_space<hbm>> -> memref<1x16xf32, #tpu.memory_space<hbm>>
        %dma_start3A_28 = tpu.memref_squeeze %dma_start3A_27 : memref<1x16xf32, #tpu.memory_space<hbm>> -> memref<16xf32, #tpu.memory_space<hbm>>
        tpu.enqueue_dma source(%arg9 : memref<16xf32, #tpu.memory_space<vmem>>) target(%dma_start3A_28 : memref<16xf32, #tpu.memory_space<hbm>>) target_semaphore(%run_scoped3A : memref<!tpu.dma_semaphore, #tpu.memory_space<semaphore_mem>>)
        %dma_wait3A = arith.constant 0 : i32
        %dma_wait3A_29 = tpu.memref_slice %arg5[%add3A, %dma_wait3A] : memref<16x16xf32, #tpu.memory_space<hbm>> -> memref<1x16xf32, #tpu.memory_space<hbm>>
        %dma_wait3A_30 = tpu.memref_squeeze %dma_wait3A_29 : memref<1x16xf32, #tpu.memory_space<hbm>> -> memref<16xf32, #tpu.memory_space<hbm>>
        %dma_wait3A_31 = arith.constant 0 : i32
        %dma_wait3A_32 = tpu.memref_slice %arg5[%add3A, %dma_wait3A_31] : memref<16x16xf32, #tpu.memory_space<hbm>> -> memref<1x16xf32, #tpu.memory_space<hbm>>
        %dma_wait3A_33 = tpu.memref_squeeze %dma_wait3A_32 : memref<1x16xf32, #tpu.memory_space<hbm>> -> memref<16xf32, #tpu.memory_space<hbm>>
        tpu.wait_dma2 semaphore(%run_scoped3A : memref<!tpu.dma_semaphore, #tpu.memory_space<semaphore_mem>>) src(%arg9 : memref<16xf32, #tpu.memory_space<vmem>>) dst(%dma_wait3A_33 : memref<16xf32, #tpu.memory_space<hbm>>)
        tpu.yield
      }) : () -> ()
    } else {
    }
    %lt3A_7 = arith.constant 16 : i32
    %lt3A_8 = arith.cmpi slt, %add3A, %lt3A_7 : i32
    %eq3A_9 = arith.constant 1 : i32
    %eq3A_10 = arith.cmpi eq, %and3A_2, %eq3A_9 : i32
    %and3A_11 = arith.andi %lt3A_8, %eq3A_10 : i1
    %convert_element_type3A_12 = arith.extui %and3A_11 : i1 to i32
    %cond3A_13 = arith.constant 0 : i32
    %cond3A_14 = arith.cmpi ne, %convert_element_type3A_12, %cond3A_13 : i32
    scf.if %cond3A_14 {
      "tpu.region"() ({
        %run_scoped3A = tpu.sem_alloc : memref<!tpu.dma_semaphore, #tpu.memory_space<semaphore_mem>>
        %dma_start3A = arith.constant 0 : i32
        %dma_start3A_24 = arith.constant 0 : i32
        %dma_start3A_25 = tpu.memref_slice %arg6[%dma_start3A, %dma_start3A_24] : memref<10x512xf32, #tpu.memory_space<vmem>> -> memref<10x512xf32, #tpu.memory_space<vmem>>
        %dma_start3A_26 = arith.constant 0 : i32
        %dma_start3A_27 = arith.constant 384 : i32
        %dma_start3A_28 = tpu.memref_slice %arg2[%shift_right_arithmetic3A_1, %dma_start3A_26, %dma_start3A_27] : memref<8x10x896xf32, #tpu.memory_space<hbm>> -> memref<1x10x512xf32, #tpu.memory_space<hbm>>
        %dma_start3A_29 = tpu.memref_squeeze %dma_start3A_28 : memref<1x10x512xf32, #tpu.memory_space<hbm>> -> memref<10x512xf32, #tpu.memory_space<hbm>>
        %dma_start3A_30 = arith.constant 0 : i32
        %dma_start3A_31 = arith.constant 0 : i32
        %dma_start3A_32 = tpu.memref_slice %arg6[%dma_start3A_30, %dma_start3A_31] : memref<10x512xf32, #tpu.memory_space<vmem>> -> memref<10x512xf32, #tpu.memory_space<vmem>>
        %dma_start3A_33 = arith.constant 0 : i32
        %dma_start3A_34 = arith.constant 384 : i32
        %dma_start3A_35 = tpu.memref_slice %arg2[%shift_right_arithmetic3A_1, %dma_start3A_33, %dma_start3A_34] : memref<8x10x896xf32, #tpu.memory_space<hbm>> -> memref<1x10x512xf32, #tpu.memory_space<hbm>>
        %dma_start3A_36 = tpu.memref_squeeze %dma_start3A_35 : memref<1x10x512xf32, #tpu.memory_space<hbm>> -> memref<10x512xf32, #tpu.memory_space<hbm>>
        tpu.enqueue_dma source(%dma_start3A_36 : memref<10x512xf32, #tpu.memory_space<hbm>>) target(%dma_start3A_32 : memref<10x512xf32, #tpu.memory_space<vmem>>) target_semaphore(%run_scoped3A : memref<!tpu.dma_semaphore, #tpu.memory_space<semaphore_mem>>)
        %dma_wait3A = arith.constant 0 : i32
        %dma_wait3A_37 = arith.constant 0 : i32
        %dma_wait3A_38 = tpu.memref_slice %arg6[%dma_wait3A, %dma_wait3A_37] : memref<10x512xf32, #tpu.memory_space<vmem>> -> memref<10x512xf32, #tpu.memory_space<vmem>>
        %dma_wait3A_39 = arith.constant 0 : i32
        %dma_wait3A_40 = arith.constant 384 : i32
        %dma_wait3A_41 = tpu.memref_slice %arg2[%shift_right_arithmetic3A_1, %dma_wait3A_39, %dma_wait3A_40] : memref<8x10x896xf32, #tpu.memory_space<hbm>> -> memref<1x10x512xf32, #tpu.memory_space<hbm>>
        %dma_wait3A_42 = tpu.memref_squeeze %dma_wait3A_41 : memref<1x10x512xf32, #tpu.memory_space<hbm>> -> memref<10x512xf32, #tpu.memory_space<hbm>>
        %dma_wait3A_43 = arith.constant 0 : i32
        %dma_wait3A_44 = arith.constant 0 : i32
        %dma_wait3A_45 = tpu.memref_slice %arg6[%dma_wait3A_43, %dma_wait3A_44] : memref<10x512xf32, #tpu.memory_space<vmem>> -> memref<10x512xf32, #tpu.memory_space<vmem>>
        %dma_wait3A_46 = arith.constant 0 : i32
        %dma_wait3A_47 = arith.constant 384 : i32
        %dma_wait3A_48 = tpu.memref_slice %arg2[%shift_right_arithmetic3A_1, %dma_wait3A_46, %dma_wait3A_47] : memref<8x10x896xf32, #tpu.memory_space<hbm>> -> memref<1x10x512xf32, #tpu.memory_space<hbm>>
        %dma_wait3A_49 = tpu.memref_squeeze %dma_wait3A_48 : memref<1x10x512xf32, #tpu.memory_space<hbm>> -> memref<10x512xf32, #tpu.memory_space<hbm>>
        tpu.wait_dma2 semaphore(%run_scoped3A : memref<!tpu.dma_semaphore, #tpu.memory_space<semaphore_mem>>) src(%dma_wait3A_49 : memref<10x512xf32, #tpu.memory_space<hbm>>) dst(%dma_wait3A_45 : memref<10x512xf32, #tpu.memory_space<vmem>>)
        tpu.yield
      }) : () -> ()
      "tpu.region"() ({
        %run_scoped3A = tpu.sem_alloc : memref<!tpu.dma_semaphore, #tpu.memory_space<semaphore_mem>>
        tpu.enqueue_dma source(%arg3 : memref<294x16xf32, #tpu.memory_space<hbm>>) target(%arg7 : memref<294x16xf32, #tpu.memory_space<vmem>>) target_semaphore(%run_scoped3A : memref<!tpu.dma_semaphore, #tpu.memory_space<semaphore_mem>>)
        tpu.wait_dma2 semaphore(%run_scoped3A : memref<!tpu.dma_semaphore, #tpu.memory_space<semaphore_mem>>) src(%arg3 : memref<294x16xf32, #tpu.memory_space<hbm>>) dst(%arg7 : memref<294x16xf32, #tpu.memory_space<vmem>>)
        tpu.yield
      }) : () -> ()
      %broadcast_in_dim3A = arith.constant 0.000000e+00 : f32
      %broadcast_in_dim3A_15 = vector.broadcast %broadcast_in_dim3A : f32 to vector<16xf32>
      %scan3A = arith.constant 0 : i32
      %scan3A_16 = arith.constant 25 : i32
      %scan3A_17 = arith.addi %scan3A, %scan3A_16 : i32
      %scan3A_18 = arith.constant 1 : i32
      %scan3A_19 = scf.for %scan3A_24 = %scan3A to %scan3A_17 step %scan3A_18 iter_args(%scan3A_25 = %broadcast_in_dim3A_15) -> (vector<16xf32>)  : i32 {
        %mul3A_26 = arith.constant 16 : i32
        %mul3A_27 = arith.muli %mul3A_26, %scan3A_24 : i32
        %get3A = arith.constant 0 : i32
        %get3A_28 = arith.index_cast %get3A : i32 to index
        %get3A_29 = arith.index_cast %mul3A_27 : i32 to index
        %get3A_30 = tpu.vector_load %arg6[%get3A_28, %get3A_29] {strides = array<i32>} : memref<10x512xf32, #tpu.memory_space<vmem>>, vector<1x16xf32>,
        %get3A_31 = vector.shape_cast %get3A_30 : vector<1x16xf32> to vector<16xf32>
        %get3A_32 = arith.constant 1 : i32
        %get3A_33 = arith.index_cast %get3A_32 : i32 to index
        %get3A_34 = arith.index_cast %mul3A_27 : i32 to index
        %get3A_35 = tpu.vector_load %arg6[%get3A_33, %get3A_34] {strides = array<i32>} : memref<10x512xf32, #tpu.memory_space<vmem>>, vector<1x16xf32>,
        %get3A_36 = vector.shape_cast %get3A_35 : vector<1x16xf32> to vector<16xf32>
        %add3A_37 = arith.constant 24 : i32
        %add3A_38 = arith.addi %add3A_37, %scan3A_24 : i32
        %mul3A_39 = arith.constant 6 : i32
        %mul3A_40 = arith.muli %mul3A_39, %add3A_38 : i32
        %get3A_41 = arith.index_cast %mul3A_40 : i32 to index
        %get3A_42 = arith.constant 0 : index
        %get3A_43 = tpu.vector_load %arg7[%get3A_41, %get3A_42] {strides = array<i32>} : memref<294x16xf32, #tpu.memory_space<vmem>>, vector<1x16xf32>,
        %get3A_44 = vector.shape_cast %get3A_43 : vector<1x16xf32> to vector<16xf32>
        %mul3A_45 = arith.constant 6 : i32
        %mul3A_46 = arith.muli %mul3A_45, %add3A_38 : i32
        %add3A_47 = arith.constant 1 : i32
        %add3A_48 = arith.addi %mul3A_46, %add3A_47 : i32
        %get3A_49 = arith.index_cast %add3A_48 : i32 to index
        %get3A_50 = arith.constant 0 : index
        %get3A_51 = tpu.vector_load %arg7[%get3A_49, %get3A_50] {strides = array<i32>} : memref<294x16xf32, #tpu.memory_space<vmem>>, vector<1x16xf32>,
        %get3A_52 = vector.shape_cast %get3A_51 : vector<1x16xf32> to vector<16xf32>
        %mul3A_53 = arith.constant 6 : i32
        %mul3A_54 = arith.muli %mul3A_53, %add3A_38 : i32
        %add3A_55 = arith.constant 2 : i32
        %add3A_56 = arith.addi %mul3A_54, %add3A_55 : i32
        %get3A_57 = arith.index_cast %add3A_56 : i32 to index
        %get3A_58 = arith.constant 0 : index
        %get3A_59 = tpu.vector_load %arg7[%get3A_57, %get3A_58] {strides = array<i32>} : memref<294x16xf32, #tpu.memory_space<vmem>>, vector<1x16xf32>,
        %get3A_60 = vector.shape_cast %get3A_59 : vector<1x16xf32> to vector<16xf32>
        %mul3A_61 = arith.constant 6 : i32
        %mul3A_62 = arith.muli %mul3A_61, %add3A_38 : i32
        %add3A_63 = arith.constant 3 : i32
        %add3A_64 = arith.addi %mul3A_62, %add3A_63 : i32
        %get3A_65 = arith.index_cast %add3A_64 : i32 to index
        %get3A_66 = arith.constant 0 : index
        %get3A_67 = tpu.vector_load %arg7[%get3A_65, %get3A_66] {strides = array<i32>} : memref<294x16xf32, #tpu.memory_space<vmem>>, vector<1x16xf32>,
        %get3A_68 = vector.shape_cast %get3A_67 : vector<1x16xf32> to vector<16xf32>
        %mul3A_69 = arith.constant 6 : i32
        %mul3A_70 = arith.muli %mul3A_69, %add3A_38 : i32
        %add3A_71 = arith.constant 4 : i32
        %add3A_72 = arith.addi %mul3A_70, %add3A_71 : i32
        %get3A_73 = arith.index_cast %add3A_72 : i32 to index
        %get3A_74 = arith.constant 0 : index
        %get3A_75 = tpu.vector_load %arg7[%get3A_73, %get3A_74] {strides = array<i32>} : memref<294x16xf32, #tpu.memory_space<vmem>>, vector<1x16xf32>,
        %get3A_76 = vector.shape_cast %get3A_75 : vector<1x16xf32> to vector<16xf32>
        %mul3A_77 = arith.constant 6 : i32
        %mul3A_78 = arith.muli %mul3A_77, %add3A_38 : i32
        %add3A_79 = arith.constant 5 : i32
        %add3A_80 = arith.addi %mul3A_78, %add3A_79 : i32
        %get3A_81 = arith.index_cast %add3A_80 : i32 to index
        %get3A_82 = arith.constant 0 : index
        %get3A_83 = tpu.vector_load %arg7[%get3A_81, %get3A_82] {strides = array<i32>} : memref<294x16xf32, #tpu.memory_space<vmem>>, vector<1x16xf32>,
        %get3A_84 = vector.shape_cast %get3A_83 : vector<1x16xf32> to vector<16xf32>
        %get3A_85 = arith.constant 2 : i32
        %get3A_86 = arith.index_cast %get3A_85 : i32 to index
        %get3A_87 = arith.index_cast %mul3A_27 : i32 to index
        %get3A_88 = tpu.vector_load %arg6[%get3A_86, %get3A_87] {strides = array<i32>} : memref<10x512xf32, #tpu.memory_space<vmem>>, vector<1x16xf32>,
        %get3A_89 = vector.shape_cast %get3A_88 : vector<1x16xf32> to vector<16xf32>
        %sub3A = arith.subf %get3A_31, %get3A_89 : vector<16xf32>
        %get3A_90 = arith.constant 3 : i32
        %get3A_91 = arith.index_cast %get3A_90 : i32 to index
        %get3A_92 = arith.index_cast %mul3A_27 : i32 to index
        %get3A_93 = tpu.vector_load %arg6[%get3A_91, %get3A_92] {strides = array<i32>} : memref<10x512xf32, #tpu.memory_space<vmem>>, vector<1x16xf32>,
        %get3A_94 = vector.shape_cast %get3A_93 : vector<1x16xf32> to vector<16xf32>
        %sub3A_95 = arith.subf %get3A_36, %get3A_94 : vector<16xf32>
        %mul3A_96 = arith.mulf %sub3A, %sub3A : vector<16xf32>
        %mul3A_97 = arith.mulf %sub3A_95, %sub3A_95 : vector<16xf32>
        %add3A_98 = arith.addf %mul3A_96, %mul3A_97 : vector<16xf32>
        %lt3A_99 = arith.constant 9.99999974E-5 : f32
        %lt3A_100 = vector.broadcast %lt3A_99 : f32 to vector<16xf32>
        %lt3A_101 = arith.cmpf olt, %add3A_98, %lt3A_100 : vector<16xf32>
        %lt3A_102 = arith.constant 1.000000e-03 : f32
        %lt3A_103 = vector.broadcast %lt3A_102 : f32 to vector<16xf32>
        %lt3A_104 = arith.cmpf olt, %add3A_98, %lt3A_103 : vector<16xf32>
        %lt3A_105 = arith.constant 0.00999999977 : f32
        %lt3A_106 = vector.broadcast %lt3A_105 : f32 to vector<16xf32>
        %lt3A_107 = arith.cmpf olt, %add3A_98, %lt3A_106 : vector<16xf32>
        %lt3A_108 = arith.constant 1.000000e-01 : f32
        %lt3A_109 = vector.broadcast %lt3A_108 : f32 to vector<16xf32>
        %lt3A_110 = arith.cmpf olt, %add3A_98, %lt3A_109 : vector<16xf32>
        %lt3A_111 = arith.constant 1.000000e+00 : f32
        %lt3A_112 = vector.broadcast %lt3A_111 : f32 to vector<16xf32>
        %lt3A_113 = arith.cmpf olt, %add3A_98, %lt3A_112 : vector<16xf32>
        %lt3A_114 = arith.constant 1.000000e+01 : f32
        %lt3A_115 = vector.broadcast %lt3A_114 : f32 to vector<16xf32>
        %lt3A_116 = arith.cmpf olt, %add3A_98, %lt3A_115 : vector<16xf32>
        %lt3A_117 = arith.constant 1.000000e+02 : f32
        %lt3A_118 = vector.broadcast %lt3A_117 : f32 to vector<16xf32>
        %lt3A_119 = arith.cmpf olt, %add3A_98, %lt3A_118 : vector<16xf32>
        %jit3A = arith.constant 5.600000e+00 : f32
        %jit3A_120 = arith.constant 1.780000e+01 : f32
        %broadcast_in_dim3A_121 = vector.broadcast %jit3A : f32 to vector<16xf32>
        %broadcast_in_dim3A_122 = vector.broadcast %jit3A_120 : f32 to vector<16xf32>
        %select_n3A = arith.select %lt3A_119, %broadcast_in_dim3A_121, %broadcast_in_dim3A_122 : vector<16xi1>, vector<16xf32>
        %jit3A_123 = arith.constant 1.780000e+00 : f32
        %broadcast_in_dim3A_124 = vector.broadcast %jit3A_123 : f32 to vector<16xf32>
        %select_n3A_125 = arith.select %lt3A_116, %broadcast_in_dim3A_124, %select_n3A : vector<16xi1>, vector<16xf32>
        %jit3A_126 = arith.constant 5.600000e-01 : f32
        %broadcast_in_dim3A_127 = vector.broadcast %jit3A_126 : f32 to vector<16xf32>
        %select_n3A_128 = arith.select %lt3A_113, %broadcast_in_dim3A_127, %select_n3A_125 : vector<16xi1>, vector<16xf32>
        %jit3A_129 = arith.constant 1.780000e-01 : f32
        %broadcast_in_dim3A_130 = vector.broadcast %jit3A_129 : f32 to vector<16xf32>
        %select_n3A_131 = arith.select %lt3A_110, %broadcast_in_dim3A_130, %select_n3A_128 : vector<16xi1>, vector<16xf32>
        %jit3A_132 = arith.constant 5.600000e-02 : f32
        %broadcast_in_dim3A_133 = vector.broadcast %jit3A_132 : f32 to vector<16xf32>
        %select_n3A_134 = arith.select %lt3A_107, %broadcast_in_dim3A_133, %select_n3A_131 : vector<16xi1>, vector<16xf32>
        %jit3A_135 = arith.constant 1.780000e-02 : f32
        %broadcast_in_dim3A_136 = vector.broadcast %jit3A_135 : f32 to vector<16xf32>
        %select_n3A_137 = arith.select %lt3A_104, %broadcast_in_dim3A_136, %select_n3A_134 : vector<16xi1>, vector<16xf32>
        %jit3A_138 = arith.constant 5.600000e-03 : f32
        %broadcast_in_dim3A_139 = vector.broadcast %jit3A_138 : f32 to vector<16xf32>
        %select_n3A_140 = arith.select %lt3A_101, %broadcast_in_dim3A_139, %select_n3A_137 : vector<16xi1>, vector<16xf32>
        %div3A = arith.divf %add3A_98, %select_n3A_140 : vector<16xf32>
        %add3A_141 = arith.addf %select_n3A_140, %div3A : vector<16xf32>
        %mul3A_142 = arith.constant 5.000000e-01 : f32
        %mul3A_143 = vector.broadcast %mul3A_142 : f32 to vector<16xf32>
        %mul3A_144 = arith.mulf %mul3A_143, %add3A_141 : vector<16xf32>
        %div3A_145 = arith.divf %add3A_98, %mul3A_144 : vector<16xf32>
        %add3A_146 = arith.addf %mul3A_144, %div3A_145 : vector<16xf32>
        %mul3A_147 = arith.constant 5.000000e-01 : f32
        %mul3A_148 = vector.broadcast %mul3A_147 : f32 to vector<16xf32>
        %mul3A_149 = arith.mulf %mul3A_148, %add3A_146 : vector<16xf32>
        %div3A_150 = arith.divf %add3A_98, %mul3A_149 : vector<16xf32>
        %add3A_151 = arith.addf %mul3A_149, %div3A_150 : vector<16xf32>
        %mul3A_152 = arith.constant 5.000000e-01 : f32
        %mul3A_153 = vector.broadcast %mul3A_152 : f32 to vector<16xf32>
        %mul3A_154 = arith.mulf %mul3A_153, %add3A_151 : vector<16xf32>
        %div3A_155 = arith.divf %add3A_98, %mul3A_154 : vector<16xf32>
        %add3A_156 = arith.addf %mul3A_154, %div3A_155 : vector<16xf32>
        %mul3A_157 = arith.constant 5.000000e-01 : f32
        %mul3A_158 = vector.broadcast %mul3A_157 : f32 to vector<16xf32>
        %mul3A_159 = arith.mulf %mul3A_158, %add3A_156 : vector<16xf32>
        %div3A_160 = arith.divf %add3A_98, %mul3A_159 : vector<16xf32>
        %add3A_161 = arith.addf %mul3A_159, %div3A_160 : vector<16xf32>
        %mul3A_162 = arith.constant 5.000000e-01 : f32
        %mul3A_163 = vector.broadcast %mul3A_162 : f32 to vector<16xf32>
        %mul3A_164 = arith.mulf %mul3A_163, %add3A_161 : vector<16xf32>
        %add3A_165 = arith.constant 9.99999997E-7 : f32
        %add3A_166 = vector.broadcast %add3A_165 : f32 to vector<16xf32>
        %add3A_167 = arith.addf %mul3A_164, %add3A_166 : vector<16xf32>
        %div3A_168 = arith.constant 1.000000e+00 : f32
        %div3A_169 = vector.broadcast %div3A_168 : f32 to vector<16xf32>
        %div3A_170 = arith.divf %div3A_169, %add3A_167 : vector<16xf32>
        %neg3A = arith.constant 0.000000e+00 : f32
        %neg3A_171 = vector.broadcast %neg3A : f32 to vector<16xf32>
        %neg3A_172 = arith.subf %neg3A_171, %div3A_170 : vector<16xf32>
        %exp3A = math.exp %neg3A_172 : vector<16xf32>
        %add3A_173 = arith.constant 1.000000e+00 : f32
        %add3A_174 = vector.broadcast %add3A_173 : f32 to vector<16xf32>
        %add3A_175 = arith.addf %add3A_174, %exp3A : vector<16xf32>
        %div3A_176 = arith.divf %get3A_44, %add3A_175 : vector<16xf32>
        %get3A_177 = arith.constant 4 : i32
        %get3A_178 = arith.index_cast %get3A_177 : i32 to index
        %get3A_179 = arith.index_cast %mul3A_27 : i32 to index
        %get3A_180 = tpu.vector_load %arg6[%get3A_178, %get3A_179] {strides = array<i32>} : memref<10x512xf32, #tpu.memory_space<vmem>>, vector<1x16xf32>,
        %get3A_181 = vector.shape_cast %get3A_180 : vector<1x16xf32> to vector<16xf32>
        %sub3A_182 = arith.subf %get3A_31, %get3A_181 : vector<16xf32>
        %get3A_183 = arith.constant 5 : i32
        %get3A_184 = arith.index_cast %get3A_183 : i32 to index
        %get3A_185 = arith.index_cast %mul3A_27 : i32 to index
        %get3A_186 = tpu.vector_load %arg6[%get3A_184, %get3A_185] {strides = array<i32>} : memref<10x512xf32, #tpu.memory_space<vmem>>, vector<1x16xf32>,
        %get3A_187 = vector.shape_cast %get3A_186 : vector<1x16xf32> to vector<16xf32>
        %sub3A_188 = arith.subf %get3A_36, %get3A_187 : vector<16xf32>
        %mul3A_189 = arith.mulf %sub3A_182, %sub3A_182 : vector<16xf32>
        %mul3A_190 = arith.mulf %sub3A_188, %sub3A_188 : vector<16xf32>
        %add3A_191 = arith.addf %mul3A_189, %mul3A_190 : vector<16xf32>
        %lt3A_192 = arith.constant 9.99999974E-5 : f32
        %lt3A_193 = vector.broadcast %lt3A_192 : f32 to vector<16xf32>
        %lt3A_194 = arith.cmpf olt, %add3A_191, %lt3A_193 : vector<16xf32>
        %lt3A_195 = arith.constant 1.000000e-03 : f32
        %lt3A_196 = vector.broadcast %lt3A_195 : f32 to vector<16xf32>
        %lt3A_197 = arith.cmpf olt, %add3A_191, %lt3A_196 : vector<16xf32>
        %lt3A_198 = arith.constant 0.00999999977 : f32
        %lt3A_199 = vector.broadcast %lt3A_198 : f32 to vector<16xf32>
        %lt3A_200 = arith.cmpf olt, %add3A_191, %lt3A_199 : vector<16xf32>
        %lt3A_201 = arith.constant 1.000000e-01 : f32
        %lt3A_202 = vector.broadcast %lt3A_201 : f32 to vector<16xf32>
        %lt3A_203 = arith.cmpf olt, %add3A_191, %lt3A_202 : vector<16xf32>
        %lt3A_204 = arith.constant 1.000000e+00 : f32
        %lt3A_205 = vector.broadcast %lt3A_204 : f32 to vector<16xf32>
        %lt3A_206 = arith.cmpf olt, %add3A_191, %lt3A_205 : vector<16xf32>
        %lt3A_207 = arith.constant 1.000000e+01 : f32
        %lt3A_208 = vector.broadcast %lt3A_207 : f32 to vector<16xf32>
        %lt3A_209 = arith.cmpf olt, %add3A_191, %lt3A_208 : vector<16xf32>
        %lt3A_210 = arith.constant 1.000000e+02 : f32
        %lt3A_211 = vector.broadcast %lt3A_210 : f32 to vector<16xf32>
        %lt3A_212 = arith.cmpf olt, %add3A_191, %lt3A_211 : vector<16xf32>
        %jit3A_213 = arith.constant 5.600000e+00 : f32
        %jit3A_214 = arith.constant 1.780000e+01 : f32
        %broadcast_in_dim3A_215 = vector.broadcast %jit3A_213 : f32 to vector<16xf32>
        %broadcast_in_dim3A_216 = vector.broadcast %jit3A_214 : f32 to vector<16xf32>
        %select_n3A_217 = arith.select %lt3A_212, %broadcast_in_dim3A_215, %broadcast_in_dim3A_216 : vector<16xi1>, vector<16xf32>
        %jit3A_218 = arith.constant 1.780000e+00 : f32
        %broadcast_in_dim3A_219 = vector.broadcast %jit3A_218 : f32 to vector<16xf32>
        %select_n3A_220 = arith.select %lt3A_209, %broadcast_in_dim3A_219, %select_n3A_217 : vector<16xi1>, vector<16xf32>
        %jit3A_221 = arith.constant 5.600000e-01 : f32
        %broadcast_in_dim3A_222 = vector.broadcast %jit3A_221 : f32 to vector<16xf32>
        %select_n3A_223 = arith.select %lt3A_206, %broadcast_in_dim3A_222, %select_n3A_220 : vector<16xi1>, vector<16xf32>
        %jit3A_224 = arith.constant 1.780000e-01 : f32
        %broadcast_in_dim3A_225 = vector.broadcast %jit3A_224 : f32 to vector<16xf32>
        %select_n3A_226 = arith.select %lt3A_203, %broadcast_in_dim3A_225, %select_n3A_223 : vector<16xi1>, vector<16xf32>
        %jit3A_227 = arith.constant 5.600000e-02 : f32
        %broadcast_in_dim3A_228 = vector.broadcast %jit3A_227 : f32 to vector<16xf32>
        %select_n3A_229 = arith.select %lt3A_200, %broadcast_in_dim3A_228, %select_n3A_226 : vector<16xi1>, vector<16xf32>
        %jit3A_230 = arith.constant 1.780000e-02 : f32
        %broadcast_in_dim3A_231 = vector.broadcast %jit3A_230 : f32 to vector<16xf32>
        %select_n3A_232 = arith.select %lt3A_197, %broadcast_in_dim3A_231, %select_n3A_229 : vector<16xi1>, vector<16xf32>
        %jit3A_233 = arith.constant 5.600000e-03 : f32
        %broadcast_in_dim3A_234 = vector.broadcast %jit3A_233 : f32 to vector<16xf32>
        %select_n3A_235 = arith.select %lt3A_194, %broadcast_in_dim3A_234, %select_n3A_232 : vector<16xi1>, vector<16xf32>
        %div3A_236 = arith.divf %add3A_191, %select_n3A_235 : vector<16xf32>
        %add3A_237 = arith.addf %select_n3A_235, %div3A_236 : vector<16xf32>
        %mul3A_238 = arith.constant 5.000000e-01 : f32
        %mul3A_239 = vector.broadcast %mul3A_238 : f32 to vector<16xf32>
        %mul3A_240 = arith.mulf %mul3A_239, %add3A_237 : vector<16xf32>
        %div3A_241 = arith.divf %add3A_191, %mul3A_240 : vector<16xf32>
        %add3A_242 = arith.addf %mul3A_240, %div3A_241 : vector<16xf32>
        %mul3A_243 = arith.constant 5.000000e-01 : f32
        %mul3A_244 = vector.broadcast %mul3A_243 : f32 to vector<16xf32>
        %mul3A_245 = arith.mulf %mul3A_244, %add3A_242 : vector<16xf32>
        %div3A_246 = arith.divf %add3A_191, %mul3A_245 : vector<16xf32>
        %add3A_247 = arith.addf %mul3A_245, %div3A_246 : vector<16xf32>
        %mul3A_248 = arith.constant 5.000000e-01 : f32
        %mul3A_249 = vector.broadcast %mul3A_248 : f32 to vector<16xf32>
        %mul3A_250 = arith.mulf %mul3A_249, %add3A_247 : vector<16xf32>
        %div3A_251 = arith.divf %add3A_191, %mul3A_250 : vector<16xf32>
        %add3A_252 = arith.addf %mul3A_250, %div3A_251 : vector<16xf32>
        %mul3A_253 = arith.constant 5.000000e-01 : f32
        %mul3A_254 = vector.broadcast %mul3A_253 : f32 to vector<16xf32>
        %mul3A_255 = arith.mulf %mul3A_254, %add3A_252 : vector<16xf32>
        %div3A_256 = arith.divf %add3A_191, %mul3A_255 : vector<16xf32>
        %add3A_257 = arith.addf %mul3A_255, %div3A_256 : vector<16xf32>
        %mul3A_258 = arith.constant 5.000000e-01 : f32
        %mul3A_259 = vector.broadcast %mul3A_258 : f32 to vector<16xf32>
        %mul3A_260 = arith.mulf %mul3A_259, %add3A_257 : vector<16xf32>
        %add3A_261 = arith.constant 9.99999997E-7 : f32
        %add3A_262 = vector.broadcast %add3A_261 : f32 to vector<16xf32>
        %add3A_263 = arith.addf %mul3A_260, %add3A_262 : vector<16xf32>
        %div3A_264 = arith.constant 1.000000e+00 : f32
        %div3A_265 = vector.broadcast %div3A_264 : f32 to vector<16xf32>
        %div3A_266 = arith.divf %div3A_265, %add3A_263 : vector<16xf32>
        %neg3A_267 = arith.constant 0.000000e+00 : f32
        %neg3A_268 = vector.broadcast %neg3A_267 : f32 to vector<16xf32>
        %neg3A_269 = arith.subf %neg3A_268, %div3A_266 : vector<16xf32>
        %exp3A_270 = math.exp %neg3A_269 : vector<16xf32>
        %add3A_271 = arith.constant 1.000000e+00 : f32
        %add3A_272 = vector.broadcast %add3A_271 : f32 to vector<16xf32>
        %add3A_273 = arith.addf %add3A_272, %exp3A_270 : vector<16xf32>
        %div3A_274 = arith.divf %get3A_52, %add3A_273 : vector<16xf32>
        %get3A_275 = arith.constant 6 : i32
        %get3A_276 = arith.index_cast %get3A_275 : i32 to index
        %get3A_277 = arith.index_cast %mul3A_27 : i32 to index
        %get3A_278 = tpu.vector_load %arg6[%get3A_276, %get3A_277] {strides = array<i32>} : memref<10x512xf32, #tpu.memory_space<vmem>>, vector<1x16xf32>,
        %get3A_279 = vector.shape_cast %get3A_278 : vector<1x16xf32> to vector<16xf32>
        %sub3A_280 = arith.subf %get3A_279, %get3A_31 : vector<16xf32>
        %get3A_281 = arith.constant 7 : i32
        %get3A_282 = arith.index_cast %get3A_281 : i32 to index
        %get3A_283 = arith.index_cast %mul3A_27 : i32 to index
        %get3A_284 = tpu.vector_load %arg6[%get3A_282, %get3A_283] {strides = array<i32>} : memref<10x512xf32, #tpu.memory_space<vmem>>, vector<1x16xf32>,
        %get3A_285 = vector.shape_cast %get3A_284 : vector<1x16xf32> to vector<16xf32>
        %sub3A_286 = arith.subf %get3A_285, %get3A_36 : vector<16xf32>
        %mul3A_287 = arith.mulf %sub3A_280, %sub3A_280 : vector<16xf32>
        %mul3A_288 = arith.mulf %sub3A_286, %sub3A_286 : vector<16xf32>
        %add3A_289 = arith.addf %mul3A_287, %mul3A_288 : vector<16xf32>
        %lt3A_290 = arith.constant 9.99999974E-5 : f32
        %lt3A_291 = vector.broadcast %lt3A_290 : f32 to vector<16xf32>
        %lt3A_292 = arith.cmpf olt, %add3A_289, %lt3A_291 : vector<16xf32>
        %lt3A_293 = arith.constant 1.000000e-03 : f32
        %lt3A_294 = vector.broadcast %lt3A_293 : f32 to vector<16xf32>
        %lt3A_295 = arith.cmpf olt, %add3A_289, %lt3A_294 : vector<16xf32>
        %lt3A_296 = arith.constant 0.00999999977 : f32
        %lt3A_297 = vector.broadcast %lt3A_296 : f32 to vector<16xf32>
        %lt3A_298 = arith.cmpf olt, %add3A_289, %lt3A_297 : vector<16xf32>
        %lt3A_299 = arith.constant 1.000000e-01 : f32
        %lt3A_300 = vector.broadcast %lt3A_299 : f32 to vector<16xf32>
        %lt3A_301 = arith.cmpf olt, %add3A_289, %lt3A_300 : vector<16xf32>
        %lt3A_302 = arith.constant 1.000000e+00 : f32
        %lt3A_303 = vector.broadcast %lt3A_302 : f32 to vector<16xf32>
        %lt3A_304 = arith.cmpf olt, %add3A_289, %lt3A_303 : vector<16xf32>
        %lt3A_305 = arith.constant 1.000000e+01 : f32
        %lt3A_306 = vector.broadcast %lt3A_305 : f32 to vector<16xf32>
        %lt3A_307 = arith.cmpf olt, %add3A_289, %lt3A_306 : vector<16xf32>
        %lt3A_308 = arith.constant 1.000000e+02 : f32
        %lt3A_309 = vector.broadcast %lt3A_308 : f32 to vector<16xf32>
        %lt3A_310 = arith.cmpf olt, %add3A_289, %lt3A_309 : vector<16xf32>
        %jit3A_311 = arith.constant 5.600000e+00 : f32
        %jit3A_312 = arith.constant 1.780000e+01 : f32
        %broadcast_in_dim3A_313 = vector.broadcast %jit3A_311 : f32 to vector<16xf32>
        %broadcast_in_dim3A_314 = vector.broadcast %jit3A_312 : f32 to vector<16xf32>
        %select_n3A_315 = arith.select %lt3A_310, %broadcast_in_dim3A_313, %broadcast_in_dim3A_314 : vector<16xi1>, vector<16xf32>
        %jit3A_316 = arith.constant 1.780000e+00 : f32
        %broadcast_in_dim3A_317 = vector.broadcast %jit3A_316 : f32 to vector<16xf32>
        %select_n3A_318 = arith.select %lt3A_307, %broadcast_in_dim3A_317, %select_n3A_315 : vector<16xi1>, vector<16xf32>
        %jit3A_319 = arith.constant 5.600000e-01 : f32
        %broadcast_in_dim3A_320 = vector.broadcast %jit3A_319 : f32 to vector<16xf32>
        %select_n3A_321 = arith.select %lt3A_304, %broadcast_in_dim3A_320, %select_n3A_318 : vector<16xi1>, vector<16xf32>
        %jit3A_322 = arith.constant 1.780000e-01 : f32
        %broadcast_in_dim3A_323 = vector.broadcast %jit3A_322 : f32 to vector<16xf32>
        %select_n3A_324 = arith.select %lt3A_301, %broadcast_in_dim3A_323, %select_n3A_321 : vector<16xi1>, vector<16xf32>
        %jit3A_325 = arith.constant 5.600000e-02 : f32
        %broadcast_in_dim3A_326 = vector.broadcast %jit3A_325 : f32 to vector<16xf32>
        %select_n3A_327 = arith.select %lt3A_298, %broadcast_in_dim3A_326, %select_n3A_324 : vector<16xi1>, vector<16xf32>
        %jit3A_328 = arith.constant 1.780000e-02 : f32
        %broadcast_in_dim3A_329 = vector.broadcast %jit3A_328 : f32 to vector<16xf32>
        %select_n3A_330 = arith.select %lt3A_295, %broadcast_in_dim3A_329, %select_n3A_327 : vector<16xi1>, vector<16xf32>
        %jit3A_331 = arith.constant 5.600000e-03 : f32
        %broadcast_in_dim3A_332 = vector.broadcast %jit3A_331 : f32 to vector<16xf32>
        %select_n3A_333 = arith.select %lt3A_292, %broadcast_in_dim3A_332, %select_n3A_330 : vector<16xi1>, vector<16xf32>
        %div3A_334 = arith.divf %add3A_289, %select_n3A_333 : vector<16xf32>
        %add3A_335 = arith.addf %select_n3A_333, %div3A_334 : vector<16xf32>
        %mul3A_336 = arith.constant 5.000000e-01 : f32
        %mul3A_337 = vector.broadcast %mul3A_336 : f32 to vector<16xf32>
        %mul3A_338 = arith.mulf %mul3A_337, %add3A_335 : vector<16xf32>
        %div3A_339 = arith.divf %add3A_289, %mul3A_338 : vector<16xf32>
        %add3A_340 = arith.addf %mul3A_338, %div3A_339 : vector<16xf32>
        %mul3A_341 = arith.constant 5.000000e-01 : f32
        %mul3A_342 = vector.broadcast %mul3A_341 : f32 to vector<16xf32>
        %mul3A_343 = arith.mulf %mul3A_342, %add3A_340 : vector<16xf32>
        %div3A_344 = arith.divf %add3A_289, %mul3A_343 : vector<16xf32>
        %add3A_345 = arith.addf %mul3A_343, %div3A_344 : vector<16xf32>
        %mul3A_346 = arith.constant 5.000000e-01 : f32
        %mul3A_347 = vector.broadcast %mul3A_346 : f32 to vector<16xf32>
        %mul3A_348 = arith.mulf %mul3A_347, %add3A_345 : vector<16xf32>
        %div3A_349 = arith.divf %add3A_289, %mul3A_348 : vector<16xf32>
        %add3A_350 = arith.addf %mul3A_348, %div3A_349 : vector<16xf32>
        %mul3A_351 = arith.constant 5.000000e-01 : f32
        %mul3A_352 = vector.broadcast %mul3A_351 : f32 to vector<16xf32>
        %mul3A_353 = arith.mulf %mul3A_352, %add3A_350 : vector<16xf32>
        %div3A_354 = arith.divf %add3A_289, %mul3A_353 : vector<16xf32>
        %add3A_355 = arith.addf %mul3A_353, %div3A_354 : vector<16xf32>
        %mul3A_356 = arith.constant 5.000000e-01 : f32
        %mul3A_357 = vector.broadcast %mul3A_356 : f32 to vector<16xf32>
        %mul3A_358 = arith.mulf %mul3A_357, %add3A_355 : vector<16xf32>
        %add3A_359 = arith.constant 9.99999997E-7 : f32
        %add3A_360 = vector.broadcast %add3A_359 : f32 to vector<16xf32>
        %add3A_361 = arith.addf %mul3A_358, %add3A_360 : vector<16xf32>
        %div3A_362 = arith.constant 1.000000e+00 : f32
        %div3A_363 = vector.broadcast %div3A_362 : f32 to vector<16xf32>
        %div3A_364 = arith.divf %div3A_363, %add3A_361 : vector<16xf32>
        %neg3A_365 = arith.constant 0.000000e+00 : f32
        %neg3A_366 = vector.broadcast %neg3A_365 : f32 to vector<16xf32>
        %neg3A_367 = arith.subf %neg3A_366, %div3A_364 : vector<16xf32>
        %exp3A_368 = math.exp %neg3A_367 : vector<16xf32>
        %add3A_369 = arith.constant 1.000000e+00 : f32
        %add3A_370 = vector.broadcast %add3A_369 : f32 to vector<16xf32>
        %add3A_371 = arith.addf %add3A_370, %exp3A_368 : vector<16xf32>
        %div3A_372 = arith.divf %get3A_68, %add3A_371 : vector<16xf32>
        %get3A_373 = arith.constant 8 : i32
        %get3A_374 = arith.index_cast %get3A_373 : i32 to index
        %get3A_375 = arith.index_cast %mul3A_27 : i32 to index
        %get3A_376 = tpu.vector_load %arg6[%get3A_374, %get3A_375] {strides = array<i32>} : memref<10x512xf32, #tpu.memory_space<vmem>>, vector<1x16xf32>,
        %get3A_377 = vector.shape_cast %get3A_376 : vector<1x16xf32> to vector<16xf32>
        %sub3A_378 = arith.subf %get3A_377, %get3A_31 : vector<16xf32>
        %get3A_379 = arith.constant 9 : i32
        %get3A_380 = arith.index_cast %get3A_379 : i32 to index
        %get3A_381 = arith.index_cast %mul3A_27 : i32 to index
        %get3A_382 = tpu.vector_load %arg6[%get3A_380, %get3A_381] {strides = array<i32>} : memref<10x512xf32, #tpu.memory_space<vmem>>, vector<1x16xf32>,
        %get3A_383 = vector.shape_cast %get3A_382 : vector<1x16xf32> to vector<16xf32>
        %sub3A_384 = arith.subf %get3A_383, %get3A_36 : vector<16xf32>
        %mul3A_385 = arith.mulf %sub3A_378, %sub3A_378 : vector<16xf32>
        %mul3A_386 = arith.mulf %sub3A_384, %sub3A_384 : vector<16xf32>
        %add3A_387 = arith.addf %mul3A_385, %mul3A_386 : vector<16xf32>
        %lt3A_388 = arith.constant 9.99999974E-5 : f32
        %lt3A_389 = vector.broadcast %lt3A_388 : f32 to vector<16xf32>
        %lt3A_390 = arith.cmpf olt, %add3A_387, %lt3A_389 : vector<16xf32>
        %lt3A_391 = arith.constant 1.000000e-03 : f32
        %lt3A_392 = vector.broadcast %lt3A_391 : f32 to vector<16xf32>
        %lt3A_393 = arith.cmpf olt, %add3A_387, %lt3A_392 : vector<16xf32>
        %lt3A_394 = arith.constant 0.00999999977 : f32
        %lt3A_395 = vector.broadcast %lt3A_394 : f32 to vector<16xf32>
        %lt3A_396 = arith.cmpf olt, %add3A_387, %lt3A_395 : vector<16xf32>
        %lt3A_397 = arith.constant 1.000000e-01 : f32
        %lt3A_398 = vector.broadcast %lt3A_397 : f32 to vector<16xf32>
        %lt3A_399 = arith.cmpf olt, %add3A_387, %lt3A_398 : vector<16xf32>
        %lt3A_400 = arith.constant 1.000000e+00 : f32
        %lt3A_401 = vector.broadcast %lt3A_400 : f32 to vector<16xf32>
        %lt3A_402 = arith.cmpf olt, %add3A_387, %lt3A_401 : vector<16xf32>
        %lt3A_403 = arith.constant 1.000000e+01 : f32
        %lt3A_404 = vector.broadcast %lt3A_403 : f32 to vector<16xf32>
        %lt3A_405 = arith.cmpf olt, %add3A_387, %lt3A_404 : vector<16xf32>
        %lt3A_406 = arith.constant 1.000000e+02 : f32
        %lt3A_407 = vector.broadcast %lt3A_406 : f32 to vector<16xf32>
        %lt3A_408 = arith.cmpf olt, %add3A_387, %lt3A_407 : vector<16xf32>
        %jit3A_409 = arith.constant 5.600000e+00 : f32
        %jit3A_410 = arith.constant 1.780000e+01 : f32
        %broadcast_in_dim3A_411 = vector.broadcast %jit3A_409 : f32 to vector<16xf32>
        %broadcast_in_dim3A_412 = vector.broadcast %jit3A_410 : f32 to vector<16xf32>
        %select_n3A_413 = arith.select %lt3A_408, %broadcast_in_dim3A_411, %broadcast_in_dim3A_412 : vector<16xi1>, vector<16xf32>
        %jit3A_414 = arith.constant 1.780000e+00 : f32
        %broadcast_in_dim3A_415 = vector.broadcast %jit3A_414 : f32 to vector<16xf32>
        %select_n3A_416 = arith.select %lt3A_405, %broadcast_in_dim3A_415, %select_n3A_413 : vector<16xi1>, vector<16xf32>
        %jit3A_417 = arith.constant 5.600000e-01 : f32
        %broadcast_in_dim3A_418 = vector.broadcast %jit3A_417 : f32 to vector<16xf32>
        %select_n3A_419 = arith.select %lt3A_402, %broadcast_in_dim3A_418, %select_n3A_416 : vector<16xi1>, vector<16xf32>
        %jit3A_420 = arith.constant 1.780000e-01 : f32
        %broadcast_in_dim3A_421 = vector.broadcast %jit3A_420 : f32 to vector<16xf32>
        %select_n3A_422 = arith.select %lt3A_399, %broadcast_in_dim3A_421, %select_n3A_419 : vector<16xi1>, vector<16xf32>
        %jit3A_423 = arith.constant 5.600000e-02 : f32
        %broadcast_in_dim3A_424 = vector.broadcast %jit3A_423 : f32 to vector<16xf32>
        %select_n3A_425 = arith.select %lt3A_396, %broadcast_in_dim3A_424, %select_n3A_422 : vector<16xi1>, vector<16xf32>
        %jit3A_426 = arith.constant 1.780000e-02 : f32
        %broadcast_in_dim3A_427 = vector.broadcast %jit3A_426 : f32 to vector<16xf32>
        %select_n3A_428 = arith.select %lt3A_393, %broadcast_in_dim3A_427, %select_n3A_425 : vector<16xi1>, vector<16xf32>
        %jit3A_429 = arith.constant 5.600000e-03 : f32
        %broadcast_in_dim3A_430 = vector.broadcast %jit3A_429 : f32 to vector<16xf32>
        %select_n3A_431 = arith.select %lt3A_390, %broadcast_in_dim3A_430, %select_n3A_428 : vector<16xi1>, vector<16xf32>
        %div3A_432 = arith.divf %add3A_387, %select_n3A_431 : vector<16xf32>
        %add3A_433 = arith.addf %select_n3A_431, %div3A_432 : vector<16xf32>
        %mul3A_434 = arith.constant 5.000000e-01 : f32
        %mul3A_435 = vector.broadcast %mul3A_434 : f32 to vector<16xf32>
        %mul3A_436 = arith.mulf %mul3A_435, %add3A_433 : vector<16xf32>
        %div3A_437 = arith.divf %add3A_387, %mul3A_436 : vector<16xf32>
        %add3A_438 = arith.addf %mul3A_436, %div3A_437 : vector<16xf32>
        %mul3A_439 = arith.constant 5.000000e-01 : f32
        %mul3A_440 = vector.broadcast %mul3A_439 : f32 to vector<16xf32>
        %mul3A_441 = arith.mulf %mul3A_440, %add3A_438 : vector<16xf32>
        %div3A_442 = arith.divf %add3A_387, %mul3A_441 : vector<16xf32>
        %add3A_443 = arith.addf %mul3A_441, %div3A_442 : vector<16xf32>
        %mul3A_444 = arith.constant 5.000000e-01 : f32
        %mul3A_445 = vector.broadcast %mul3A_444 : f32 to vector<16xf32>
        %mul3A_446 = arith.mulf %mul3A_445, %add3A_443 : vector<16xf32>
        %div3A_447 = arith.divf %add3A_387, %mul3A_446 : vector<16xf32>
        %add3A_448 = arith.addf %mul3A_446, %div3A_447 : vector<16xf32>
        %mul3A_449 = arith.constant 5.000000e-01 : f32
        %mul3A_450 = vector.broadcast %mul3A_449 : f32 to vector<16xf32>
        %mul3A_451 = arith.mulf %mul3A_450, %add3A_448 : vector<16xf32>
        %div3A_452 = arith.divf %add3A_387, %mul3A_451 : vector<16xf32>
        %add3A_453 = arith.addf %mul3A_451, %div3A_452 : vector<16xf32>
        %mul3A_454 = arith.constant 5.000000e-01 : f32
        %mul3A_455 = vector.broadcast %mul3A_454 : f32 to vector<16xf32>
        %mul3A_456 = arith.mulf %mul3A_455, %add3A_453 : vector<16xf32>
        %add3A_457 = arith.constant 9.99999997E-7 : f32
        %add3A_458 = vector.broadcast %add3A_457 : f32 to vector<16xf32>
        %add3A_459 = arith.addf %mul3A_456, %add3A_458 : vector<16xf32>
        %div3A_460 = arith.constant 1.000000e+00 : f32
        %div3A_461 = vector.broadcast %div3A_460 : f32 to vector<16xf32>
        %div3A_462 = arith.divf %div3A_461, %add3A_459 : vector<16xf32>
        %neg3A_463 = arith.constant 0.000000e+00 : f32
        %neg3A_464 = vector.broadcast %neg3A_463 : f32 to vector<16xf32>
        %neg3A_465 = arith.subf %neg3A_464, %div3A_462 : vector<16xf32>
        %exp3A_466 = math.exp %neg3A_465 : vector<16xf32>
        %add3A_467 = arith.constant 1.000000e+00 : f32
        %add3A_468 = vector.broadcast %add3A_467 : f32 to vector<16xf32>
        %add3A_469 = arith.addf %add3A_468, %exp3A_466 : vector<16xf32>
        %div3A_470 = arith.divf %get3A_76, %add3A_469 : vector<16xf32>
        %exp3A_471 = math.exp %div3A_176 : vector<16xf32>
        %mul3A_472 = arith.mulf %exp3A_471, %get3A_44 : vector<16xf32>
        %exp3A_473 = math.exp %div3A_274 : vector<16xf32>
        %mul3A_474 = arith.mulf %exp3A_473, %get3A_52 : vector<16xf32>
        %mul3A_475 = arith.mulf %mul3A_472, %get3A_60 : vector<16xf32>
        %swap3A_476 = arith.constant 0 : i32
        %swap3A_477 = arith.index_cast %swap3A_476 : i32 to index
        %swap3A_478 = arith.index_cast %mul3A_27 : i32 to index
        %swap3A_479 = tpu.vector_load %arg8[%swap3A_477, %swap3A_478] {strides = array<i32>} : memref<4x512xf32, #tpu.memory_space<vmem>>, vector<1x16xf32>,
        %swap3A_480 = vector.shape_cast %swap3A_479 : vector<1x16xf32> to vector<16xf32>
        %swap3A_481 = vector.shape_cast %mul3A_475 : vector<16xf32> to vector<1x16xf32>
        tpu.vector_store %arg8[%swap3A_477, %swap3A_478], %swap3A_481 {strides = array<i32>} : memref<4x512xf32, #tpu.memory_space<vmem>>, vector<1x16xf32>,
        %mul3A_482 = arith.mulf %mul3A_474, %get3A_60 : vector<16xf32>
        %swap3A_483 = arith.constant 1 : i32
        %swap3A_484 = arith.index_cast %swap3A_483 : i32 to index
        %swap3A_485 = arith.index_cast %mul3A_27 : i32 to index
        %swap3A_486 = tpu.vector_load %arg8[%swap3A_484, %swap3A_485] {strides = array<i32>} : memref<4x512xf32, #tpu.memory_space<vmem>>, vector<1x16xf32>,
        %swap3A_487 = vector.shape_cast %swap3A_486 : vector<1x16xf32> to vector<16xf32>
        %swap3A_488 = vector.shape_cast %mul3A_482 : vector<16xf32> to vector<1x16xf32>
        tpu.vector_store %arg8[%swap3A_484, %swap3A_485], %swap3A_488 {strides = array<i32>} : memref<4x512xf32, #tpu.memory_space<vmem>>, vector<1x16xf32>,
        %add3A_489 = arith.addf %div3A_176, %div3A_274 : vector<16xf32>
        %add3A_490 = arith.addf %add3A_489, %div3A_372 : vector<16xf32>
        %add3A_491 = arith.addf %add3A_490, %div3A_470 : vector<16xf32>
        %mul3A_492 = arith.mulf %add3A_491, %get3A_84 : vector<16xf32>
        %swap3A_493 = arith.constant 2 : i32
        %swap3A_494 = arith.index_cast %swap3A_493 : i32 to index
        %swap3A_495 = arith.index_cast %mul3A_27 : i32 to index
        %swap3A_496 = tpu.vector_load %arg8[%swap3A_494, %swap3A_495] {strides = array<i32>} : memref<4x512xf32, #tpu.memory_space<vmem>>, vector<1x16xf32>,
        %swap3A_497 = vector.shape_cast %swap3A_496 : vector<1x16xf32> to vector<16xf32>
        %swap3A_498 = vector.shape_cast %mul3A_492 : vector<16xf32> to vector<1x16xf32>
        tpu.vector_store %arg8[%swap3A_494, %swap3A_495], %swap3A_498 {strides = array<i32>} : memref<4x512xf32, #tpu.memory_space<vmem>>, vector<1x16xf32>,
        %swap3A_499 = arith.constant 3 : i32
        %swap3A_500 = arith.index_cast %swap3A_499 : i32 to index
        %swap3A_501 = arith.index_cast %mul3A_27 : i32 to index
        %swap3A_502 = tpu.vector_load %arg8[%swap3A_500, %swap3A_501] {strides = array<i32>} : memref<4x512xf32, #tpu.memory_space<vmem>>, vector<1x16xf32>,
        %swap3A_503 = vector.shape_cast %swap3A_502 : vector<1x16xf32> to vector<16xf32>
        %swap3A_504 = vector.shape_cast %mul3A_492 : vector<16xf32> to vector<1x16xf32>
        tpu.vector_store %arg8[%swap3A_500, %swap3A_501], %swap3A_504 {strides = array<i32>} : memref<4x512xf32, #tpu.memory_space<vmem>>, vector<1x16xf32>,
        %add3A_505 = arith.addf %scan3A_25, %mul3A_472 : vector<16xf32>
        %add3A_506 = arith.addf %add3A_505, %mul3A_474 : vector<16xf32>
        scf.yield %add3A_506 : vector<16xf32>
      }
      %scan3A_20 = arith.constant 25 : i32
      %swap3A = arith.constant 0 : index
      %swap3A_21 = tpu.vector_load %arg9[%swap3A] {strides = array<i32>} : memref<16xf32, #tpu.memory_space<vmem>>, vector<16xf32>,
      %swap3A_22 = vector.shape_cast %swap3A_21 : vector<16xf32> to vector<16xf32>
      %swap3A_23 = vector.shape_cast %scan3A_19 : vector<16xf32> to vector<16xf32>
      tpu.vector_store %arg9[%swap3A], %swap3A_23 {strides = array<i32>} : memref<16xf32, #tpu.memory_space<vmem>>, vector<16xf32>,
      "tpu.region"() ({
        %run_scoped3A = tpu.sem_alloc : memref<!tpu.dma_semaphore, #tpu.memory_space<semaphore_mem>>
        %dma_start3A = arith.constant 0 : i32
        %dma_start3A_24 = arith.constant 0 : i32
        %dma_start3A_25 = tpu.memref_slice %arg8[%dma_start3A, %dma_start3A_24] : memref<4x512xf32, #tpu.memory_space<vmem>> -> memref<4x512xf32, #tpu.memory_space<vmem>>
        %dma_start3A_26 = arith.constant 0 : i32
        %dma_start3A_27 = arith.constant 384 : i32
        %dma_start3A_28 = tpu.memref_slice %arg4[%shift_right_arithmetic3A_1, %dma_start3A_26, %dma_start3A_27] : memref<8x4x896xf32, #tpu.memory_space<hbm>> -> memref<1x4x512xf32, #tpu.memory_space<hbm>>
        %dma_start3A_29 = tpu.memref_squeeze %dma_start3A_28 : memref<1x4x512xf32, #tpu.memory_space<hbm>> -> memref<4x512xf32, #tpu.memory_space<hbm>>
        %dma_start3A_30 = arith.constant 0 : i32
        %dma_start3A_31 = arith.constant 384 : i32
        %dma_start3A_32 = tpu.memref_slice %arg4[%shift_right_arithmetic3A_1, %dma_start3A_30, %dma_start3A_31] : memref<8x4x896xf32, #tpu.memory_space<hbm>> -> memref<1x4x512xf32, #tpu.memory_space<hbm>>
        %dma_start3A_33 = tpu.memref_squeeze %dma_start3A_32 : memref<1x4x512xf32, #tpu.memory_space<hbm>> -> memref<4x512xf32, #tpu.memory_space<hbm>>
        %dma_start3A_34 = arith.constant 0 : i32
        %dma_start3A_35 = arith.constant 0 : i32
        %dma_start3A_36 = tpu.memref_slice %arg8[%dma_start3A_34, %dma_start3A_35] : memref<4x512xf32, #tpu.memory_space<vmem>> -> memref<4x512xf32, #tpu.memory_space<vmem>>
        tpu.enqueue_dma source(%dma_start3A_36 : memref<4x512xf32, #tpu.memory_space<vmem>>) target(%dma_start3A_33 : memref<4x512xf32, #tpu.memory_space<hbm>>) target_semaphore(%run_scoped3A : memref<!tpu.dma_semaphore, #tpu.memory_space<semaphore_mem>>)
        %dma_wait3A = arith.constant 0 : i32
        %dma_wait3A_37 = arith.constant 0 : i32
        %dma_wait3A_38 = tpu.memref_slice %arg8[%dma_wait3A, %dma_wait3A_37] : memref<4x512xf32, #tpu.memory_space<vmem>> -> memref<4x512xf32, #tpu.memory_space<vmem>>
        %dma_wait3A_39 = arith.constant 0 : i32
        %dma_wait3A_40 = arith.constant 384 : i32
        %dma_wait3A_41 = tpu.memref_slice %arg4[%shift_right_arithmetic3A_1, %dma_wait3A_39, %dma_wait3A_40] : memref<8x4x896xf32, #tpu.memory_space<hbm>> -> memref<1x4x512xf32, #tpu.memory_space<hbm>>
        %dma_wait3A_42 = tpu.memref_squeeze %dma_wait3A_41 : memref<1x4x512xf32, #tpu.memory_space<hbm>> -> memref<4x512xf32, #tpu.memory_space<hbm>>
        %dma_wait3A_43 = arith.constant 0 : i32
        %dma_wait3A_44 = arith.constant 384 : i32
        %dma_wait3A_45 = tpu.memref_slice %arg4[%shift_right_arithmetic3A_1, %dma_wait3A_43, %dma_wait3A_44] : memref<8x4x896xf32, #tpu.memory_space<hbm>> -> memref<1x4x512xf32, #tpu.memory_space<hbm>>
        %dma_wait3A_46 = tpu.memref_squeeze %dma_wait3A_45 : memref<1x4x512xf32, #tpu.memory_space<hbm>> -> memref<4x512xf32, #tpu.memory_space<hbm>>
        %dma_wait3A_47 = arith.constant 0 : i32
        %dma_wait3A_48 = arith.constant 0 : i32
        %dma_wait3A_49 = tpu.memref_slice %arg8[%dma_wait3A_47, %dma_wait3A_48] : memref<4x512xf32, #tpu.memory_space<vmem>> -> memref<4x512xf32, #tpu.memory_space<vmem>>
        tpu.wait_dma2 semaphore(%run_scoped3A : memref<!tpu.dma_semaphore, #tpu.memory_space<semaphore_mem>>) src(%dma_wait3A_49 : memref<4x512xf32, #tpu.memory_space<vmem>>) dst(%dma_wait3A_46 : memref<4x512xf32, #tpu.memory_space<hbm>>)
        tpu.yield
      }) : () -> ()
      "tpu.region"() ({
        %run_scoped3A = tpu.sem_alloc : memref<!tpu.dma_semaphore, #tpu.memory_space<semaphore_mem>>
        %dma_start3A = arith.constant 0 : i32
        %dma_start3A_24 = tpu.memref_slice %arg5[%add3A, %dma_start3A] : memref<16x16xf32, #tpu.memory_space<hbm>> -> memref<1x16xf32, #tpu.memory_space<hbm>>
        %dma_start3A_25 = tpu.memref_squeeze %dma_start3A_24 : memref<1x16xf32, #tpu.memory_space<hbm>> -> memref<16xf32, #tpu.memory_space<hbm>>
        %dma_start3A_26 = arith.constant 0 : i32
        %dma_start3A_27 = tpu.memref_slice %arg5[%add3A, %dma_start3A_26] : memref<16x16xf32, #tpu.memory_space<hbm>> -> memref<1x16xf32, #tpu.memory_space<hbm>>
        %dma_start3A_28 = tpu.memref_squeeze %dma_start3A_27 : memref<1x16xf32, #tpu.memory_space<hbm>> -> memref<16xf32, #tpu.memory_space<hbm>>
        tpu.enqueue_dma source(%arg9 : memref<16xf32, #tpu.memory_space<vmem>>) target(%dma_start3A_28 : memref<16xf32, #tpu.memory_space<hbm>>) target_semaphore(%run_scoped3A : memref<!tpu.dma_semaphore, #tpu.memory_space<semaphore_mem>>)
        %dma_wait3A = arith.constant 0 : i32
        %dma_wait3A_29 = tpu.memref_slice %arg5[%add3A, %dma_wait3A] : memref<16x16xf32, #tpu.memory_space<hbm>> -> memref<1x16xf32, #tpu.memory_space<hbm>>
        %dma_wait3A_30 = tpu.memref_squeeze %dma_wait3A_29 : memref<1x16xf32, #tpu.memory_space<hbm>> -> memref<16xf32, #tpu.memory_space<hbm>>
        %dma_wait3A_31 = arith.constant 0 : i32
        %dma_wait3A_32 = tpu.memref_slice %arg5[%add3A, %dma_wait3A_31] : memref<16x16xf32, #tpu.memory_space<hbm>> -> memref<1x16xf32, #tpu.memory_space<hbm>>
        %dma_wait3A_33 = tpu.memref_squeeze %dma_wait3A_32 : memref<1x16xf32, #tpu.memory_space<hbm>> -> memref<16xf32, #tpu.memory_space<hbm>>
        tpu.wait_dma2 semaphore(%run_scoped3A : memref<!tpu.dma_semaphore, #tpu.memory_space<semaphore_mem>>) src(%arg9 : memref<16xf32, #tpu.memory_space<vmem>>) dst(%dma_wait3A_33 : memref<16xf32, #tpu.memory_space<hbm>>)
        tpu.yield
      }) : () -> ()
    } else {
    }
    return
  }
}

module attributes {stable_mosaic.version = 14 : i64} {
  func.func @_kernel_coords(%arg0: i32, %arg1: memref<784x1024xbf16, #tpu.memory_space<vmem>>, %arg2: memref<1024x2xbf16, #tpu.memory_space<vmem>>, %arg3: memref<1x2xf32, #tpu.memory_space<vmem>>, %arg4: memref<1x10x896xf32, #tpu.memory_space<vmem>>) attributes {dimension_semantics = [#tpu.dimension_semantics<arbitrary>], iteration_bounds = array<i64: 8>, scalar_prefetch = 0 : i64, scratch_operands = 0 : i64, tpu.core_type = #tpu.core_type<tc>, window_params = [{transform_indices = @transform_0, window_bounds = array<i64: 784, 1024>}, {pipeline_mode = #tpu.pipeline_mode<synchronous>, transform_indices = @transform_1, window_bounds = array<i64: 1024, 2>}, {pipeline_mode = #tpu.pipeline_mode<synchronous>, transform_indices = @transform_2, window_bounds = array<i64: 1, 2>}, {transform_indices = @transform_3, window_bounds = array<i64: 1, 10, 896>}]} {
    %get3A = arith.constant 0 : index
    %get3A_0 = arith.constant 0 : index
    %get3A_1 = vector.load %arg1[%get3A, %get3A_0] : memref<784x1024xbf16, #tpu.memory_space<vmem>>, vector<784x1024xbf16>
    %get3A_2 = arith.constant 0 : index
    %get3A_3 = arith.constant 0 : index
    %get3A_4 = vector.load %arg2[%get3A_2, %get3A_3] : memref<1024x2xbf16, #tpu.memory_space<vmem>>, vector<1024x2xbf16>
    %dot_general3A = arith.constant dense<0.000000e+00> : vector<784x2xf32>
    %dot_general3A_5 = tpu.matmul %get3A_1, %get3A_4, %dot_general3A {dimension_numbers = #tpu.dot_dimension_numbers<[1], [0], [0], [1], [0, 0, 1, 1], [], []>, transpose_lhs_hint = false} : vector<784x1024xbf16>, vector<1024x2xbf16>, vector<784x2xf32> -> vector<784x2xf32>
    %get3A_6 = arith.constant 0 : index
    %get3A_7 = arith.constant 0 : index
    %get3A_8 = vector.load %arg3[%get3A_6, %get3A_7] : memref<1x2xf32, #tpu.memory_space<vmem>>, vector<1x2xf32>
    %add3A = vector.broadcast %get3A_8 : vector<1x2xf32> to vector<784x2xf32>
    %add3A_9 = arith.addf %dot_general3A_5, %add3A : vector<784x2xf32>
    %transpose3A = tpu.transpose %add3A_9, [1, 0] : vector<784x2xf32> -> vector<2x784xf32>
    %broadcast_in_dim3A = arith.constant 0.000000e+00 : f32
    %broadcast_in_dim3A_10 = vector.broadcast %broadcast_in_dim3A : f32 to vector<2x1xf32>
    %slice3A = vector.extract_strided_slice %transpose3A {offsets = [0, 0], sizes = [2, 783], strides = [1, 1]} : vector<2x784xf32> to vector<2x783xf32>
    %concatenate3A = tpu.concatenate %broadcast_in_dim3A_10, %slice3A in 1 : vector<2x1xf32>, vector<2x783xf32> -> vector<2x784xf32>
    %broadcast_in_dim3A_11 = arith.constant 0.000000e+00 : f32
    %broadcast_in_dim3A_12 = vector.broadcast %broadcast_in_dim3A_11 : f32 to vector<2x7xf32>
    %slice3A_13 = vector.extract_strided_slice %transpose3A {offsets = [0, 0], sizes = [2, 777], strides = [1, 1]} : vector<2x784xf32> to vector<2x777xf32>
    %concatenate3A_14 = tpu.concatenate %broadcast_in_dim3A_12, %slice3A_13 in 1 : vector<2x7xf32>, vector<2x777xf32> -> vector<2x784xf32>
    %slice3A_15 = vector.extract_strided_slice %transpose3A {offsets = [0, 1], sizes = [2, 783], strides = [1, 1]} : vector<2x784xf32> to vector<2x783xf32>
    %broadcast_in_dim3A_16 = arith.constant 0.000000e+00 : f32
    %broadcast_in_dim3A_17 = vector.broadcast %broadcast_in_dim3A_16 : f32 to vector<2x1xf32>
    %concatenate3A_18 = tpu.concatenate %slice3A_15, %broadcast_in_dim3A_17 in 1 : vector<2x783xf32>, vector<2x1xf32> -> vector<2x784xf32>
    %slice3A_19 = vector.extract_strided_slice %transpose3A {offsets = [0, 7], sizes = [2, 777], strides = [1, 1]} : vector<2x784xf32> to vector<2x777xf32>
    %broadcast_in_dim3A_20 = arith.constant 0.000000e+00 : f32
    %broadcast_in_dim3A_21 = vector.broadcast %broadcast_in_dim3A_20 : f32 to vector<2x7xf32>
    %concatenate3A_22 = tpu.concatenate %slice3A_19, %broadcast_in_dim3A_21 in 1 : vector<2x777xf32>, vector<2x7xf32> -> vector<2x784xf32>
    %concatenate3A_23 = tpu.concatenate %transpose3A, %concatenate3A, %concatenate3A_14, %concatenate3A_18, %concatenate3A_22 in 0 : vector<2x784xf32>, vector<2x784xf32>, vector<2x784xf32>, vector<2x784xf32>, vector<2x784xf32> -> vector<10x784xf32>
    %broadcast_in_dim3A_24 = arith.constant 0.000000e+00 : f32
    %broadcast_in_dim3A_25 = vector.broadcast %broadcast_in_dim3A_24 : f32 to vector<10x112xf32>
    %concatenate3A_26 = tpu.concatenate %concatenate3A_23, %broadcast_in_dim3A_25 in 1 : vector<10x784xf32>, vector<10x112xf32> -> vector<10x896xf32>
    %reshape3A = vector.shape_cast %concatenate3A_26 : vector<10x896xf32> to vector<1x10x896xf32>
    %swap3A = arith.constant 0 : index
    %swap3A_27 = arith.constant 0 : index
    %swap3A_28 = arith.constant 0 : index
    %swap3A_29 = vector.load %arg4[%swap3A, %swap3A_27, %swap3A_28] : memref<1x10x896xf32, #tpu.memory_space<vmem>>, vector<1x10x896xf32>
    tpu.vector_store %arg4[%swap3A, %swap3A_27, %swap3A_28], %reshape3A {strides = array<i32>} : memref<1x10x896xf32, #tpu.memory_space<vmem>>, vector<1x10x896xf32>,
    return
  }
  func.func @transform_0(%arg0: i32) -> (i32, i32) {
    %c0_i32 = arith.constant 0 : i32
    %c0_i32_0 = arith.constant 0 : i32
    return %arg0, %c0_i32 : i32, i32
  }
  func.func @transform_1(%arg0: i32) -> (i32, i32) {
    %c0_i32 = arith.constant 0 : i32
    %c0_i32_0 = arith.constant 0 : i32
    %c0_i32_1 = arith.constant 0 : i32
    return %c0_i32, %c0_i32_0 : i32, i32
  }
  func.func @transform_2(%arg0: i32) -> (i32, i32) {
    %c0_i32 = arith.constant 0 : i32
    %c0_i32_0 = arith.constant 0 : i32
    %c0_i32_1 = arith.constant 0 : i32
    return %c0_i32, %c0_i32_0 : i32, i32
  }
  func.func @transform_3(%arg0: i32) -> (i32, i32, i32) {
    %c0_i32 = arith.constant 0 : i32
    %c0_i32_0 = arith.constant 0 : i32
    %c0_i32_1 = arith.constant 0 : i32
    return %arg0, %c0_i32, %c0_i32_0 : i32, i32, i32
  }
}

module attributes {stable_mosaic.version = 14 : i64} {
  func.func @_kernel_a(%arg0: i32, %arg1: memref<1568x1024xbf16, #tpu.memory_space<vmem>>, %arg2: memref<2x4x896xf32, #tpu.memory_space<vmem>>, %arg3: memref<16x16xf32, #tpu.memory_space<vmem>>, %arg4: memref<1024x512xbf16, #tpu.memory_space<vmem>>, %arg5: memref<1024x512xbf16, #tpu.memory_space<vmem>>, %arg6: memref<1568x512xbf16, #tpu.memory_space<vmem>>, %arg7: memref<1568x512xbf16, #tpu.memory_space<vmem>>, %arg8: memref<8x512xf32, #tpu.memory_space<vmem>>) attributes {dimension_semantics = [#tpu.dimension_semantics<arbitrary>], iteration_bounds = array<i64: 4>, scalar_prefetch = 0 : i64, scratch_operands = 0 : i64, tpu.core_type = #tpu.core_type<tc>, window_params = [{transform_indices = @transform_0, window_bounds = array<i64: 1568, 1024>}, {transform_indices = @transform_1, window_bounds = array<i64: 2, 4, 896>}, {pipeline_mode = #tpu.pipeline_mode<synchronous>, transform_indices = @transform_2, window_bounds = array<i64: 16, 16>}, {pipeline_mode = #tpu.pipeline_mode<synchronous>, transform_indices = @transform_3, window_bounds = array<i64: 1024, 512>}, {pipeline_mode = #tpu.pipeline_mode<synchronous>, transform_indices = @transform_4, window_bounds = array<i64: 1024, 512>}, {transform_indices = @transform_5, window_bounds = array<i64: 1568, 512>}, {transform_indices = @transform_6, window_bounds = array<i64: 1568, 512>}, {pipeline_mode = #tpu.pipeline_mode<synchronous>, transform_indices = @transform_7, window_bounds = array<i64: 8, 512>}]} {
    %get3A = arith.constant 0 : index
    %get3A_0 = arith.constant 0 : index
    %get3A_1 = vector.load %arg1[%get3A, %get3A_0] : memref<1568x1024xbf16, #tpu.memory_space<vmem>>, vector<1568x1024xbf16>
    %get3A_2 = arith.constant 0 : index
    %get3A_3 = arith.constant 0 : index
    %get3A_4 = arith.constant 0 : index
    %get3A_5 = vector.load %arg2[%get3A_2, %get3A_3, %get3A_4] : memref<2x4x896xf32, #tpu.memory_space<vmem>>, vector<2x4x896xf32>
    %transpose3A = tpu.transpose %get3A_5, [0, 2, 1] : vector<2x4x896xf32> -> vector<2x896x4xf32>
    %slice3A = vector.extract_strided_slice %transpose3A {offsets = [0, 0, 0], sizes = [2, 784, 4], strides = [1, 1, 1]} : vector<2x896x4xf32> to vector<2x784x4xf32>
    %reshape3A = vector.shape_cast %slice3A : vector<2x784x4xf32> to vector<1568x4xf32>
    %slice3A_6 = vector.extract_strided_slice %reshape3A {offsets = [0, 0], sizes = [1568, 1], strides = [1, 1]} : vector<1568x4xf32> to vector<1568x1xf32>
    %slice3A_7 = vector.extract_strided_slice %reshape3A {offsets = [0, 1], sizes = [1568, 1], strides = [1, 1]} : vector<1568x4xf32> to vector<1568x1xf32>
    %get3A_8 = arith.constant 0 : index
    %get3A_9 = arith.constant 0 : index
    %get3A_10 = vector.load %arg3[%get3A_8, %get3A_9] : memref<16x16xf32, #tpu.memory_space<vmem>>, vector<16x16xf32>
    %reduce_sum3A = vector.shape_cast %get3A_10 : vector<16x16xf32> to vector<1x16x16xf32>
    %reduce_sum3A_11 = arith.constant dense<0.000000e+00> : vector<1xf32>
    %reduce_sum3A_12 = vector.multi_reduction <add>, %reduce_sum3A, %reduce_sum3A_11 [1, 2] : vector<1x16x16xf32> to vector<1xf32>
    %reduce_sum3A_13 = vector.shape_cast %reduce_sum3A_12 : vector<1xf32> to vector<1x1x1xf32>
    %reduce_sum3A_14 = vector.extract %reduce_sum3A_13[0, 0, 0] : f32 from vector<1x1x1xf32>
    %div3A = arith.constant 4.000000e+00 : f32
    %div3A_15 = arith.divf %reduce_sum3A_14, %div3A : f32
    %convert_element_type3A = arith.extf %get3A_1 : vector<1568x1024xbf16> to vector<1568x1024xf32>
    %broadcast_in_dim3A = arith.constant 0.000000e+00 : f32
    %broadcast_in_dim3A_16 = vector.broadcast %broadcast_in_dim3A : f32 to vector<1x1024xf32>
    %slice3A_17 = vector.extract_strided_slice %convert_element_type3A {offsets = [0, 0], sizes = [1567, 1024], strides = [1, 1]} : vector<1568x1024xf32> to vector<1567x1024xf32>
    %concatenate3A = tpu.concatenate %broadcast_in_dim3A_16, %slice3A_17 in 0 : vector<1x1024xf32>, vector<1567x1024xf32> -> vector<1568x1024xf32>
    %mul3A = vector.broadcast %slice3A_6 : vector<1568x1xf32> to vector<1568x1024xf32>
    %mul3A_18 = arith.mulf %mul3A, %concatenate3A : vector<1568x1024xf32>
    %broadcast_in_dim3A_19 = arith.constant 0.000000e+00 : f32
    %broadcast_in_dim3A_20 = vector.broadcast %broadcast_in_dim3A_19 : f32 to vector<7x1024xf32>
    %slice3A_21 = vector.extract_strided_slice %convert_element_type3A {offsets = [0, 0], sizes = [1561, 1024], strides = [1, 1]} : vector<1568x1024xf32> to vector<1561x1024xf32>
    %concatenate3A_22 = tpu.concatenate %broadcast_in_dim3A_20, %slice3A_21 in 0 : vector<7x1024xf32>, vector<1561x1024xf32> -> vector<1568x1024xf32>
    %mul3A_23 = vector.broadcast %slice3A_7 : vector<1568x1xf32> to vector<1568x1024xf32>
    %mul3A_24 = arith.mulf %mul3A_23, %concatenate3A_22 : vector<1568x1024xf32>
    %add3A = arith.addf %mul3A_18, %mul3A_24 : vector<1568x1024xf32>
    %convert_element_type3A_25 = arith.truncf %add3A : vector<1568x1024xf32> to vector<1568x1024xbf16>
    %get3A_26 = arith.constant 0 : index
    %get3A_27 = arith.constant 0 : index
    %get3A_28 = vector.load %arg4[%get3A_26, %get3A_27] : memref<1024x512xbf16, #tpu.memory_space<vmem>>, vector<1024x512xbf16>
    %dot_general3A = arith.constant dense<0.000000e+00> : vector<1568x512xf32>
    %dot_general3A_29 = tpu.matmul %convert_element_type3A_25, %get3A_28, %dot_general3A {dimension_numbers = #tpu.dot_dimension_numbers<[1], [0], [0], [1], [0, 0, 1, 1], [], []>, transpose_lhs_hint = false} : vector<1568x1024xbf16>, vector<1024x512xbf16>, vector<1568x512xf32> -> vector<1568x512xf32>
    %get3A_30 = arith.constant 0 : index
    %get3A_31 = arith.constant 0 : index
    %get3A_32 = vector.load %arg5[%get3A_30, %get3A_31] : memref<1024x512xbf16, #tpu.memory_space<vmem>>, vector<1024x512xbf16>
    %dot_general3A_33 = arith.constant dense<0.000000e+00> : vector<1568x512xf32>
    %dot_general3A_34 = tpu.matmul %get3A_1, %get3A_32, %dot_general3A_33 {dimension_numbers = #tpu.dot_dimension_numbers<[1], [0], [0], [1], [0, 0, 1, 1], [], []>, transpose_lhs_hint = false} : vector<1568x1024xbf16>, vector<1024x512xbf16>, vector<1568x512xf32> -> vector<1568x512xf32>
    %convert_element_type3A_35 = arith.truncf %dot_general3A_29 : vector<1568x512xf32> to vector<1568x512xbf16>
    %swap3A = arith.constant 0 : index
    %swap3A_36 = arith.constant 0 : index
    %swap3A_37 = vector.load %arg6[%swap3A, %swap3A_36] : memref<1568x512xbf16, #tpu.memory_space<vmem>>, vector<1568x512xbf16>
    tpu.vector_store %arg6[%swap3A, %swap3A_36], %convert_element_type3A_35 {strides = array<i32>} : memref<1568x512xbf16, #tpu.memory_space<vmem>>, vector<1568x512xbf16>,
    %convert_element_type3A_38 = arith.truncf %dot_general3A_34 : vector<1568x512xf32> to vector<1568x512xbf16>
    %swap3A_39 = arith.constant 0 : index
    %swap3A_40 = arith.constant 0 : index
    %swap3A_41 = vector.load %arg7[%swap3A_39, %swap3A_40] : memref<1568x512xbf16, #tpu.memory_space<vmem>>, vector<1568x512xbf16>
    tpu.vector_store %arg7[%swap3A_39, %swap3A_40], %convert_element_type3A_38 {strides = array<i32>} : memref<1568x512xbf16, #tpu.memory_space<vmem>>, vector<1568x512xbf16>,
    %reduce_sum3A_42 = arith.constant dense<0.000000e+00> : vector<512xf32>
    %reduce_sum3A_43 = vector.multi_reduction <add>, %dot_general3A_29, %reduce_sum3A_42 [0] : vector<1568x512xf32> to vector<512xf32>
    %broadcast_in_dim3A_44 = vector.shape_cast %reduce_sum3A_43 : vector<512xf32> to vector<1x512xf32>
    %reduce_sum3A_45 = arith.constant dense<0.000000e+00> : vector<512xf32>
    %reduce_sum3A_46 = vector.multi_reduction <add>, %dot_general3A_34, %reduce_sum3A_45 [0] : vector<1568x512xf32> to vector<512xf32>
    %broadcast_in_dim3A_47 = vector.shape_cast %reduce_sum3A_46 : vector<512xf32> to vector<1x512xf32>
    %mul3A_48 = arith.mulf %dot_general3A_29, %dot_general3A_29 : vector<1568x512xf32>
    %reduce_sum3A_49 = arith.constant dense<0.000000e+00> : vector<512xf32>
    %reduce_sum3A_50 = vector.multi_reduction <add>, %mul3A_48, %reduce_sum3A_49 [0] : vector<1568x512xf32> to vector<512xf32>
    %broadcast_in_dim3A_51 = vector.shape_cast %reduce_sum3A_50 : vector<512xf32> to vector<1x512xf32>
    %mul3A_52 = arith.mulf %dot_general3A_34, %dot_general3A_34 : vector<1568x512xf32>
    %reduce_sum3A_53 = arith.constant dense<0.000000e+00> : vector<512xf32>
    %reduce_sum3A_54 = vector.multi_reduction <add>, %mul3A_52, %reduce_sum3A_53 [0] : vector<1568x512xf32> to vector<512xf32>
    %broadcast_in_dim3A_55 = vector.shape_cast %reduce_sum3A_54 : vector<512xf32> to vector<1x512xf32>
    %mul3A_56 = arith.mulf %dot_general3A_29, %dot_general3A_34 : vector<1568x512xf32>
    %reduce_sum3A_57 = arith.constant dense<0.000000e+00> : vector<512xf32>
    %reduce_sum3A_58 = vector.multi_reduction <add>, %mul3A_56, %reduce_sum3A_57 [0] : vector<1568x512xf32> to vector<512xf32>
    %broadcast_in_dim3A_59 = vector.shape_cast %reduce_sum3A_58 : vector<512xf32> to vector<1x512xf32>
    %broadcast_in_dim3A_60 = vector.broadcast %div3A_15 : f32 to vector<1x512xf32>
    %broadcast_in_dim3A_61 = arith.constant 0.000000e+00 : f32
    %broadcast_in_dim3A_62 = vector.broadcast %broadcast_in_dim3A_61 : f32 to vector<2x512xf32>
    %concatenate3A_63 = tpu.concatenate %broadcast_in_dim3A_44, %broadcast_in_dim3A_47, %broadcast_in_dim3A_51, %broadcast_in_dim3A_55, %broadcast_in_dim3A_59, %broadcast_in_dim3A_60, %broadcast_in_dim3A_62 in 0 : vector<1x512xf32>, vector<1x512xf32>, vector<1x512xf32>, vector<1x512xf32>, vector<1x512xf32>, vector<1x512xf32>, vector<2x512xf32> -> vector<8x512xf32>
    %eq3A = arith.constant 0 : i32
    %eq3A_64 = arith.cmpi eq, %arg0, %eq3A : i32
    %convert_element_type3A_65 = arith.extui %eq3A_64 : i1 to i32
    %cond3A = arith.constant 0 : i32
    %cond3A_66 = arith.cmpi ne, %convert_element_type3A_65, %cond3A : i32
    scf.if %cond3A_66 {
      %broadcast_in_dim3A_74 = arith.constant 0.000000e+00 : f32
      %broadcast_in_dim3A_75 = vector.broadcast %broadcast_in_dim3A_74 : f32 to vector<8x512xf32>
      %swap3A_76 = arith.constant 0 : index
      %swap3A_77 = arith.constant 0 : index
      %swap3A_78 = vector.load %arg8[%swap3A_76, %swap3A_77] : memref<8x512xf32, #tpu.memory_space<vmem>>, vector<8x512xf32>
      tpu.vector_store %arg8[%swap3A_76, %swap3A_77], %broadcast_in_dim3A_75 {strides = array<i32>} : memref<8x512xf32, #tpu.memory_space<vmem>>, vector<8x512xf32>,
    } else {
    }
    %get3A_67 = arith.constant 0 : index
    %get3A_68 = arith.constant 0 : index
    %get3A_69 = vector.load %arg8[%get3A_67, %get3A_68] : memref<8x512xf32, #tpu.memory_space<vmem>>, vector<8x512xf32>
    %add3A_70 = arith.addf %get3A_69, %concatenate3A_63 : vector<8x512xf32>
    %swap3A_71 = arith.constant 0 : index
    %swap3A_72 = arith.constant 0 : index
    %swap3A_73 = vector.load %arg8[%swap3A_71, %swap3A_72] : memref<8x512xf32, #tpu.memory_space<vmem>>, vector<8x512xf32>
    tpu.vector_store %arg8[%swap3A_71, %swap3A_72], %add3A_70 {strides = array<i32>} : memref<8x512xf32, #tpu.memory_space<vmem>>, vector<8x512xf32>,
    return
  }
  func.func @transform_0(%arg0: i32) -> (i32, i32) {
    %c0_i32 = arith.constant 0 : i32
    %c0_i32_0 = arith.constant 0 : i32
    return %arg0, %c0_i32 : i32, i32
  }
  func.func @transform_1(%arg0: i32) -> (i32, i32, i32) {
    %c0_i32 = arith.constant 0 : i32
    %c0_i32_0 = arith.constant 0 : i32
    %c0_i32_1 = arith.constant 0 : i32
    return %arg0, %c0_i32, %c0_i32_0 : i32, i32, i32
  }
  func.func @transform_2(%arg0: i32) -> (i32, i32) {
    %c0_i32 = arith.constant 0 : i32
    %c0_i32_0 = arith.constant 0 : i32
    %c0_i32_1 = arith.constant 0 : i32
    return %c0_i32, %c0_i32_0 : i32, i32
  }
  func.func @transform_3(%arg0: i32) -> (i32, i32) {
    %c0_i32 = arith.constant 0 : i32
    %c0_i32_0 = arith.constant 0 : i32
    %c0_i32_1 = arith.constant 0 : i32
    return %c0_i32, %c0_i32_0 : i32, i32
  }
  func.func @transform_4(%arg0: i32) -> (i32, i32) {
    %c0_i32 = arith.constant 0 : i32
    %c0_i32_0 = arith.constant 0 : i32
    %c0_i32_1 = arith.constant 0 : i32
    return %c0_i32, %c0_i32_0 : i32, i32
  }
  func.func @transform_5(%arg0: i32) -> (i32, i32) {
    %c0_i32 = arith.constant 0 : i32
    %c0_i32_0 = arith.constant 0 : i32
    return %arg0, %c0_i32 : i32, i32
  }
  func.func @transform_6(%arg0: i32) -> (i32, i32) {
    %c0_i32 = arith.constant 0 : i32
    %c0_i32_0 = arith.constant 0 : i32
    return %arg0, %c0_i32 : i32, i32
  }
  func.func @transform_7(%arg0: i32) -> (i32, i32) {
    %c0_i32 = arith.constant 0 : i32
    %c0_i32_0 = arith.constant 0 : i32
    %c0_i32_1 = arith.constant 0 : i32
    return %c0_i32, %c0_i32_0 : i32, i32
  }
}

module attributes {stable_mosaic.version = 14 : i64} {
  func.func @_kernel_bc(%arg0: i32, %arg1: i32, %arg2: memref<1568x512xbf16, #tpu.memory_space<vmem>>, %arg3: memref<1568x512xbf16, #tpu.memory_space<vmem>>, %arg4: memref<2x4x896xf32, #tpu.memory_space<vmem>>, %arg5: memref<8x512xf32, #tpu.memory_space<vmem>>, %arg6: memref<1x512xf32, #tpu.memory_space<vmem>>, %arg7: memref<1x512xf32, #tpu.memory_space<vmem>>, %arg8: memref<1x512xf32, #tpu.memory_space<vmem>>, %arg9: memref<512x512xbf16, #tpu.memory_space<vmem>>, %arg10: memref<512x512xbf16, #tpu.memory_space<vmem>>, %arg11: memref<1x512xf32, #tpu.memory_space<vmem>>, %arg12: memref<1x512xf32, #tpu.memory_space<vmem>>, %arg13: memref<1x512xf32, #tpu.memory_space<vmem>>, %arg14: memref<512x512xbf16, #tpu.memory_space<vmem>>, %arg15: memref<1x512xf32, #tpu.memory_space<vmem>>, %arg16: memref<1x512xf32, #tpu.memory_space<vmem>>, %arg17: memref<1568x512xbf16, #tpu.memory_space<vmem>>, %arg18: memref<4x1568x512xf32, #tpu.memory_space<vmem>>, %arg19: memref<4x1568x512xf32, #tpu.memory_space<vmem>>, %arg20: memref<8x512xf32, #tpu.memory_space<vmem>>) attributes {dimension_semantics = [#tpu.dimension_semantics<arbitrary>, #tpu.dimension_semantics<arbitrary>], iteration_bounds = array<i64: 2, 4>, scalar_prefetch = 0 : i64, scratch_operands = 3 : i64, tpu.core_type = #tpu.core_type<tc>, window_params = [{transform_indices = @transform_0, window_bounds = array<i64: 1568, 512>}, {transform_indices = @transform_1, window_bounds = array<i64: 1568, 512>}, {transform_indices = @transform_2, window_bounds = array<i64: 2, 4, 896>}, {pipeline_mode = #tpu.pipeline_mode<synchronous>, transform_indices = @transform_3, window_bounds = array<i64: 8, 512>}, {pipeline_mode = #tpu.pipeline_mode<synchronous>, transform_indices = @transform_4, window_bounds = array<i64: 1, 512>}, {pipeline_mode = #tpu.pipeline_mode<synchronous>, transform_indices = @transform_5, window_bounds = array<i64: 1, 512>}, {pipeline_mode = #tpu.pipeline_mode<synchronous>, transform_indices = @transform_6, window_bounds = array<i64: 1, 512>}, {pipeline_mode = #tpu.pipeline_mode<synchronous>, transform_indices = @transform_7, window_bounds = array<i64: 512, 512>}, {pipeline_mode = #tpu.pipeline_mode<synchronous>, transform_indices = @transform_8, window_bounds = array<i64: 512, 512>}, {pipeline_mode = #tpu.pipeline_mode<synchronous>, transform_indices = @transform_9, window_bounds = array<i64: 1, 512>}, {pipeline_mode = #tpu.pipeline_mode<synchronous>, transform_indices = @transform_10, window_bounds = array<i64: 1, 512>}, {pipeline_mode = #tpu.pipeline_mode<synchronous>, transform_indices = @transform_11, window_bounds = array<i64: 1, 512>}, {pipeline_mode = #tpu.pipeline_mode<synchronous>, transform_indices = @transform_12, window_bounds = array<i64: 512, 512>}, {pipeline_mode = #tpu.pipeline_mode<synchronous>, transform_indices = @transform_13, window_bounds = array<i64: 1, 512>}, {pipeline_mode = #tpu.pipeline_mode<synchronous>, transform_indices = @transform_14, window_bounds = array<i64: 1, 512>}, {transform_indices = @transform_15, window_bounds = array<i64: 1568, 512>}]} {
    %eq3A = arith.constant 0 : i32
    %eq3A_0 = arith.cmpi eq, %arg0, %eq3A : i32
    %convert_element_type3A = arith.extui %eq3A_0 : i1 to i32
    %cond3A = arith.constant 0 : i32
    %cond3A_1 = arith.cmpi ne, %convert_element_type3A, %cond3A : i32
    scf.if %cond3A_1 {
      %get3A = arith.constant 0 : index
      %get3A_7 = arith.constant 0 : index
      %get3A_8 = vector.load %arg5[%get3A, %get3A_7] : memref<8x512xf32, #tpu.memory_space<vmem>>, vector<8x512xf32>
      %get3A_9 = arith.constant 0 : index
      %get3A_10 = arith.constant 0 : index
      %get3A_11 = vector.load %arg6[%get3A_9, %get3A_10] : memref<1x512xf32, #tpu.memory_space<vmem>>, vector<1x512xf32>
      %get3A_12 = arith.constant 0 : index
      %get3A_13 = arith.constant 0 : index
      %get3A_14 = vector.load %arg7[%get3A_12, %get3A_13] : memref<1x512xf32, #tpu.memory_space<vmem>>, vector<1x512xf32>
      %get3A_15 = arith.constant 0 : index
      %get3A_16 = arith.constant 0 : index
      %get3A_17 = vector.load %arg8[%get3A_15, %get3A_16] : memref<1x512xf32, #tpu.memory_space<vmem>>, vector<1x512xf32>
      %slice3A = vector.extract_strided_slice %get3A_8 {offsets = [0, 0], sizes = [1, 512], strides = [1, 1]} : vector<8x512xf32> to vector<1x512xf32>
      %slice3A_18 = vector.extract_strided_slice %get3A_8 {offsets = [1, 0], sizes = [1, 512], strides = [1, 1]} : vector<8x512xf32> to vector<1x512xf32>
      %slice3A_19 = vector.extract_strided_slice %get3A_8 {offsets = [2, 0], sizes = [1, 512], strides = [1, 1]} : vector<8x512xf32> to vector<1x512xf32>
      %slice3A_20 = vector.extract_strided_slice %get3A_8 {offsets = [3, 0], sizes = [1, 512], strides = [1, 1]} : vector<8x512xf32> to vector<1x512xf32>
      %slice3A_21 = vector.extract_strided_slice %get3A_8 {offsets = [4, 0], sizes = [1, 512], strides = [1, 1]} : vector<8x512xf32> to vector<1x512xf32>
      %slice3A_22 = vector.extract_strided_slice %get3A_8 {offsets = [5, 0], sizes = [1, 512], strides = [1, 1]} : vector<8x512xf32> to vector<1x512xf32>
      %add3A = arith.constant 9.99999993E-9 : f32
      %add3A_23 = vector.broadcast %add3A : f32 to vector<1x512xf32>
      %add3A_24 = arith.addf %slice3A_22, %add3A_23 : vector<1x512xf32>
      %div3A = arith.constant 1.000000e+00 : f32
      %div3A_25 = vector.broadcast %div3A : f32 to vector<1x512xf32>
      %div3A_26 = arith.divf %div3A_25, %add3A_24 : vector<1x512xf32>
      %mul3A = arith.mulf %slice3A, %div3A_26 : vector<1x512xf32>
      %add3A_27 = arith.addf %mul3A, %slice3A_18 : vector<1x512xf32>
      %div3A_28 = arith.constant 6.272000e+03 : f32
      %div3A_29 = vector.broadcast %div3A_28 : f32 to vector<1x512xf32>
      %div3A_30 = arith.divf %add3A_27, %div3A_29 : vector<1x512xf32>
      %mul3A_31 = arith.mulf %slice3A_19, %div3A_26 : vector<1x512xf32>
      %mul3A_32 = arith.mulf %mul3A_31, %div3A_26 : vector<1x512xf32>
      %mul3A_33 = arith.constant 2.000000e+00 : f32
      %mul3A_34 = vector.broadcast %mul3A_33 : f32 to vector<1x512xf32>
      %mul3A_35 = arith.mulf %mul3A_34, %slice3A_21 : vector<1x512xf32>
      %mul3A_36 = arith.mulf %mul3A_35, %div3A_26 : vector<1x512xf32>
      %add3A_37 = arith.addf %mul3A_32, %mul3A_36 : vector<1x512xf32>
      %add3A_38 = arith.addf %add3A_37, %slice3A_20 : vector<1x512xf32>
      %div3A_39 = arith.constant 6.272000e+03 : f32
      %div3A_40 = vector.broadcast %div3A_39 : f32 to vector<1x512xf32>
      %div3A_41 = arith.divf %add3A_38, %div3A_40 : vector<1x512xf32>
      %mul3A_42 = arith.mulf %div3A_30, %div3A_30 : vector<1x512xf32>
      %sub3A = arith.subf %div3A_41, %mul3A_42 : vector<1x512xf32>
      %add3A_43 = arith.addf %div3A_30, %get3A_17 : vector<1x512xf32>
      %add3A_44 = arith.constant 9.99999974E-6 : f32
      %add3A_45 = vector.broadcast %add3A_44 : f32 to vector<1x512xf32>
      %add3A_46 = arith.addf %sub3A, %add3A_45 : vector<1x512xf32>
      %rsqrt3A = math.rsqrt %add3A_46 : vector<1x512xf32>
      %mul3A_47 = arith.mulf %get3A_11, %rsqrt3A : vector<1x512xf32>
      %mul3A_48 = arith.mulf %add3A_43, %mul3A_47 : vector<1x512xf32>
      %sub3A_49 = arith.subf %get3A_14, %mul3A_48 : vector<1x512xf32>
      %mul3A_50 = arith.mulf %get3A_17, %mul3A_47 : vector<1x512xf32>
      %add3A_51 = arith.addf %sub3A_49, %mul3A_50 : vector<1x512xf32>
      %get3A_52 = arith.constant 0 : index
      %get3A_53 = arith.constant 0 : index
      %get3A_54 = vector.load %arg2[%get3A_52, %get3A_53] : memref<1568x512xbf16, #tpu.memory_space<vmem>>, vector<1568x512xbf16>
      %convert_element_type3A_55 = arith.extf %get3A_54 : vector<1568x512xbf16> to vector<1568x512xf32>
      %mul3A_56 = vector.broadcast %div3A_26 : vector<1x512xf32> to vector<1568x512xf32>
      %mul3A_57 = arith.mulf %convert_element_type3A_55, %mul3A_56 : vector<1568x512xf32>
      %get3A_58 = arith.constant 0 : index
      %get3A_59 = arith.constant 0 : index
      %get3A_60 = vector.load %arg3[%get3A_58, %get3A_59] : memref<1568x512xbf16, #tpu.memory_space<vmem>>, vector<1568x512xbf16>
      %convert_element_type3A_61 = arith.extf %get3A_60 : vector<1568x512xbf16> to vector<1568x512xf32>
      %add3A_62 = arith.addf %mul3A_57, %convert_element_type3A_61 : vector<1568x512xf32>
      %mul3A_63 = vector.broadcast %mul3A_47 : vector<1x512xf32> to vector<1568x512xf32>
      %mul3A_64 = arith.mulf %add3A_62, %mul3A_63 : vector<1568x512xf32>
      %add3A_65 = vector.broadcast %add3A_51 : vector<1x512xf32> to vector<1568x512xf32>
      %add3A_66 = arith.addf %mul3A_64, %add3A_65 : vector<1568x512xf32>
      %max3A = arith.constant 0.000000e+00 : f32
      %max3A_67 = vector.broadcast %max3A : f32 to vector<1568x512xf32>
      %max3A_68 = arith.maximumf %add3A_66, %max3A_67 : vector<1568x512xf32>
      %get3A_69 = arith.constant 0 : index
      %get3A_70 = arith.constant 0 : index
      %get3A_71 = arith.constant 0 : index
      %get3A_72 = vector.load %arg4[%get3A_69, %get3A_70, %get3A_71] : memref<2x4x896xf32, #tpu.memory_space<vmem>>, vector<2x4x896xf32>
      %transpose3A = tpu.transpose %get3A_72, [0, 2, 1] : vector<2x4x896xf32> -> vector<2x896x4xf32>
      %slice3A_73 = vector.extract_strided_slice %transpose3A {offsets = [0, 0, 0], sizes = [2, 784, 4], strides = [1, 1, 1]} : vector<2x896x4xf32> to vector<2x784x4xf32>
      %reshape3A = vector.shape_cast %slice3A_73 : vector<2x784x4xf32> to vector<1568x4xf32>
      %slice3A_74 = vector.extract_strided_slice %reshape3A {offsets = [0, 0], sizes = [1568, 1], strides = [1, 1]} : vector<1568x4xf32> to vector<1568x1xf32>
      %slice3A_75 = vector.extract_strided_slice %reshape3A {offsets = [0, 1], sizes = [1568, 1], strides = [1, 1]} : vector<1568x4xf32> to vector<1568x1xf32>
      %convert_element_type3A_76 = arith.truncf %max3A_68 : vector<1568x512xf32> to vector<1568x512xbf16>
      %broadcast_in_dim3A = arith.constant 0.000000e+00 : f32
      %broadcast_in_dim3A_77 = vector.broadcast %broadcast_in_dim3A : f32 to vector<1x512xf32>
      %slice3A_78 = vector.extract_strided_slice %max3A_68 {offsets = [0, 0], sizes = [1567, 512], strides = [1, 1]} : vector<1568x512xf32> to vector<1567x512xf32>
      %concatenate3A = tpu.concatenate %broadcast_in_dim3A_77, %slice3A_78 in 0 : vector<1x512xf32>, vector<1567x512xf32> -> vector<1568x512xf32>
      %mul3A_79 = vector.broadcast %slice3A_74 : vector<1568x1xf32> to vector<1568x512xf32>
      %mul3A_80 = arith.mulf %mul3A_79, %concatenate3A : vector<1568x512xf32>
      %broadcast_in_dim3A_81 = arith.constant 0.000000e+00 : f32
      %broadcast_in_dim3A_82 = vector.broadcast %broadcast_in_dim3A_81 : f32 to vector<7x512xf32>
      %slice3A_83 = vector.extract_strided_slice %max3A_68 {offsets = [0, 0], sizes = [1561, 512], strides = [1, 1]} : vector<1568x512xf32> to vector<1561x512xf32>
      %concatenate3A_84 = tpu.concatenate %broadcast_in_dim3A_82, %slice3A_83 in 0 : vector<7x512xf32>, vector<1561x512xf32> -> vector<1568x512xf32>
      %mul3A_85 = vector.broadcast %slice3A_75 : vector<1568x1xf32> to vector<1568x512xf32>
      %mul3A_86 = arith.mulf %mul3A_85, %concatenate3A_84 : vector<1568x512xf32>
      %add3A_87 = arith.addf %mul3A_80, %mul3A_86 : vector<1568x512xf32>
      %convert_element_type3A_88 = arith.truncf %add3A_87 : vector<1568x512xf32> to vector<1568x512xbf16>
      %get3A_89 = arith.constant 0 : index
      %get3A_90 = arith.constant 0 : index
      %get3A_91 = vector.load %arg9[%get3A_89, %get3A_90] : memref<512x512xbf16, #tpu.memory_space<vmem>>, vector<512x512xbf16>
      %dot_general3A = arith.constant dense<0.000000e+00> : vector<1568x512xf32>
      %dot_general3A_92 = tpu.matmul %convert_element_type3A_88, %get3A_91, %dot_general3A {dimension_numbers = #tpu.dot_dimension_numbers<[1], [0], [0], [1], [0, 0, 1, 1], [], []>, transpose_lhs_hint = false} : vector<1568x512xbf16>, vector<512x512xbf16>, vector<1568x512xf32> -> vector<1568x512xf32>
      %get3A_93 = arith.constant 0 : index
      %get3A_94 = arith.constant 0 : index
      %get3A_95 = vector.load %arg10[%get3A_93, %get3A_94] : memref<512x512xbf16, #tpu.memory_space<vmem>>, vector<512x512xbf16>
      %dot_general3A_96 = arith.constant dense<0.000000e+00> : vector<1568x512xf32>
      %dot_general3A_97 = tpu.matmul %convert_element_type3A_76, %get3A_95, %dot_general3A_96 {dimension_numbers = #tpu.dot_dimension_numbers<[1], [0], [0], [1], [0, 0, 1, 1], [], []>, transpose_lhs_hint = false} : vector<1568x512xbf16>, vector<512x512xbf16>, vector<1568x512xf32> -> vector<1568x512xf32>
      %swap3A = arith.index_cast %arg1 : i32 to index
      %swap3A_98 = arith.constant 0 : index
      %swap3A_99 = arith.constant 0 : index
      %swap3A_100 = vector.load %arg18[%swap3A, %swap3A_98, %swap3A_99] : memref<4x1568x512xf32, #tpu.memory_space<vmem>>, vector<1x1568x512xf32>
      %swap3A_101 = vector.shape_cast %swap3A_100 : vector<1x1568x512xf32> to vector<1568x512xf32>
      %swap3A_102 = vector.shape_cast %dot_general3A_92 : vector<1568x512xf32> to vector<1x1568x512xf32>
      tpu.vector_store %arg18[%swap3A, %swap3A_98, %swap3A_99], %swap3A_102 {strides = array<i32>} : memref<4x1568x512xf32, #tpu.memory_space<vmem>>, vector<1x1568x512xf32>,
      %swap3A_103 = arith.index_cast %arg1 : i32 to index
      %swap3A_104 = arith.constant 0 : index
      %swap3A_105 = arith.constant 0 : index
      %swap3A_106 = vector.load %arg19[%swap3A_103, %swap3A_104, %swap3A_105] : memref<4x1568x512xf32, #tpu.memory_space<vmem>>, vector<1x1568x512xf32>
      %swap3A_107 = vector.shape_cast %swap3A_106 : vector<1x1568x512xf32> to vector<1568x512xf32>
      %swap3A_108 = vector.shape_cast %dot_general3A_97 : vector<1568x512xf32> to vector<1x1568x512xf32>
      tpu.vector_store %arg19[%swap3A_103, %swap3A_104, %swap3A_105], %swap3A_108 {strides = array<i32>} : memref<4x1568x512xf32, #tpu.memory_space<vmem>>, vector<1x1568x512xf32>,
      %reduce_sum3A = arith.constant dense<0.000000e+00> : vector<512xf32>
      %reduce_sum3A_109 = vector.multi_reduction <add>, %dot_general3A_92, %reduce_sum3A [0] : vector<1568x512xf32> to vector<512xf32>
      %broadcast_in_dim3A_110 = vector.shape_cast %reduce_sum3A_109 : vector<512xf32> to vector<1x512xf32>
      %reduce_sum3A_111 = arith.constant dense<0.000000e+00> : vector<512xf32>
      %reduce_sum3A_112 = vector.multi_reduction <add>, %dot_general3A_97, %reduce_sum3A_111 [0] : vector<1568x512xf32> to vector<512xf32>
      %broadcast_in_dim3A_113 = vector.shape_cast %reduce_sum3A_112 : vector<512xf32> to vector<1x512xf32>
      %mul3A_114 = arith.mulf %dot_general3A_92, %dot_general3A_92 : vector<1568x512xf32>
      %reduce_sum3A_115 = arith.constant dense<0.000000e+00> : vector<512xf32>
      %reduce_sum3A_116 = vector.multi_reduction <add>, %mul3A_114, %reduce_sum3A_115 [0] : vector<1568x512xf32> to vector<512xf32>
      %broadcast_in_dim3A_117 = vector.shape_cast %reduce_sum3A_116 : vector<512xf32> to vector<1x512xf32>
      %mul3A_118 = arith.mulf %dot_general3A_97, %dot_general3A_97 : vector<1568x512xf32>
      %reduce_sum3A_119 = arith.constant dense<0.000000e+00> : vector<512xf32>
      %reduce_sum3A_120 = vector.multi_reduction <add>, %mul3A_118, %reduce_sum3A_119 [0] : vector<1568x512xf32> to vector<512xf32>
      %broadcast_in_dim3A_121 = vector.shape_cast %reduce_sum3A_120 : vector<512xf32> to vector<1x512xf32>
      %mul3A_122 = arith.mulf %dot_general3A_92, %dot_general3A_97 : vector<1568x512xf32>
      %reduce_sum3A_123 = arith.constant dense<0.000000e+00> : vector<512xf32>
      %reduce_sum3A_124 = vector.multi_reduction <add>, %mul3A_122, %reduce_sum3A_123 [0] : vector<1568x512xf32> to vector<512xf32>
      %broadcast_in_dim3A_125 = vector.shape_cast %reduce_sum3A_124 : vector<512xf32> to vector<1x512xf32>
      %get3A_126 = arith.constant 5 : index
      %get3A_127 = arith.constant 0 : index
      %get3A_128 = vector.load %arg5[%get3A_126, %get3A_127] : memref<8x512xf32, #tpu.memory_space<vmem>>, vector<1x512xf32>
      %div3A_129 = arith.constant 4.000000e+00 : f32
      %div3A_130 = vector.broadcast %div3A_129 : f32 to vector<1x512xf32>
      %div3A_131 = arith.divf %get3A_128, %div3A_130 : vector<1x512xf32>
      %broadcast_in_dim3A_132 = arith.constant 0.000000e+00 : f32
      %broadcast_in_dim3A_133 = vector.broadcast %broadcast_in_dim3A_132 : f32 to vector<2x512xf32>
      %concatenate3A_134 = tpu.concatenate %broadcast_in_dim3A_110, %broadcast_in_dim3A_113, %broadcast_in_dim3A_117, %broadcast_in_dim3A_121, %broadcast_in_dim3A_125, %div3A_131, %broadcast_in_dim3A_133 in 0 : vector<1x512xf32>, vector<1x512xf32>, vector<1x512xf32>, vector<1x512xf32>, vector<1x512xf32>, vector<1x512xf32>, vector<2x512xf32> -> vector<8x512xf32>
      %eq3A_135 = arith.constant 0 : i32
      %eq3A_136 = arith.cmpi eq, %arg1, %eq3A_135 : i32
      %convert_element_type3A_137 = arith.extui %eq3A_136 : i1 to i32
      %cond3A_138 = arith.constant 0 : i32
      %cond3A_139 = arith.cmpi ne, %convert_element_type3A_137, %cond3A_138 : i32
      scf.if %cond3A_139 {
        %broadcast_in_dim3A_147 = arith.constant 0.000000e+00 : f32
        %broadcast_in_dim3A_148 = vector.broadcast %broadcast_in_dim3A_147 : f32 to vector<8x512xf32>
        %swap3A_149 = arith.constant 0 : index
        %swap3A_150 = arith.constant 0 : index
        %swap3A_151 = vector.load %arg20[%swap3A_149, %swap3A_150] : memref<8x512xf32, #tpu.memory_space<vmem>>, vector<8x512xf32>
        tpu.vector_store %arg20[%swap3A_149, %swap3A_150], %broadcast_in_dim3A_148 {strides = array<i32>} : memref<8x512xf32, #tpu.memory_space<vmem>>, vector<8x512xf32>,
      } else {
      }
      %get3A_140 = arith.constant 0 : index
      %get3A_141 = arith.constant 0 : index
      %get3A_142 = vector.load %arg20[%get3A_140, %get3A_141] : memref<8x512xf32, #tpu.memory_space<vmem>>, vector<8x512xf32>
      %add3A_143 = arith.addf %get3A_142, %concatenate3A_134 : vector<8x512xf32>
      %swap3A_144 = arith.constant 0 : index
      %swap3A_145 = arith.constant 0 : index
      %swap3A_146 = vector.load %arg20[%swap3A_144, %swap3A_145] : memref<8x512xf32, #tpu.memory_space<vmem>>, vector<8x512xf32>
      tpu.vector_store %arg20[%swap3A_144, %swap3A_145], %add3A_143 {strides = array<i32>} : memref<8x512xf32, #tpu.memory_space<vmem>>, vector<8x512xf32>,
    } else {
    }
    %eq3A_2 = arith.constant 1 : i32
    %eq3A_3 = arith.cmpi eq, %arg0, %eq3A_2 : i32
    %convert_element_type3A_4 = arith.extui %eq3A_3 : i1 to i32
    %cond3A_5 = arith.constant 0 : i32
    %cond3A_6 = arith.cmpi ne, %convert_element_type3A_4, %cond3A_5 : i32
    scf.if %cond3A_6 {
      %get3A = arith.constant 0 : index
      %get3A_7 = arith.constant 0 : index
      %get3A_8 = vector.load %arg20[%get3A, %get3A_7] : memref<8x512xf32, #tpu.memory_space<vmem>>, vector<8x512xf32>
      %get3A_9 = arith.constant 0 : index
      %get3A_10 = arith.constant 0 : index
      %get3A_11 = vector.load %arg11[%get3A_9, %get3A_10] : memref<1x512xf32, #tpu.memory_space<vmem>>, vector<1x512xf32>
      %get3A_12 = arith.constant 0 : index
      %get3A_13 = arith.constant 0 : index
      %get3A_14 = vector.load %arg12[%get3A_12, %get3A_13] : memref<1x512xf32, #tpu.memory_space<vmem>>, vector<1x512xf32>
      %get3A_15 = arith.constant 0 : index
      %get3A_16 = arith.constant 0 : index
      %get3A_17 = vector.load %arg13[%get3A_15, %get3A_16] : memref<1x512xf32, #tpu.memory_space<vmem>>, vector<1x512xf32>
      %slice3A = vector.extract_strided_slice %get3A_8 {offsets = [0, 0], sizes = [1, 512], strides = [1, 1]} : vector<8x512xf32> to vector<1x512xf32>
      %slice3A_18 = vector.extract_strided_slice %get3A_8 {offsets = [1, 0], sizes = [1, 512], strides = [1, 1]} : vector<8x512xf32> to vector<1x512xf32>
      %slice3A_19 = vector.extract_strided_slice %get3A_8 {offsets = [2, 0], sizes = [1, 512], strides = [1, 1]} : vector<8x512xf32> to vector<1x512xf32>
      %slice3A_20 = vector.extract_strided_slice %get3A_8 {offsets = [3, 0], sizes = [1, 512], strides = [1, 1]} : vector<8x512xf32> to vector<1x512xf32>
      %slice3A_21 = vector.extract_strided_slice %get3A_8 {offsets = [4, 0], sizes = [1, 512], strides = [1, 1]} : vector<8x512xf32> to vector<1x512xf32>
      %slice3A_22 = vector.extract_strided_slice %get3A_8 {offsets = [5, 0], sizes = [1, 512], strides = [1, 1]} : vector<8x512xf32> to vector<1x512xf32>
      %add3A = arith.constant 9.99999993E-9 : f32
      %add3A_23 = vector.broadcast %add3A : f32 to vector<1x512xf32>
      %add3A_24 = arith.addf %slice3A_22, %add3A_23 : vector<1x512xf32>
      %div3A = arith.constant 1.000000e+00 : f32
      %div3A_25 = vector.broadcast %div3A : f32 to vector<1x512xf32>
      %div3A_26 = arith.divf %div3A_25, %add3A_24 : vector<1x512xf32>
      %mul3A = arith.mulf %slice3A, %div3A_26 : vector<1x512xf32>
      %add3A_27 = arith.addf %mul3A, %slice3A_18 : vector<1x512xf32>
      %div3A_28 = arith.constant 6.272000e+03 : f32
      %div3A_29 = vector.broadcast %div3A_28 : f32 to vector<1x512xf32>
      %div3A_30 = arith.divf %add3A_27, %div3A_29 : vector<1x512xf32>
      %mul3A_31 = arith.mulf %slice3A_19, %div3A_26 : vector<1x512xf32>
      %mul3A_32 = arith.mulf %mul3A_31, %div3A_26 : vector<1x512xf32>
      %mul3A_33 = arith.constant 2.000000e+00 : f32
      %mul3A_34 = vector.broadcast %mul3A_33 : f32 to vector<1x512xf32>
      %mul3A_35 = arith.mulf %mul3A_34, %slice3A_21 : vector<1x512xf32>
      %mul3A_36 = arith.mulf %mul3A_35, %div3A_26 : vector<1x512xf32>
      %add3A_37 = arith.addf %mul3A_32, %mul3A_36 : vector<1x512xf32>
      %add3A_38 = arith.addf %add3A_37, %slice3A_20 : vector<1x512xf32>
      %div3A_39 = arith.constant 6.272000e+03 : f32
      %div3A_40 = vector.broadcast %div3A_39 : f32 to vector<1x512xf32>
      %div3A_41 = arith.divf %add3A_38, %div3A_40 : vector<1x512xf32>
      %mul3A_42 = arith.mulf %div3A_30, %div3A_30 : vector<1x512xf32>
      %sub3A = arith.subf %div3A_41, %mul3A_42 : vector<1x512xf32>
      %add3A_43 = arith.addf %div3A_30, %get3A_17 : vector<1x512xf32>
      %add3A_44 = arith.constant 9.99999974E-6 : f32
      %add3A_45 = vector.broadcast %add3A_44 : f32 to vector<1x512xf32>
      %add3A_46 = arith.addf %sub3A, %add3A_45 : vector<1x512xf32>
      %rsqrt3A = math.rsqrt %add3A_46 : vector<1x512xf32>
      %mul3A_47 = arith.mulf %get3A_11, %rsqrt3A : vector<1x512xf32>
      %mul3A_48 = arith.mulf %add3A_43, %mul3A_47 : vector<1x512xf32>
      %sub3A_49 = arith.subf %get3A_14, %mul3A_48 : vector<1x512xf32>
      %mul3A_50 = arith.mulf %get3A_17, %mul3A_47 : vector<1x512xf32>
      %add3A_51 = arith.addf %sub3A_49, %mul3A_50 : vector<1x512xf32>
      %get3A_52 = arith.index_cast %arg1 : i32 to index
      %get3A_53 = arith.constant 0 : index
      %get3A_54 = arith.constant 0 : index
      %get3A_55 = vector.load %arg18[%get3A_52, %get3A_53, %get3A_54] : memref<4x1568x512xf32, #tpu.memory_space<vmem>>, vector<1x1568x512xf32>
      %get3A_56 = vector.shape_cast %get3A_55 : vector<1x1568x512xf32> to vector<1568x512xf32>
      %mul3A_57 = vector.broadcast %div3A_26 : vector<1x512xf32> to vector<1568x512xf32>
      %mul3A_58 = arith.mulf %get3A_56, %mul3A_57 : vector<1568x512xf32>
      %get3A_59 = arith.index_cast %arg1 : i32 to index
      %get3A_60 = arith.constant 0 : index
      %get3A_61 = arith.constant 0 : index
      %get3A_62 = vector.load %arg19[%get3A_59, %get3A_60, %get3A_61] : memref<4x1568x512xf32, #tpu.memory_space<vmem>>, vector<1x1568x512xf32>
      %get3A_63 = vector.shape_cast %get3A_62 : vector<1x1568x512xf32> to vector<1568x512xf32>
      %add3A_64 = arith.addf %mul3A_58, %get3A_63 : vector<1568x512xf32>
      %mul3A_65 = vector.broadcast %mul3A_47 : vector<1x512xf32> to vector<1568x512xf32>
      %mul3A_66 = arith.mulf %add3A_64, %mul3A_65 : vector<1568x512xf32>
      %add3A_67 = vector.broadcast %add3A_51 : vector<1x512xf32> to vector<1568x512xf32>
      %add3A_68 = arith.addf %mul3A_66, %add3A_67 : vector<1568x512xf32>
      %max3A = arith.constant 0.000000e+00 : f32
      %max3A_69 = vector.broadcast %max3A : f32 to vector<1568x512xf32>
      %max3A_70 = arith.maximumf %add3A_68, %max3A_69 : vector<1568x512xf32>
      %get3A_71 = arith.constant 0 : index
      %get3A_72 = arith.constant 0 : index
      %get3A_73 = arith.constant 0 : index
      %get3A_74 = vector.load %arg4[%get3A_71, %get3A_72, %get3A_73] : memref<2x4x896xf32, #tpu.memory_space<vmem>>, vector<2x4x896xf32>
      %transpose3A = tpu.transpose %get3A_74, [0, 2, 1] : vector<2x4x896xf32> -> vector<2x896x4xf32>
      %slice3A_75 = vector.extract_strided_slice %transpose3A {offsets = [0, 0, 0], sizes = [2, 784, 4], strides = [1, 1, 1]} : vector<2x896x4xf32> to vector<2x784x4xf32>
      %reshape3A = vector.shape_cast %slice3A_75 : vector<2x784x4xf32> to vector<1568x4xf32>
      %slice3A_76 = vector.extract_strided_slice %reshape3A {offsets = [0, 2], sizes = [1568, 1], strides = [1, 1]} : vector<1568x4xf32> to vector<1568x1xf32>
      %convert_element_type3A_77 = arith.truncf %max3A_70 : vector<1568x512xf32> to vector<1568x512xbf16>
      %get3A_78 = arith.constant 0 : index
      %get3A_79 = arith.constant 0 : index
      %get3A_80 = vector.load %arg14[%get3A_78, %get3A_79] : memref<512x512xbf16, #tpu.memory_space<vmem>>, vector<512x512xbf16>
      %dot_general3A = arith.constant dense<0.000000e+00> : vector<1568x512xf32>
      %dot_general3A_81 = tpu.matmul %convert_element_type3A_77, %get3A_80, %dot_general3A {dimension_numbers = #tpu.dot_dimension_numbers<[1], [0], [0], [1], [0, 0, 1, 1], [], []>, transpose_lhs_hint = false} : vector<1568x512xbf16>, vector<512x512xbf16>, vector<1568x512xf32> -> vector<1568x512xf32>
      %get3A_82 = arith.constant 0 : index
      %get3A_83 = arith.constant 0 : index
      %get3A_84 = vector.load %arg15[%get3A_82, %get3A_83] : memref<1x512xf32, #tpu.memory_space<vmem>>, vector<1x512xf32>
      %mul3A_85 = vector.broadcast %slice3A_76 : vector<1568x1xf32> to vector<1568x512xf32>
      %mul3A_86 = vector.broadcast %get3A_84 : vector<1x512xf32> to vector<1568x512xf32>
      %mul3A_87 = arith.mulf %mul3A_85, %mul3A_86 : vector<1568x512xf32>
      %add3A_88 = arith.addf %dot_general3A_81, %mul3A_87 : vector<1568x512xf32>
      %get3A_89 = arith.constant 0 : index
      %get3A_90 = arith.constant 0 : index
      %get3A_91 = vector.load %arg16[%get3A_89, %get3A_90] : memref<1x512xf32, #tpu.memory_space<vmem>>, vector<1x512xf32>
      %add3A_92 = vector.broadcast %get3A_91 : vector<1x512xf32> to vector<1568x512xf32>
      %add3A_93 = arith.addf %add3A_88, %add3A_92 : vector<1568x512xf32>
      %max3A_94 = arith.constant 0.000000e+00 : f32
      %max3A_95 = vector.broadcast %max3A_94 : f32 to vector<1568x512xf32>
      %max3A_96 = arith.maximumf %add3A_93, %max3A_95 : vector<1568x512xf32>
      %convert_element_type3A_97 = arith.truncf %max3A_96 : vector<1568x512xf32> to vector<1568x512xbf16>
      %swap3A = arith.constant 0 : index
      %swap3A_98 = arith.constant 0 : index
      %swap3A_99 = vector.load %arg17[%swap3A, %swap3A_98] : memref<1568x512xbf16, #tpu.memory_space<vmem>>, vector<1568x512xbf16>
      tpu.vector_store %arg17[%swap3A, %swap3A_98], %convert_element_type3A_97 {strides = array<i32>} : memref<1568x512xbf16, #tpu.memory_space<vmem>>, vector<1568x512xbf16>,
    } else {
    }
    return
  }
  func.func @transform_0(%arg0: i32, %arg1: i32) -> (i32, i32) {
    %eq3A = arith.constant 0 : i32
    %eq3A_0 = arith.cmpi eq, %arg0, %eq3A : i32
    %jit3A = arith.constant 0 : i32
    %select_n3A = arith.select %eq3A_0, %arg1, %jit3A : i32
    %c0_i32 = arith.constant 0 : i32
    %c0_i32_1 = arith.constant 0 : i32
    return %select_n3A, %c0_i32 : i32, i32
  }
  func.func @transform_1(%arg0: i32, %arg1: i32) -> (i32, i32) {
    %eq3A = arith.constant 0 : i32
    %eq3A_0 = arith.cmpi eq, %arg0, %eq3A : i32
    %jit3A = arith.constant 0 : i32
    %select_n3A = arith.select %eq3A_0, %arg1, %jit3A : i32
    %c0_i32 = arith.constant 0 : i32
    %c0_i32_1 = arith.constant 0 : i32
    return %select_n3A, %c0_i32 : i32, i32
  }
  func.func @transform_2(%arg0: i32, %arg1: i32) -> (i32, i32, i32) {
    %c0_i32 = arith.constant 0 : i32
    %c0_i32_0 = arith.constant 0 : i32
    %c0_i32_1 = arith.constant 0 : i32
    return %arg1, %c0_i32, %c0_i32_0 : i32, i32, i32
  }
  func.func @transform_3(%arg0: i32, %arg1: i32) -> (i32, i32) {
    %c0_i32 = arith.constant 0 : i32
    %c0_i32_0 = arith.constant 0 : i32
    %c0_i32_1 = arith.constant 0 : i32
    return %c0_i32, %c0_i32_0 : i32, i32
  }
  func.func @transform_4(%arg0: i32, %arg1: i32) -> (i32, i32) {
    %c0_i32 = arith.constant 0 : i32
    %c0_i32_0 = arith.constant 0 : i32
    %c0_i32_1 = arith.constant 0 : i32
    return %c0_i32, %c0_i32_0 : i32, i32
  }
  func.func @transform_5(%arg0: i32, %arg1: i32) -> (i32, i32) {
    %c0_i32 = arith.constant 0 : i32
    %c0_i32_0 = arith.constant 0 : i32
    %c0_i32_1 = arith.constant 0 : i32
    return %c0_i32, %c0_i32_0 : i32, i32
  }
  func.func @transform_6(%arg0: i32, %arg1: i32) -> (i32, i32) {
    %c0_i32 = arith.constant 0 : i32
    %c0_i32_0 = arith.constant 0 : i32
    %c0_i32_1 = arith.constant 0 : i32
    return %c0_i32, %c0_i32_0 : i32, i32
  }
  func.func @transform_7(%arg0: i32, %arg1: i32) -> (i32, i32) {
    %c0_i32 = arith.constant 0 : i32
    %c0_i32_0 = arith.constant 0 : i32
    %c0_i32_1 = arith.constant 0 : i32
    return %c0_i32, %c0_i32_0 : i32, i32
  }
  func.func @transform_8(%arg0: i32, %arg1: i32) -> (i32, i32) {
    %c0_i32 = arith.constant 0 : i32
    %c0_i32_0 = arith.constant 0 : i32
    %c0_i32_1 = arith.constant 0 : i32
    return %c0_i32, %c0_i32_0 : i32, i32
  }
  func.func @transform_9(%arg0: i32, %arg1: i32) -> (i32, i32) {
    %c0_i32 = arith.constant 0 : i32
    %c0_i32_0 = arith.constant 0 : i32
    %c0_i32_1 = arith.constant 0 : i32
    return %c0_i32, %c0_i32_0 : i32, i32
  }
  func.func @transform_10(%arg0: i32, %arg1: i32) -> (i32, i32) {
    %c0_i32 = arith.constant 0 : i32
    %c0_i32_0 = arith.constant 0 : i32
    %c0_i32_1 = arith.constant 0 : i32
    return %c0_i32, %c0_i32_0 : i32, i32
  }
  func.func @transform_11(%arg0: i32, %arg1: i32) -> (i32, i32) {
    %c0_i32 = arith.constant 0 : i32
    %c0_i32_0 = arith.constant 0 : i32
    %c0_i32_1 = arith.constant 0 : i32
    return %c0_i32, %c0_i32_0 : i32, i32
  }
  func.func @transform_12(%arg0: i32, %arg1: i32) -> (i32, i32) {
    %c0_i32 = arith.constant 0 : i32
    %c0_i32_0 = arith.constant 0 : i32
    %c0_i32_1 = arith.constant 0 : i32
    return %c0_i32, %c0_i32_0 : i32, i32
  }
  func.func @transform_13(%arg0: i32, %arg1: i32) -> (i32, i32) {
    %c0_i32 = arith.constant 0 : i32
    %c0_i32_0 = arith.constant 0 : i32
    %c0_i32_1 = arith.constant 0 : i32
    return %c0_i32, %c0_i32_0 : i32, i32
  }
  func.func @transform_14(%arg0: i32, %arg1: i32) -> (i32, i32) {
    %c0_i32 = arith.constant 0 : i32
    %c0_i32_0 = arith.constant 0 : i32
    %c0_i32_1 = arith.constant 0 : i32
    return %c0_i32, %c0_i32_0 : i32, i32
  }
  func.func @transform_15(%arg0: i32, %arg1: i32) -> (i32, i32) {
    %eq3A = arith.constant 1 : i32
    %eq3A_0 = arith.cmpi eq, %arg0, %eq3A : i32
    %jit3A = arith.constant 0 : i32
    %select_n3A = arith.select %eq3A_0, %arg1, %jit3A : i32
    %c0_i32 = arith.constant 0 : i32
    %c0_i32_1 = arith.constant 0 : i32
    return %select_n3A, %c0_i32 : i32, i32
  }
}

</mosaic_0001>

<sc_bundles>
// kernel: kernel.6.cloned.1.call-start
scs
__scs_entry_jumppad:
0x0: {  	(pc) =	sbr.rel $0x88, $3  }
0x1: {  	(tag) =	ssettag $0x0;
	lr =	simm.s32 $0x1  }
0x2: {  	[smem:$0x3F91] =	sst lr;
	_ =	strace $0xD0000000  }
0x3: {  	_ = 	snop  }
0x4: {  	_ = 	snop  }
0x5: {  	_ = 	snop  }
0x6: {  	_ = 	snop  }
0x7: {  	_ = 	snop  }
__scs_overlays_trampoline_lowered:
0x8: {  	[smem:$0x3FA0] =	sst s0  }
0x9: {  	[smem:$0x3FA1] =	sst s1  }
0xa: {  	[smem:$0x3FA2] =	sst s2  }
0xb: {  	[smem:$0x3FA3] =	sst s3  }
0xc: {  	[smem:$0x3FA4] =	sst s4  }
0xd: {  	[smem:$0x3FA5] =	sst s5  }
0xe: {  	[smem:$0x3FA6] =	sst s6  }
0xf: {  	[smem:$0x3FA7] =	sst s7  }
0x10: {  	[smem:$0x3FA8] =	sst s8  }
0x11: {  	[smem:$0x3FA9] =	sst s9;
	s0 =	simm.s32 @!p0 $0x0  }
0x12: {  	s1 =	sld [smem:$0x3F8F];
	s0 =	simm.s32 @p0 $0x1  }
0x13: {  	[smem:$0x3FAA] =	sst s0;
	s0 =	simm.s32 @!p1 $0x0  }
0x14: {  	s2 =	sld [smem:$0x3F8E];
	s0 =	simm.s32 @p1 $0x1  }
0x15: {  	[smem:$0x3FAB] =	sst s0;
	s0 =	simm.s32 @!p2 $0x0  }
0x16: {  	s3 =	sld [smem:$0x3FDB];
	s0 =	simm.s32 @p2 $0x1  }
0x17: {  	s4 =	simm.s32 $0x1BF5;
	[smem:$0x3FAD] =	sst s0  }
0x18: {  	s0 =	sld [smem:$0x3F90];
	_ =	swait.ge [sflag:s4], $0x0  }
0x19: {  	s7 =	sld [smem:$0x3F91]  }
0x1a: {  	s8 =	sadd.s32 $0xFFFFE003, lr  }
0x1b: {  	s9 =	sadd.s32 $0xFFFFFEF7, lr;
	s5 =	simm.s32 $0xFFFFFFFF;
	p2 =	slt.u32 s8, $0xFFFFF086  }
0x1c: {  	p1 =	slt.u32 s9, $0xF7A;
	s5 =	simm.s32 @!p2 $0x0  }
0x1d: {  	s5 =	simm.s32 @p1 $0x1;
	p0 =	seq.s32 s7, s2  }
0x1e: {  	s7 =	smul.u32 @!p0 $0xF7A, s2;
	p2 =	seq.s32 @!p0 s5, $0x0  }
0x1f: {  	s9 =	smul.u32 $0xF7A, s1;
	s8 =	simm.s32 @!p0 $0x1BF5;
	p2 =	por !p2, p0  }
0x20: {  	[sflag:s8] =	ssyncset.s32 @!p0 $0xFFFFF086;
	s6 =	sadd.s32 @!p0 s3, s7;
	s7 =	simm.s32 @!p0 $0x108  }
0x21: {  	s3 =	sadd.s32 s3, s9;
	s6 =	sadd.s32 @!p0 $0x88, s6;
	s7 =	simm.s32 @p2 $0x1082  }
0x22: {  	[simem:s7], [sflag:s8] =	dma.local @!p0 [hbm:s6], $0xF7A  }
0x23: {  	s9 =	sor.u32 $0xD0000000, s2;
	s6 =	simm.s32 $0x108;
	_ =	swait.ge @!p0 [sflag:s8], $0x0  }
0x24: {  	s3 =	sadd.s32 $0x88, s3;
	s6 =	simm.s32 @!p1 $0x1082;
	[sflag:s4] =	ssyncset.s32 $0xFFFFF086  }
0x25: {  	[simem:s6], [sflag:s4] =	dma.local [hbm:s3], $0xF7A  }
0x26: {  	[smem:$0x3F91] =	sst s1;
	(tag) =	ssettag s2;
	_ =	strace s9  }
0x27: {  	s1 =	sld [smem:$0x3FA1]  }
0x28: {  	s2 =	sld [smem:$0x3FA2]  }
0x29: {  	s4 =	sld [smem:$0x3FA4]  }
0x2a: {  	p0 =	seq.s32 s5, $0x0;
	s5 =	sld [smem:$0x3FA5]  }
0x2b: {  	s6 =	sld [smem:$0x3FA6]  }
0x2c: {  	s7 =	sld [smem:$0x3FA7]  }
0x2d: {  	s3 =	simm.s32 $0x108;
	s8 =	sld [smem:$0x3FA8]  }
0x2e: {  	s3 =	simm.s32 @!p0 $0x1082;
	s9 =	sld [smem:$0x3FA9]  }
0x2f: {  	lr =	sadd.s32 s0, s3;
	s0 =	sld [smem:$0x3FA0]  }
0x30: {  	s3 =	sld [smem:$0x3FA3]  }
0x31: {  	[smem:$0x3FAC] =	sst s10  }
0x32: {  	s10 =	sld [smem:$0x3FAA];
	_ =	sdelay $0x3  }
0x33: {  	p0 =	seq.s32 s10, $0x1;
	s10 =	sld [smem:$0x3FAC];
	_ =	sdelay $0x3  }
0x34: {  	[smem:$0x3FAC] =	sst s10  }
0x35: {  	s10 =	sld [smem:$0x3FAB];
	_ =	sdelay $0x3  }
0x36: {  	p1 =	seq.s32 s10, $0x1;
	s10 =	sld [smem:$0x3FAC];
	_ =	sdelay $0x3  }
0x37: {  	[smem:$0x3FAC] =	sst s10  }
0x38: {  	s10 =	sld [smem:$0x3FAD]  }
0x39: {  	_ = 	snop;
	(pc) =	sbr.ind lr, $3  }
0x3a: {  	_ = 	snop  }
0x3b: {  	_ = 	snop  }
0x3c: {  	p2 =	seq.s32 s10, $0x1;
	s10 =	sld [smem:$0x3FAC]  }
0x3d: {  	_ =	shalt  }
0x3e: {  	_ =	shalt  }
0x3f: {  	_ =	shalt  }
0x40: {  	_ =	shalt  }
0x41: {  	_ =	shalt  }
0x42: {  	_ =	shalt  }
0x43: {  	_ =	shalt  }
0x44: {  	_ =	shalt  }
0x45: {  	_ =	shalt  }
0x46: {  	_ =	shalt  }
0x47: {  	_ =	shalt  }
0x48: {  	_ =	shalt  }
0x49: {  	_ =	shalt  }
0x4a: {  	_ =	shalt  }
0x4b: {  	_ =	shalt  }
0x4c: {  	_ =	shalt  }
0x4d: {  	_ =	shalt  }
0x4e: {  	_ =	shalt  }
0x4f: {  	_ =	shalt  }
0x50: {  	_ =	shalt  }
0x51: {  	_ =	shalt  }
0x52: {  	_ =	shalt  }
0x53: {  	_ =	shalt  }
0x54: {  	_ =	shalt  }
0x55: {  	_ =	shalt  }
0x56: {  	_ =	shalt  }
0x57: {  	_ =	shalt  }
0x58: {  	_ =	shalt  }
0x59: {  	_ =	shalt  }
0x5a: {  	_ =	shalt  }
0x5b: {  	_ =	shalt  }
0x5c: {  	_ =	shalt  }
0x5d: {  	_ =	shalt  }
0x5e: {  	_ =	shalt  }
0x5f: {  	_ =	shalt  }
0x60: {  	_ =	shalt  }
0x61: {  	_ =	shalt  }
0x62: {  	_ =	shalt  }
0x63: {  	_ =	shalt  }
0x64: {  	_ =	shalt  }
0x65: {  	_ =	shalt  }
0x66: {  	_ =	shalt  }
0x67: {  	_ =	shalt  }
0x68: {  	_ =	shalt  }
0x69: {  	_ =	shalt  }
0x6a: {  	_ =	shalt  }
0x6b: {  	_ =	shalt  }
0x6c: {  	_ =	shalt  }
0x6d: {  	_ =	shalt  }
0x6e: {  	_ =	shalt  }
0x6f: {  	_ =	shalt  }
0x70: {  	_ =	shalt  }
0x71: {  	_ =	shalt  }
0x72: {  	_ =	shalt  }
0x73: {  	_ =	shalt  }
0x74: {  	_ =	shalt  }
0x75: {  	_ =	shalt  }
0x76: {  	_ =	shalt  }
0x77: {  	_ =	shalt  }
0x78: {  	_ =	shalt  }
0x79: {  	_ =	shalt  }
0x7a: {  	_ =	shalt  }
0x7b: {  	_ =	shalt  }
0x7c: {  	_ =	shalt  }
0x7d: {  	_ =	shalt  }
0x7e: {  	_ =	shalt  }
0x7f: {  	_ =	shalt  }
0x80: {  	_ =	shalt  }
0x81: {  	_ =	shalt  }
0x82: {  	_ =	shalt  }
0x83: {  	_ =	shalt  }
0x84: {  	_ =	shalt  }
0x85: {  	_ =	shalt  }
0x86: {  	_ =	shalt  }
0x87: {  	_ =	shalt  }
.Lfunc_end0:
.L_simem_size_0:
called_computation_lowered:
.L_overlay_start_0:
0x88: {  	s2 =	sld [smem:$0x3FD9]  }
0x89: {  	s3 =	sld [smem:$0x3FFE];
	_ =	sdelay $0x1  }
0x8a: {  	s1 =	srdreg.scid  }
0x8b: {  	s0 =	sand.u32 $0x1, s1  }
0x8c: {  	s16 =	sshll.u32 s0, $0xA;
	s2 =	sadd.s32 s3, s2  }
0x8d: {  	s2 =	sadd.s32 s2, s16  }
0x8e: {  	[smem:$0x3FB8] =	sst s2  }
0x8f: {  	_ = 	snop  }
0x90: {  	(tm) =	ssettm $0x1  }
0x91: {  	s17 =	sld [smem:$0x3FFB];
	_ =	sdelay $0x3  }
0x92: {  	_ =	strace s17  }
0x93: {  	s2 =	sld [smem:$0x3FFC];
	_ =	sdelay $0x3  }
0x94: {  	_ =	strace s2  }
0x95: {  	s2 =	sld [smem:$0x3FFD];
	_ =	sdelay $0x3  }
0x96: {  	_ =	strace s2  }
0x97: {  	_ =	strace $0x8FFFFFFF  }
0x98: {  	s18 =	sld [smem:$0x3FDB];
	_ =	sdelay $0x1  }
0x99: {  	s19 =	simm.s32 $_scs_section_size  }
0x9a: {  	s4 =	simm.s32 $_size__tile_overlayer_lowered;
	s5 =	simm.s32 $_tile_overlayer_lowered  }
0x9b: {  	s22 =	simm.s32 $0x1BFF;
	s21 =	sshll.u32 s5, $0x1;
	s2 =	sadd.s32 s19, s18  }
0x9c: {  	s6 =	simm.s32 $0x0;
	s20 =	sshll.u32 s4, $0x1;
	s4 =	sadd.s32 s21, s2  }
0x9d: {  	[timem:s6], [sflag:s22] =	dma.local [hbm:s4], s20  }
0x9e: {  	_ =	swait.ge [sflag:s22], s20  }
0x9f: {  	s3 =	ssub.s32 $0x0, s20;
	[sflag:s22] =	ssyncset.done $0x0  }
0xa0: {  	[sflag:s22] =	ssyncadd.s32 s3;
	_ =	sdelay $0x1  }
0xa1: {  	s23 =	simm.s32 $0x1B8B  }
0xa2: {  	_ =	swait.ge [sflag:s23], $0x1  }
0xa3: {  	[sflag:s23] =	ssyncset.done $0x0  }
0xa4: {  	s25 =	simm.s32 $0x1B8E;
	s24 =	sld [smem:$0x3FFE];
	[sflag:s23] =	ssyncadd.s32 $0xFFFFFFFF  }
0xa5: {  	s26 =	simm.s32 $execute0_lowered;
	[smem:$0x3FD2] =	sst s25  }
0xa6: {  	s4 =	sshll.u32 s26, $0x1;
	_ =	strace $0x80000046;
	[dreg:$0x1] =	wrdreg $0xFFFFFFFF  }
0xa7: {  	s28 =	simm.s32 $_size_execute0_lowered;
	s2 =	sadd.s32 s2, s4;
	[dreg:$0x0] =	wrdreg $0x0  }
0xa8: {  	s4 =	sshll.u32 s28, $0x1;
	[dreg:$0x2] =	wrdreg s2  }
0xa9: {  	[dreg:$0x3] =	wrdreg s4  }
0xaa: {  	[dreg:$0x4] =	wrdreg $0xC0  }
0xab: {  	_ =	task [dreg:s6], $0x5FFFF  }
0xac: {  	[dreg:$0x1] =	wrdreg $0xFFFFFFFF  }
0xad: {  	[dreg:$0x0] =	wrdreg $0x60  }
0xae: {  	[dreg:$0x2] =	wrdreg s24  }
0xaf: {  	[dreg:$0x3] =	wrdreg $0x9  }
0xb0: {  	_ =	task.clear_ibuf [dreg:s6], $0x4FFFF;
	_ =	strace $0x90000046  }
0xb1: {  	s29 =	simm.s32 $0x9;
	_ =	strace $0x80000048  }
0xb2: {  	_ =	swait.ge [sflag:s29], $0x1  }
0xb3: {  	[sflag:s29] =	ssyncadd.s32 $0xFFFFFFFF  }
0xb4: {  	_ =	strace $0x90000048  }
0xb5: {  	_ =	sfence  }
0xb6: {  	s30 =	sld [smem:$0x0];
	_ =	sdelay $0x2  }
0xb7: {  	s31 =	sshll.u32 s1, $0xD;
	s1 =	sshrl.u32 s1, $0x2  }
0xb8: {  	s3 =	sand.u32 $0x4000, s31;
	s1 =	sadd.s32 s1, s30  }
0xb9: {  	s0 =	sor.u32 s3, s0;
	s1 =	sshll.u32 s1, $0x11  }
0xba: {  	s0 =	sor.u32 s1, s0  }
0xbb: {  	s0 =	sadd.s32 $0x8F2B, s0  }
0xbc: {  	[sflag:s0] =	ssyncadd.remote.s32 $0x1  }
0xbd: {  	_ =	sfence.sel $0xFFFF  }
0xbe: {  	[dreg:$0x0] =	wrdreg $0xFFFFFFFF;
	(pc) =	sbr.abs _section_cstart, $3  }
0xbf: {  	[dreg:$0x1] =	wrdreg $0xFFFFFFFF  }
0xc0: {  	_ =	task.clear_ibuf [dreg:s6], $0x2FFFF;
	_ =	strace $0x9FFFFFFF  }
0xc1: {  	(tm) =	ssettm $0x7FFFFFFF  }
tec
execute0_lowered:
.L_overlay_start_1:
0x0: {  	(tag) =	ssettag $0x1  }
0x1: {  	s4 =	rddreg [dreg:$0x0]  }
0x2: {  	s0 =	rddreg [dreg:$0x1]  }
0x3: {  	s1 =	simm.s32 $0x0;
	s5 =	srdreg.scid;
	s2 =	stileid.u32  }
0x4: {  	s15 =	simm.s32 $0xB400;
	s16 =	simm.s32 $0xBC00;
	s17 =	simm.s32 $0x1C00  }
0x5: {  	s18 =	simm.s32 $0x0;
	[smem:$0x7FF] =	sst s1;
	s28 =	smul.u32 $0x700, s2  }
0x6: {  	s7 =	sadd.s32 $0x3000, s4;
	s3 =	sadd.s32 $0x6800, s4;
	s11 =	smul.u32 $0x1C0, s2  }
0x7: {  	s8 =	sand.u32 $0x1, s5;
	s9 =	sadd.s32 $0x7C00, s4;
	s13 =	smul.u32 $0x3800, s2  }
0x8: {  	s25 =	sshll.u32 s2, $0x5;
	p1 =	slt.u32 s2, $0x8;
	s14 =	smul.u32 $0xE00, s2  }
0x9: {  	_ =	strace $0x80000047;
	s6 =	ssub.s32 $0x2, s8;
	s10 =	sadd.s32 s25, s4  }
0xa: {  	p0 =	seq.s32 s8, $0x0;
	p2 =	seq.s32 s8, $0x1;
	s26 =	sshrl.u32 s6, $0x1  }
0xb: {  	p0 =	por !p1, !p0;
	s4 =	sadd.s32 s7, s28;
	s5 =	sadd.s32 s9, s11  }
0xc: {  	p1 =	por !p1, !p2;
	s29 =	sshrl.u32 s13, $0x3;
	s30 =	sshrl.u32 s14, $0x3  }
.Ltmp0:
0xd: {  	s13 =	simm.s32 $0x1;
	s14 =	simm.s32 $0x2000;
	(pc) =	sbr.rel .LBB2_1-.Ltmp0, $4  }
0xe: {  	s12 =	ssub.s32 s6, s26;
	p0 =	por !p0, !p0;
	s6 =	sadd.s32 $0x8A00, s10  }
0xf: {  	p1 =	por !p1, !p1;
	s7 =	sadd.s32 s7, s29;
	s31 =	sadd.s32 s9, s30  }
0x10: {  	s9 =	sadd.s32 $0x8A10, s10;
	s11 =	sadd.s32 $0x380, s4;
	s7 =	sadd.s32 $0x180, s7  }
0x11: {  	v0 =	vimm.f32 $1.779999920e+01;
	s8 =	sadd.s32 $0xC0, s31;
	s10 =	smax.u32 s12, $0x1;
	s12 =	simm.s32 $0x1000  }
.LBB2_8:
0x12: {  	v3 =	vpop (erf);
	v4 =	vld [tilespmem:s25+$0x6880]  }
0x13: {  	v3 =	vadd.f32 $1.000000000e+00, v3;
	v5 =	vpop (erf)  }
0x14: {  	v5 =	vmul.f32 v5, v2;
	v6 =	vpop (erf)  }
0x15: {  	(erf) = vrcp.f32 v3;
	v3 =	vadd.f32 $1.000000000e+00, v6  }
0x16: {  	v7 =	vpop (erf);
	v57 =	vmul.f32 $1.442695020e+00, v5  }
0x17: {  	v7 =	vmul.f32 v7, v4;
	(erf) = vrcp.f32 v3  }
0x18: {  	(erf) = vpow2.f32 v57  }
0x19: {  	v3 =	vmul.f32 $1.442695020e+00, v7  }
0x1a: {  	v58 =	vld [tilespmem:s25+$0x6980]  }
0x1b: {  	(erf) = vpow2.f32 v3  }
0x1c: {  	v3 =	vld [tilespmem:s25+$0x6A00];
	_ =	sdelay $0x1  }
0x1d: {  	v8 =	vpop (erf)  }
0x1e: {  	v59 =	vld [tilespmem:s25+$0x6900];
	v5 =	vadd.f32 v7, v5;
	v6 =	vmul.f32 v8, v58  }
0x1f: {  	v60 =	vld [tilespmem:s25+$0x6A80];
	v9 =	vpop (erf)  }
0x20: {  	v3 =	vmul.f32 v9, v3;
	v5 =	vadd.f32 v6, v5;
	v61 =	vpop (erf)  }
0x21: {  	v2 =	vmul.f32 v61, v2  }
0x22: {  	v3 =	vadd.f32 v3, v5  }
0x23: {  	s20 =	sand.u32 $0x3FFFFE00, s21;
	v62 =	vmul.f32 v2, v59;
	v63 =	vpop (erf)  }
0x24: {  	s19 =	sor.u32 s19, s20;
	v4 =	vmul.f32 v63, v4;
	v3 =	vmul.f32 v3, v60  }
0x25: {  	v1 =	vadd.f32 v2, v1;
	[tilespmem:s19+$0xB400] =	vst v62  }
0x26: {  	v2 =	vmul.f32 v4, v59;
	[tilespmem:s19+$0xB500] =	vst v3  }
0x27: {  	v1 =	vadd.f32 v4, v1;
	[tilespmem:s19+$0xB580] =	vst v3  }
0x28: {  	[tilespmem:s19+$0xB480] =	vst v2  }
0x29: {  	[tilespmem:$0xBC00] =	vst v1  }
0x2a: {  	[hbm4b:s8+s1] =	stream.linear.scatter [tilespmem:s15], [sflag:$0x1], $0x800, $0x38;
	[tilespmem:$0xBC80] =	vst v63  }
0x2b: {  	_ =	swait.ge [sflag:s13], $0x800  }
0x2c: {  	[sflag:s13] =	ssyncset.done $0x0  }
0x2d: {  	[sflag:s13] =	ssyncadd.s32 $0xFFFFF800  }
0x2e: {  	[hbm4b:s9+s1] =	stream.linear.scatter [tilespmem:s16], [sflag:$0x1], $0x80, $0x38;
	[tilespmem:$0xBC80] =	vst v63  }
0x2f: {  	_ =	swait.ge [sflag:s13], $0x80  }
0x30: {  	[sflag:s13] =	ssyncset.done $0x0  }
0x31: {  	[sflag:s13] =	ssyncadd.s32 $0xFFFFFF80  }
.LBB2_9:
0x32: {  	s18 =	sadd.s32 $0x1, s18  }
0x33: {  	p2 =	sne.s32 s18, s10  }
.Ltmp1:
0x34: {  	_ = 	snop;
	(pc) =	sbr.rel @!p2 .LBB2_10-.Ltmp1, $1  }
0x35: {  	_ =	sdelay $0x3  }
.LBB2_1:
.Ltmp2:
0x36: {  	(pc) =	sbr.rel @!p0 .LBB2_5-.Ltmp2, $1  }
0x37: {  	_ =	sdelay $0x3  }
0x38: {  	s20 =	simm.s32 $0x0  }
0x39: {  	[tilespmem:s20], [sflag:$0x1] =	stream.linear.gather [hbm4b:s4+s20], $0xC00, $0x38;
	[tilespmem:$0xBC80] =	vst v63  }
0x3a: {  	_ = 	snop  }
0x3b: {  	[tilespmem:s12], [sflag:$0x1] =	stream.linear.gather [hbm4b:s11+s20], $0xC00, $0x38;
	[tilespmem:$0xBC80] =	vst v63  }
0x3c: {  	_ =	swait.ge [sflag:s13], $0x1800  }
0x3d: {  	[sflag:s13] =	ssyncset.done $0x0  }
0x3e: {  	[sflag:s13] =	ssyncadd.s32 $0xFFFFE800  }
0x3f: {  	[tilespmem:s14], [sflag:$0x1] =	stream.linear.gather [hbm4b:s3+s20], $0x9300, $0x38;
	[tilespmem:$0xBC80] =	vst v63  }
0x40: {  	s21 =	simm.s32 $0x0;
	_ =	swait.ge [sflag:s13], $0x9300  }
0x41: {  	s19 =	sand.u32 $0x70, s20;
	s21 =	sand.u32 $0x3FFFFC00, s21;
	[sflag:s13] =	ssyncset.done $0x0  }
0x42: {  	s21 =	sor.u32 s19, s21;
	[sflag:s13] =	ssyncadd.s32 $0xFFFF6D00  }
0x43: {  	v1 =	vld [tilespmem:s21+$0x280]  }
0x44: {  	v2 =	vld [tilespmem:s21+$0x80]  }
0x45: {  	v3 =	vld [tilespmem:s21+$0x200]  }
0x46: {  	v4 =	vld [tilespmem:s21+$0x180]  }
0x47: {  	v5 =	vld [tilespmem:s21+$0x100]  }
0x48: {  	v6 =	vld [tilespmem:s21+$0x0]  }
0x49: {  	v7 =	vld [tilespmem:s21+$0x380]  }
0x4a: {  	v8 =	vld [tilespmem:s21+$0x300]  }
0x4b: {  	v9 =	vld [tilespmem:s21+$0x1080]  }
0x4c: {  	v10 =	vld [tilespmem:s21+$0x1000]  }
0x4d: {  	v4 =	vsub.f32 v2, v4;
	v1 =	vsub.f32 v2, v1  }
0x4e: {  	v5 =	vsub.f32 v6, v5;
	v7 =	vsub.f32 v7, v2  }
0x4f: {  	v3 =	vsub.f32 v6, v3;
	v8 =	vsub.f32 v8, v6  }
0x50: {  	v9 =	vsub.f32 v9, v2;
	v4 =	vmul.f32 v4, v4;
	v5 =	vmul.f32 v5, v5  }
0x51: {  	v6 =	vsub.f32 v10, v6;
	v1 =	vmul.f32 v1, v1;
	v3 =	vmul.f32 v3, v3  }
0x52: {  	v7 =	vmul.f32 v7, v7;
	v2 =	vadd.f32 v4, v5;
	v4 =	vmul.f32 v9, v9  }
0x53: {  	v1 =	vadd.f32 v1, v3;
	v3 =	vmul.f32 v8, v8;
	v5 =	vmul.f32 v6, v6  }
0x54: {  	vm0 =	vlt.f32 v2, $1.000000010e-01;
	vm1 =	vlt.f32 v2, $1.000000000e+02;
	vm2 =	vlt.f32 v2, $1.000000000e+01  }
0x55: {  	vm3 =	vlt.f32 v2, $1.000000000e+00;
	vm12 =	vlt.f32 v1, $1.000000000e+02;
	vm13 =	vlt.f32 v1, $1.000000000e+01  }
0x56: {  	vm14 =	vlt.f32 v1, $1.000000000e+00;
	v3 =	vadd.f32 v7, v3;
	v6 =	vsel vm1, $0x40B33333, v0  }
0x57: {  	vm15 =	vlt.f32 v1, $9.999999770e-03;
	vm8 =	vlt.f32 v1, $1.000000010e-01;
	v6 =	vsel vm2, $0x3FE3D70A, v6  }
0x58: {  	vm9 =	vlt.f32 v1, $1.000000050e-03;
	vm4 =	vlt.f32 v2, $9.999999770e-03;
	v6 =	vsel vm3, $0x3F0F5C29, v6  }
0x59: {  	vm10 =	vlt.f32 v2, $1.000000050e-03;
	vm5 =	vlt.f32 v2, $9.999999740e-05;
	v6 =	vsel vm0, $0x3E3645A2, v6  }
0x5a: {  	v4 =	vadd.f32 v4, v5;
	v8 =	vsel vm12, $0x40B33333, v0;
	v6 =	vsel vm4, $0x3D656042, v6  }
0x5b: {  	vm1 =	vlt.f32 v1, $9.999999740e-05;
	v8 =	vsel vm13, $0x3FE3D70A, v8;
	v6 =	vsel vm10, $0x3C91D14E, v6  }
0x5c: {  	vm11 =	vlt.f32 v3, $1.000000000e+00;
	v7 =	vsel vm14, $0x3F0F5C29, v8;
	v6 =	vsel vm5, $0x3BB78034, v6  }
0x5d: {  	vm12 =	vlt.f32 v3, $1.000000000e+01;
	v7 =	vsel vm8, $0x3E3645A2, v7;
	(erf) = vrcp.f32 v6  }
0x5e: {  	vm13 =	vlt.f32 v3, $1.000000000e+02;
	vm14 =	vlt.f32 v4, $1.000000010e-01;
	v5 =	vsel vm15, $0x3D656042, v7  }
0x5f: {  	vm0 =	vlt.f32 v4, $9.999999770e-03;
	vm8 =	vlt.f32 v4, $1.000000000e+02;
	v5 =	vsel vm9, $0x3C91D14E, v5  }
0x60: {  	v7 =	vsel vm13, $0x40B33333, v0;
	vm15 =	vlt.f32 v4, $1.000000000e+00;
	v5 =	vsel vm1, $0x3BB78034, v5  }
0x61: {  	v8 =	vsel vm8, $0x40B33333, v0;
	vm13 =	vlt.f32 v3, $9.999999740e-05;
	(erf) = vrcp.f32 v5  }
0x62: {  	v7 =	vsel vm12, $0x3FE3D70A, v7;
	vm9 =	vlt.f32 v3, $1.000000010e-01;
	vm10 =	vlt.f32 v4, $1.000000000e+01  }
0x63: {  	vm12 =	vlt.f32 v3, $1.000000050e-03;
	v7 =	vsel vm11, $0x3F0F5C29, v7;
	v8 =	vsel vm10, $0x3FE3D70A, v8  }
0x64: {  	vm11 =	vlt.f32 v3, $9.999999770e-03;
	v7 =	vsel vm9, $0x3E3645A2, v7;
	v8 =	vsel vm15, $0x3F0F5C29, v8  }
0x65: {  	vm15 =	vlt.f32 v4, $9.999999740e-05;
	v7 =	vsel vm11, $0x3D656042, v7;
	v8 =	vsel vm14, $0x3E3645A2, v8  }
0x66: {  	vm14 =	vlt.f32 v4, $1.000000050e-03;
	v7 =	vsel vm12, $0x3C91D14E, v7;
	v8 =	vsel vm0, $0x3D656042, v8;
	v41 =	vpop (erf)  }
0x67: {  	v7 =	vsel vm13, $0x3BB78034, v7;
	v8 =	vsel vm14, $0x3C91D14E, v8;
	v9 =	vmul.f32 v41, v2  }
0x68: {  	v8 =	vsel vm15, $0x3BB78034, v8;
	(erf) = vrcp.f32 v7  }
0x69: {  	(erf) = vrcp.f32 v8;
	v6 =	vadd.f32 v9, v6  }
0x6a: {  	v42 =	vpop (erf)  }
0x6b: {  	v43 =	vmul.f32 v42, v1;
	v6 =	vmul.f32 $5.000000000e-01, v6;
	_ =	sdelay $0x1  }
0x6c: {  	v5 =	vadd.f32 v43, v5;
	(erf) = vrcp.f32 v6;
	_ =	sdelay $0x1  }
0x6d: {  	v5 =	vmul.f32 $5.000000000e-01, v5;
	_ =	sdelay $0x1  }
0x6e: {  	(erf) = vrcp.f32 v5;
	v44 =	vpop (erf)  }
0x6f: {  	v9 =	vmul.f32 v44, v3;
	v45 =	vpop (erf)  }
0x70: {  	v10 =	vmul.f32 v45, v4  }
0x71: {  	v7 =	vadd.f32 v9, v7  }
0x72: {  	v8 =	vadd.f32 v10, v8  }
0x73: {  	v7 =	vmul.f32 $5.000000000e-01, v7;
	v46 =	vpop (erf)  }
0x74: {  	v8 =	vmul.f32 $5.000000000e-01, v8;
	v9 =	vmul.f32 v46, v2  }
0x75: {  	(erf) = vrcp.f32 v7  }
0x76: {  	(erf) = vrcp.f32 v8;
	v6 =	vadd.f32 v9, v6  }
0x77: {  	v47 =	vpop (erf)  }
0x78: {  	v48 =	vmul.f32 v47, v1;
	v6 =	vmul.f32 $5.000000000e-01, v6;
	_ =	sdelay $0x1  }
0x79: {  	v5 =	vadd.f32 v48, v5;
	(erf) = vrcp.f32 v6;
	_ =	sdelay $0x1  }
0x7a: {  	v5 =	vmul.f32 $5.000000000e-01, v5;
	_ =	sdelay $0x1  }
0x7b: {  	(erf) = vrcp.f32 v5;
	v49 =	vpop (erf)  }
0x7c: {  	v9 =	vmul.f32 v49, v3;
	v50 =	vpop (erf)  }
0x7d: {  	v10 =	vmul.f32 v50, v4  }
0x7e: {  	v7 =	vadd.f32 v9, v7  }
0x7f: {  	v8 =	vadd.f32 v10, v8  }
0x80: {  	v7 =	vmul.f32 $5.000000000e-01, v7;
	v51 =	vpop (erf)  }
0x81: {  	v8 =	vmul.f32 $5.000000000e-01, v8;
	v9 =	vmul.f32 v51, v2  }
0x82: {  	(erf) = vrcp.f32 v7  }
0x83: {  	(erf) = vrcp.f32 v8;
	v6 =	vadd.f32 v9, v6  }
0x84: {  	v52 =	vpop (erf)  }
0x85: {  	v53 =	vmul.f32 v52, v1;
	v6 =	vmul.f32 $5.000000000e-01, v6;
	_ =	sdelay $0x1  }
0x86: {  	v5 =	vadd.f32 v53, v5;
	(erf) = vrcp.f32 v6;
	_ =	sdelay $0x1  }
0x87: {  	v5 =	vmul.f32 $5.000000000e-01, v5;
	_ =	sdelay $0x1  }
0x88: {  	(erf) = vrcp.f32 v5;
	v54 =	vpop (erf)  }
0x89: {  	v9 =	vmul.f32 v54, v3;
	v55 =	vpop (erf)  }
0x8a: {  	v10 =	vmul.f32 v55, v4  }
0x8b: {  	v7 =	vadd.f32 v9, v7  }
0x8c: {  	v8 =	vadd.f32 v10, v8  }
0x8d: {  	v7 =	vmul.f32 $5.000000000e-01, v7;
	v56 =	vpop (erf)  }
0x8e: {  	v8 =	vmul.f32 $5.000000000e-01, v8;
	v9 =	vmul.f32 v56, v2  }
0x8f: {  	(erf) = vrcp.f32 v7  }
0x90: {  	(erf) = vrcp.f32 v8;
	v6 =	vadd.f32 v9, v6  }
0x91: {  	v57 =	vpop (erf)  }
0x92: {  	v58 =	vmul.f32 v57, v1;
	v6 =	vmul.f32 $5.000000000e-01, v6;
	_ =	sdelay $0x1  }
0x93: {  	v5 =	vadd.f32 v58, v5;
	(erf) = vrcp.f32 v6;
	_ =	sdelay $0x1  }
0x94: {  	v5 =	vmul.f32 $5.000000000e-01, v5;
	_ =	sdelay $0x1  }
0x95: {  	(erf) = vrcp.f32 v5;
	v59 =	vpop (erf)  }
0x96: {  	v9 =	vmul.f32 v59, v3;
	v60 =	vpop (erf)  }
0x97: {  	v10 =	vmul.f32 v60, v4  }
0x98: {  	v7 =	vadd.f32 v9, v7  }
0x99: {  	v8 =	vadd.f32 v10, v8  }
0x9a: {  	v7 =	vmul.f32 $5.000000000e-01, v7;
	v61 =	vpop (erf)  }
0x9b: {  	v8 =	vmul.f32 $5.000000000e-01, v8;
	v2 =	vmul.f32 v61, v2  }
0x9c: {  	(erf) = vrcp.f32 v7  }
0x9d: {  	(erf) = vrcp.f32 v8;
	v2 =	vadd.f32 v2, v6  }
0x9e: {  	v62 =	vpop (erf)  }
0x9f: {  	v1 =	vmul.f32 v62, v1;
	v2 =	vmul.f32 $5.000000000e-01, v2;
	_ =	sdelay $0x1  }
0xa0: {  	v1 =	vadd.f32 v1, v5;
	v2 =	vadd.f32 $9.999999970e-07, v2;
	_ =	sdelay $0x1  }
0xa1: {  	v1 =	vmul.f32 $5.000000000e-01, v1;
	_ =	sdelay $0x1  }
0xa2: {  	v1 =	vadd.f32 $9.999999970e-07, v1;
	(erf) = vrcp.f32 v2;
	v2 =	vpop (erf)  }
0xa3: {  	v2 =	vmul.f32 v2, v3;
	v3 =	vpop (erf)  }
0xa4: {  	(erf) = vrcp.f32 v1;
	v1 =	vmul.f32 v3, v4;
	_ =	sdelay $0x1  }
0xa5: {  	v2 =	vadd.f32 v2, v7;
	v1 =	vadd.f32 v1, v8;
	_ =	sdelay $0x1  }
0xa6: {  	v2 =	vmul.f32 $5.000000000e-01, v2;
	v1 =	vmul.f32 $5.000000000e-01, v1;
	_ =	sdelay $0x1  }
0xa7: {  	v2 =	vadd.f32 $9.999999970e-07, v2;
	v1 =	vadd.f32 $9.999999970e-07, v1;
	_ =	sdelay $0x1  }
0xa8: {  	v3 =	vpop (erf);
	(erf) = vrcp.f32 v2  }
0xa9: {  	v2 =	vsub.f32 $0.0e+00, v3;
	(erf) = vrcp.f32 v1  }
0xaa: {  	v1 =	vpop (erf)  }
0xab: {  	v2 =	vmul.f32 $1.442695020e+00, v2;
	v1 =	vsub.f32 $0.0e+00, v1;
	_ =	sdelay $0x1  }
0xac: {  	(erf) = vpow2.f32 v2;
	v1 =	vmul.f32 $1.442695020e+00, v1;
	_ =	sdelay $0x2  }
0xad: {  	(erf) = vpow2.f32 v1  }
0xae: {  	v1 =	vpop (erf)  }
0xaf: {  	v1 =	vsub.f32 $0.0e+00, v1;
	v2 =	vpop (erf)  }
0xb0: {  	v2 =	vsub.f32 $0.0e+00, v2  }
0xb1: {  	v1 =	vmul.f32 $1.442695020e+00, v1  }
0xb2: {  	v2 =	vmul.f32 $1.442695020e+00, v2  }
0xb3: {  	v3 =	vpop (erf);
	(erf) = vpow2.f32 v1;
	_ =	sdelay $0x1  }
0xb4: {  	v1 =	vadd.f32 $1.000000000e+00, v3;
	(erf) = vpow2.f32 v2  }
0xb5: {  	v2 =	vpop (erf)  }
0xb6: {  	(erf) = vrcp.f32 v1;
	v2 =	vadd.f32 $1.000000000e+00, v2;
	_ =	sdelay $0x1  }
0xb7: {  	(erf) = vrcp.f32 v2;
	_ =	sdelay $0x1  }
0xb8: {  	s21 =	simm.s32 $0x2180  }
0xb9: {  	v4 =	vld [tilespmem:s21+$0xFFFFFE80];
	v1 =	vpop (erf)  }
0xba: {  	v1 =	vadd.f32 $1.000000000e+00, v1  }
0xbb: {  	v3 =	vld [tilespmem:s21+$0xFFFFFF00];
	v2 =	vpop (erf)  }
0xbc: {  	v6 =	vadd.f32 $1.000000000e+00, v2;
	(erf) = vrcp.f32 v1  }
0xbd: {  	v5 =	vpop (erf)  }
0xbe: {  	v5 =	vmul.f32 v5, v4;
	(erf) = vrcp.f32 v6  }
0xbf: {  	v1 =	vpop (erf)  }
0xc0: {  	v63 =	vmul.f32 $1.442695020e+00, v5;
	v8 =	vmul.f32 v1, v3  }
0xc1: {  	v6 =	vld [tilespmem:s21+$0x0];
	v1 =	vimm.f32 $0.0e+00  }
0xc2: {  	s24 =	simm.s32 $0x1;
	s22 =	simm.s32 $0x2180;
	s23 =	simm.s32 $0x0;
	v2 =	vld [tilespmem:s21+$0x80];
	(erf) = vpow2.f32 v63;
	v7 =	vmul.f32 $1.442695020e+00, v8;
	v5 =	vadd.f32 v8, v5  }
.LBB2_3:
0xc3: {  	p2 =	sne.s32 s24, $0x17;
	s20 =	sadd.s32 $0x10, s20;
	s21 =	sadd.s32 $0x300, s21  }
0xc4: {  	s25 =	smov.u32 s24;
	s24 =	sadd.s32 $0x1, s24;
	(erf) = vpow2.f32 v7  }
0xc5: {  	v7 =	vpop (erf)  }
0xc6: {  	v6 =	vmul.f32 v7, v6  }
0xc7: {  	v7 =	vld [tilespmem:s22+$0x100];
	v8 =	vpop (erf)  }
0xc8: {  	v2 =	vmul.f32 v8, v2;
	v8 =	vadd.f32 v6, v5  }
0xc9: {  	v6 =	vld [tilespmem:s22+$0xFFFFFF80];
	s22 =	smov.u32 s21  }
0xca: {  	v2 =	vadd.f32 v2, v8  }
0xcb: {  	s26 =	sshll.u32 s23, $0x6;
	s23 =	smov.u32 s25;
	v5 =	vpop (erf)  }
0xcc: {  	s25 =	sand.u32 $0x3FFFFE00, s26;
	v4 =	vmul.f32 v5, v4;
	v2 =	vmul.f32 v2, v7  }
0xcd: {  	s26 =	sshll.u32 s23, $0x7;
	s25 =	sor.u32 s19, s25;
	v5 =	vpop (erf)  }
0xce: {  	s19 =	sand.u32 $0x70, s20;
	s26 =	sand.u32 $0x3FFFFC00, s26;
	v3 =	vmul.f32 v5, v3;
	v5 =	vmul.f32 v4, v6;
	[tilespmem:s25+$0xB500] =	vst v2;
	v1 =	vadd.f32 v4, v1  }
0xcf: {  	s26 =	sor.u32 s19, s26;
	[tilespmem:s25+$0xB580] =	vst v2  }
0xd0: {  	[tilespmem:s25+$0xB400] =	vst v5;
	v2 =	vmul.f32 v3, v6;
	v1 =	vadd.f32 v3, v1;
	_ =	sdelay $0x1  }
0xd1: {  	[tilespmem:s25+$0xB480] =	vst v2  }
0xd2: {  	v3 =	vld [tilespmem:s26+$0x300]  }
0xd3: {  	v4 =	vld [tilespmem:s26+$0x280]  }
0xd4: {  	v5 =	vld [tilespmem:s26+$0x80]  }
0xd5: {  	v6 =	vld [tilespmem:s26+$0x200]  }
0xd6: {  	v7 =	vld [tilespmem:s26+$0x380]  }
0xd7: {  	v8 =	vld [tilespmem:s26+$0x180]  }
0xd8: {  	v9 =	vld [tilespmem:s26+$0x100]  }
0xd9: {  	v10 =	vld [tilespmem:s26+$0x0]  }
0xda: {  	v11 =	vld [tilespmem:s26+$0x1080]  }
0xdb: {  	v2 =	vld [tilespmem:s21+$0x80]  }
0xdc: {  	v8 =	vsub.f32 v5, v8;
	v12 =	vld [tilespmem:s26+$0x1000]  }
0xdd: {  	v4 =	vsub.f32 v5, v4  }
0xde: {  	v7 =	vsub.f32 v7, v5;
	v9 =	vsub.f32 v10, v9  }
0xdf: {  	v8 =	vmul.f32 v8, v8;
	v6 =	vsub.f32 v10, v6;
	v13 =	vsub.f32 v3, v10  }
0xe0: {  	v5 =	vsub.f32 v11, v5;
	v3 =	vmul.f32 v9, v9;
	v9 =	vmul.f32 v4, v4  }
0xe1: {  	v7 =	vmul.f32 v7, v7;
	v6 =	vmul.f32 v6, v6;
	v10 =	vsub.f32 v12, v10  }
0xe2: {  	v4 =	vadd.f32 v8, v3;
	v8 =	vmul.f32 v5, v5  }
0xe3: {  	v3 =	vadd.f32 v9, v6;
	v5 =	vmul.f32 v13, v13;
	v6 =	vmul.f32 v10, v10  }
0xe4: {  	vm0 =	vlt.f32 v4, $1.000000010e-01;
	vm1 =	vlt.f32 v4, $1.000000000e+01;
	vm2 =	vlt.f32 v4, $1.000000000e+02  }
0xe5: {  	vm3 =	vlt.f32 v4, $1.000000000e+00;
	v9 =	vsel vm2, $0x40B33333, v0;
	vm2 =	vlt.f32 v3, $1.000000000e+02  }
0xe6: {  	vm4 =	vlt.f32 v3, $1.000000000e+01;
	v9 =	vsel vm1, $0x3FE3D70A, v9;
	v10 =	vsel vm2, $0x40B33333, v0  }
0xe7: {  	vm1 =	vlt.f32 v3, $9.999999740e-05;
	v9 =	vsel vm3, $0x3F0F5C29, v9;
	v10 =	vsel vm4, $0x3FE3D70A, v10  }
0xe8: {  	v5 =	vadd.f32 v7, v5;
	v9 =	vsel vm0, $0x3E3645A2, v9;
	vm0 =	vlt.f32 v3, $1.000000000e+00  }
0xe9: {  	vm2 =	vlt.f32 v3, $9.999999770e-03;
	vm3 =	vlt.f32 v3, $1.000000010e-01;
	v7 =	vsel vm0, $0x3F0F5C29, v10  }
0xea: {  	vm4 =	vlt.f32 v3, $1.000000050e-03;
	v7 =	vsel vm3, $0x3E3645A2, v7;
	vm3 =	vlt.f32 v5, $1.000000000e+00  }
0xeb: {  	vm5 =	vlt.f32 v4, $9.999999770e-03;
	v6 =	vadd.f32 v8, v6;
	vm0 =	vlt.f32 v4, $1.000000050e-03  }
0xec: {  	v8 =	vsel vm5, $0x3D656042, v9;
	v7 =	vsel vm2, $0x3D656042, v7;
	vm2 =	vlt.f32 v5, $1.000000000e+01  }
0xed: {  	vm5 =	vlt.f32 v4, $9.999999740e-05;
	v8 =	vsel vm0, $0x3C91D14E, v8;
	vm0 =	vlt.f32 v6, $9.999999770e-03  }
0xee: {  	v8 =	vsel vm5, $0x3BB78034, v8;
	v7 =	vsel vm4, $0x3C91D14E, v7;
	vm4 =	vlt.f32 v6, $1.000000010e-01  }
0xef: {  	vm6 =	vlt.f32 v6, $1.000000000e+00;
	vm5 =	vlt.f32 v5, $1.000000000e+02;
	(erf) = vrcp.f32 v8  }
0xf0: {  	v9 =	vsel vm5, $0x40B33333, v0;
	v7 =	vsel vm1, $0x3BB78034, v7;
	vm1 =	vlt.f32 v6, $1.000000000e+02  }
0xf1: {  	v9 =	vsel vm2, $0x3FE3D70A, v9;
	v10 =	vsel vm1, $0x40B33333, v0;
	(erf) = vrcp.f32 v7  }
0xf2: {  	vm2 =	vlt.f32 v6, $1.000000000e+01;
	vm1 =	vlt.f32 v5, $1.000000010e-01;
	v9 =	vsel vm3, $0x3F0F5C29, v9  }
0xf3: {  	vm3 =	vlt.f32 v5, $9.999999770e-03;
	v9 =	vsel vm1, $0x3E3645A2, v9;
	v10 =	vsel vm2, $0x3FE3D70A, v10  }
0xf4: {  	vm1 =	vlt.f32 v5, $1.000000050e-03;
	v9 =	vsel vm3, $0x3D656042, v9;
	v10 =	vsel vm6, $0x3F0F5C29, v10  }
0xf5: {  	vm2 =	vlt.f32 v5, $9.999999740e-05;
	v9 =	vsel vm1, $0x3C91D14E, v9;
	v10 =	vsel vm4, $0x3E3645A2, v10  }
0xf6: {  	vm1 =	vlt.f32 v6, $1.000000050e-03;
	v9 =	vsel vm2, $0x3BB78034, v9;
	v10 =	vsel vm0, $0x3D656042, v10  }
0xf7: {  	vm0 =	vlt.f32 v6, $9.999999740e-05;
	v10 =	vsel vm1, $0x3C91D14E, v10;
	(erf) = vrcp.f32 v9  }
0xf8: {  	v10 =	vsel vm0, $0x3BB78034, v10;
	v11 =	vpop (erf)  }
0xf9: {  	v11 =	vmul.f32 v11, v4;
	(erf) = vrcp.f32 v10  }
0xfa: {  	v12 =	vpop (erf)  }
0xfb: {  	v8 =	vadd.f32 v11, v8;
	v11 =	vmul.f32 v12, v3;
	_ =	sdelay $0x1  }
0xfc: {  	v8 =	vmul.f32 $5.000000000e-01, v8;
	v7 =	vadd.f32 v11, v7;
	_ =	sdelay $0x1  }
0xfd: {  	v7 =	vmul.f32 $5.000000000e-01, v7;
	(erf) = vrcp.f32 v8  }
0xfe: {  	v11 =	vpop (erf)  }
0xff: {  	v11 =	vmul.f32 v11, v5;
	(erf) = vrcp.f32 v7  }
0x100: {  	v12 =	vpop (erf)  }
0x101: {  	v9 =	vadd.f32 v11, v9;
	v11 =	vmul.f32 v12, v6;
	_ =	sdelay $0x1  }
0x102: {  	v9 =	vmul.f32 $5.000000000e-01, v9;
	v10 =	vadd.f32 v11, v10;
	_ =	sdelay $0x1  }
0x103: {  	v10 =	vmul.f32 $5.000000000e-01, v10;
	(erf) = vrcp.f32 v9  }
0x104: {  	v11 =	vpop (erf)  }
0x105: {  	v11 =	vmul.f32 v11, v4;
	(erf) = vrcp.f32 v10  }
0x106: {  	v12 =	vpop (erf)  }
0x107: {  	v8 =	vadd.f32 v11, v8;
	v11 =	vmul.f32 v12, v3;
	_ =	sdelay $0x1  }
0x108: {  	v8 =	vmul.f32 $5.000000000e-01, v8;
	v7 =	vadd.f32 v11, v7;
	_ =	sdelay $0x1  }
0x109: {  	v7 =	vmul.f32 $5.000000000e-01, v7;
	(erf) = vrcp.f32 v8  }
0x10a: {  	v11 =	vpop (erf)  }
0x10b: {  	v11 =	vmul.f32 v11, v5;
	(erf) = vrcp.f32 v7  }
0x10c: {  	v12 =	vpop (erf)  }
0x10d: {  	v9 =	vadd.f32 v11, v9;
	v11 =	vmul.f32 v12, v6;
	_ =	sdelay $0x1  }
0x10e: {  	v9 =	vmul.f32 $5.000000000e-01, v9;
	v10 =	vadd.f32 v11, v10;
	_ =	sdelay $0x1  }
0x10f: {  	v10 =	vmul.f32 $5.000000000e-01, v10;
	(erf) = vrcp.f32 v9  }
0x110: {  	v11 =	vpop (erf)  }
0x111: {  	v11 =	vmul.f32 v11, v4;
	(erf) = vrcp.f32 v10  }
0x112: {  	v12 =	vpop (erf)  }
0x113: {  	v8 =	vadd.f32 v11, v8;
	v11 =	vmul.f32 v12, v3;
	_ =	sdelay $0x1  }
0x114: {  	v8 =	vmul.f32 $5.000000000e-01, v8;
	v7 =	vadd.f32 v11, v7;
	_ =	sdelay $0x1  }
0x115: {  	v7 =	vmul.f32 $5.000000000e-01, v7;
	(erf) = vrcp.f32 v8  }
0x116: {  	v11 =	vpop (erf)  }
0x117: {  	v11 =	vmul.f32 v11, v5;
	(erf) = vrcp.f32 v7  }
0x118: {  	v12 =	vpop (erf)  }
0x119: {  	v9 =	vadd.f32 v11, v9;
	v11 =	vmul.f32 v12, v6;
	_ =	sdelay $0x1  }
0x11a: {  	v9 =	vmul.f32 $5.000000000e-01, v9;
	v10 =	vadd.f32 v11, v10;
	_ =	sdelay $0x1  }
0x11b: {  	v10 =	vmul.f32 $5.000000000e-01, v10;
	(erf) = vrcp.f32 v9  }
0x11c: {  	v11 =	vpop (erf)  }
0x11d: {  	v11 =	vmul.f32 v11, v4;
	(erf) = vrcp.f32 v10  }
0x11e: {  	v12 =	vpop (erf)  }
0x11f: {  	v8 =	vadd.f32 v11, v8;
	v11 =	vmul.f32 v12, v3;
	_ =	sdelay $0x1  }
0x120: {  	v8 =	vmul.f32 $5.000000000e-01, v8;
	v7 =	vadd.f32 v11, v7;
	_ =	sdelay $0x1  }
0x121: {  	v7 =	vmul.f32 $5.000000000e-01, v7;
	(erf) = vrcp.f32 v8  }
0x122: {  	v11 =	vpop (erf)  }
0x123: {  	v11 =	vmul.f32 v11, v5;
	(erf) = vrcp.f32 v7  }
0x124: {  	v12 =	vpop (erf)  }
0x125: {  	v9 =	vadd.f32 v11, v9;
	v11 =	vmul.f32 v12, v6;
	_ =	sdelay $0x1  }
0x126: {  	v9 =	vmul.f32 $5.000000000e-01, v9;
	v10 =	vadd.f32 v11, v10;
	_ =	sdelay $0x1  }
0x127: {  	v10 =	vmul.f32 $5.000000000e-01, v10;
	(erf) = vrcp.f32 v9  }
0x128: {  	v11 =	vpop (erf)  }
0x129: {  	v4 =	vmul.f32 v11, v4;
	(erf) = vrcp.f32 v10  }
0x12a: {  	v11 =	vpop (erf)  }
0x12b: {  	v4 =	vadd.f32 v4, v8;
	v3 =	vmul.f32 v11, v3;
	_ =	sdelay $0x1  }
0x12c: {  	v4 =	vmul.f32 $5.000000000e-01, v4;
	v3 =	vadd.f32 v3, v7;
	_ =	sdelay $0x1  }
0x12d: {  	v8 =	vadd.f32 $9.999999970e-07, v4;
	v3 =	vmul.f32 $5.000000000e-01, v3  }
0x12e: {  	v7 =	vpop (erf)  }
0x12f: {  	v3 =	vadd.f32 $9.999999970e-07, v3;
	v5 =	vmul.f32 v7, v5;
	(erf) = vrcp.f32 v8  }
0x130: {  	v4 =	vpop (erf)  }
0x131: {  	v5 =	vadd.f32 v5, v9;
	v4 =	vmul.f32 v4, v6;
	(erf) = vrcp.f32 v3;
	_ =	sdelay $0x1  }
0x132: {  	v3 =	vmul.f32 $5.000000000e-01, v5;
	v4 =	vadd.f32 v4, v10;
	_ =	sdelay $0x1  }
0x133: {  	v5 =	vadd.f32 $9.999999970e-07, v3;
	v4 =	vmul.f32 $5.000000000e-01, v4;
	_ =	sdelay $0x1  }
0x134: {  	v6 =	vadd.f32 $9.999999970e-07, v4;
	(erf) = vrcp.f32 v5  }
0x135: {  	v3 =	vpop (erf)  }
0x136: {  	v3 =	vsub.f32 $0.0e+00, v3;
	(erf) = vrcp.f32 v6  }
0x137: {  	v4 =	vpop (erf)  }
0x138: {  	v3 =	vmul.f32 $1.442695020e+00, v3;
	v4 =	vsub.f32 $0.0e+00, v4;
	_ =	sdelay $0x1  }
0x139: {  	v4 =	vmul.f32 $1.442695020e+00, v4;
	(erf) = vpow2.f32 v3;
	_ =	sdelay $0x1  }
0x13a: {  	(erf) = vpow2.f32 v4  }
0x13b: {  	v3 =	vpop (erf)  }
0x13c: {  	v3 =	vsub.f32 $0.0e+00, v3  }
0x13d: {  	v4 =	vpop (erf)  }
0x13e: {  	v5 =	vmul.f32 $1.442695020e+00, v3;
	v4 =	vsub.f32 $0.0e+00, v4;
	_ =	sdelay $0x1  }
0x13f: {  	v6 =	vmul.f32 $1.442695020e+00, v4;
	(erf) = vpow2.f32 v5  }
0x140: {  	v3 =	vpop (erf)  }
0x141: {  	v3 =	vadd.f32 $1.000000000e+00, v3;
	(erf) = vpow2.f32 v6  }
0x142: {  	v4 =	vpop (erf)  }
0x143: {  	v4 =	vadd.f32 $1.000000000e+00, v4;
	(erf) = vrcp.f32 v3;
	_ =	sdelay $0x1  }
0x144: {  	(erf) = vrcp.f32 v4;
	_ =	sdelay $0x2  }
0x145: {  	v4 =	vld [tilespmem:s21+$0xFFFFFE80];
	v3 =	vpop (erf)  }
0x146: {  	v7 =	vadd.f32 $1.000000000e+00, v3  }
0x147: {  	v3 =	vld [tilespmem:s21+$0xFFFFFF00];
	v6 =	vpop (erf)  }
0x148: {  	v8 =	vadd.f32 $1.000000000e+00, v6;
	(erf) = vrcp.f32 v7  }
0x149: {  	v5 =	vpop (erf)  }
.Ltmp3:
0x14a: {  	v5 =	vmul.f32 v5, v4;
	(erf) = vrcp.f32 v8;
	(pc) =	sbr.rel @p2 .LBB2_3-.Ltmp3, $4  }
0x14b: {  	v6 =	vpop (erf)  }
0x14c: {  	v8 =	vmul.f32 v6, v3;
	v9 =	vmul.f32 $1.442695020e+00, v5  }
0x14d: {  	v6 =	vld [tilespmem:s21+$0x0]  }
0x14e: {  	v7 =	vmul.f32 $1.442695020e+00, v8;
	v5 =	vadd.f32 v8, v5;
	(erf) = vpow2.f32 v9  }
0x14f: {  	_ = 	snop  }
0x150: {  	(erf) = vpow2.f32 v7;
	_ =	sdelay $0x1  }
0x151: {  	v58 =	vpop (erf)  }
0x152: {  	v6 =	vmul.f32 v58, v6  }
0x153: {  	v59 =	vld [tilespmem:s22+$0x100];
	v8 =	vpop (erf)  }
0x154: {  	v2 =	vmul.f32 v8, v2;
	v5 =	vadd.f32 v6, v5  }
0x155: {  	v60 =	vld [tilespmem:s22+$0xFFFFFF80]  }
0x156: {  	v2 =	vadd.f32 v2, v5  }
0x157: {  	s20 =	sshll.u32 s23, $0x6;
	v61 =	vpop (erf)  }
0x158: {  	s20 =	sand.u32 $0x3FFFFE00, s20;
	v4 =	vmul.f32 v61, v4;
	v2 =	vmul.f32 v2, v59;
	v62 =	vpop (erf)  }
0x159: {  	s19 =	sor.u32 s19, s20;
	v3 =	vmul.f32 v62, v3  }
0x15a: {  	v63 =	vmul.f32 v4, v60;
	[tilespmem:s19+$0xB500] =	vst v2;
	v1 =	vadd.f32 v4, v1  }
0x15b: {  	[tilespmem:s19+$0xB580] =	vst v2;
	v2 =	vmul.f32 v3, v60  }
0x15c: {  	[tilespmem:s19+$0xB400] =	vst v63;
	v1 =	vadd.f32 v3, v1  }
0x15d: {  	[tilespmem:s19+$0xB480] =	vst v2  }
0x15e: {  	[tilespmem:$0xBC00] =	vst v1  }
0x15f: {  	[hbm4b:s5+s1] =	stream.linear.scatter [tilespmem:s15], [sflag:$0x1], $0x600, $0x38;
	[tilespmem:$0xBC80] =	vst v63  }
0x160: {  	_ =	swait.ge [sflag:s13], $0x600  }
0x161: {  	[sflag:s13] =	ssyncset.done $0x0  }
0x162: {  	[sflag:s13] =	ssyncadd.s32 $0xFFFFFA00  }
0x163: {  	[hbm4b:s6+s1] =	stream.linear.scatter [tilespmem:s16], [sflag:$0x1], $0x80, $0x38;
	[tilespmem:$0xBC80] =	vst v63  }
0x164: {  	_ =	swait.ge [sflag:s13], $0x80  }
0x165: {  	[sflag:s13] =	ssyncset.done $0x0  }
0x166: {  	[sflag:s13] =	ssyncadd.s32 $0xFFFFFF80  }
.LBB2_5:
.Ltmp4:
0x167: {  	(pc) =	sbr.rel @!p1 .LBB2_9-.Ltmp4, $1  }
0x168: {  	_ =	sdelay $0x3  }
0x169: {  	s20 =	simm.s32 $0x0  }
0x16a: {  	[tilespmem:s20], [sflag:$0x1] =	stream.strided.gather [hbm4b:s7+s12], $0x2000, s17, s12, $0x38;
	[tilespmem:$0xBC80] =	vst v63  }
0x16b: {  	_ =	swait.ge [sflag:s13], $0x2000  }
0x16c: {  	[sflag:s13] =	ssyncset.done $0x0  }
0x16d: {  	[sflag:s13] =	ssyncadd.s32 $0xFFFFE000  }
0x16e: {  	[tilespmem:s14], [sflag:$0x1] =	stream.linear.gather [hbm4b:s3+s20], $0x9300, $0x38;
	[tilespmem:$0xBC80] =	vst v63  }
0x16f: {  	s21 =	simm.s32 $0x0;
	_ =	swait.ge [sflag:s13], $0x9300  }
0x170: {  	s19 =	sand.u32 $0x70, s20;
	s21 =	sand.u32 $0x3FFFFC00, s21;
	[sflag:s13] =	ssyncset.done $0x0  }
0x171: {  	s21 =	sor.u32 s19, s21;
	[sflag:s13] =	ssyncadd.s32 $0xFFFF6D00  }
0x172: {  	v1 =	vld [tilespmem:s21+$0x180]  }
0x173: {  	v2 =	vld [tilespmem:s21+$0x280]  }
0x174: {  	v3 =	vld [tilespmem:s21+$0x100]  }
0x175: {  	v4 =	vld [tilespmem:s21+$0x200]  }
0x176: {  	v5 =	vld [tilespmem:s21+$0x0]  }
0x177: {  	v6 =	vld [tilespmem:s21+$0x80]  }
0x178: {  	v7 =	vld [tilespmem:s21+$0x380]  }
0x179: {  	v8 =	vld [tilespmem:s21+$0x1080]  }
0x17a: {  	v9 =	vld [tilespmem:s21+$0x300]  }
0x17b: {  	v10 =	vld [tilespmem:s21+$0x1000]  }
0x17c: {  	v4 =	vsub.f32 v5, v4  }
0x17d: {  	v3 =	vsub.f32 v5, v3;
	v2 =	vsub.f32 v6, v2  }
0x17e: {  	v1 =	vsub.f32 v6, v1;
	v7 =	vsub.f32 v7, v6  }
0x17f: {  	v6 =	vsub.f32 v8, v6;
	v9 =	vsub.f32 v9, v5  }
0x180: {  	v5 =	vsub.f32 v10, v5;
	v4 =	vmul.f32 v4, v4;
	v2 =	vmul.f32 v2, v2  }
0x181: {  	v3 =	vmul.f32 v3, v3;
	v30 =	vmul.f32 v1, v1  }
0x182: {  	v31 =	vmul.f32 v6, v6;
	v5 =	vmul.f32 v5, v5  }
0x183: {  	v1 =	vadd.f32 v2, v4;
	v3 =	vadd.f32 v30, v3  }
0x184: {  	v32 =	vmul.f32 v9, v9;
	v2 =	vmul.f32 v7, v7;
	v4 =	vadd.f32 v31, v5  }
0x185: {  	vm0 =	vlt.f32 v1, $1.000000010e-01;
	vm1 =	vlt.f32 v1, $1.000000000e+02;
	vm3 =	vlt.f32 v3, $1.000000000e+02  }
0x186: {  	vm2 =	vlt.f32 v1, $1.000000000e+00;
	vm13 =	vlt.f32 v3, $1.000000000e+01;
	v34 =	vsel vm3, $0x40B33333, v0  }
0x187: {  	v2 =	vadd.f32 v2, v32;
	vm14 =	vlt.f32 v3, $1.000000000e+00;
	v6 =	vsel vm13, $0x3FE3D70A, v34  }
0x188: {  	vm4 =	vlt.f32 v3, $1.000000010e-01;
	vm8 =	vlt.f32 v1, $1.000000000e+01;
	v6 =	vsel vm14, $0x3F0F5C29, v6  }
0x189: {  	vm5 =	vlt.f32 v3, $9.999999770e-03;
	v33 =	vsel vm1, $0x40B33333, v0;
	v6 =	vsel vm4, $0x3E3645A2, v6  }
0x18a: {  	vm9 =	vlt.f32 v3, $1.000000050e-03;
	v7 =	vsel vm8, $0x3FE3D70A, v33;
	v6 =	vsel vm5, $0x3D656042, v6  }
0x18b: {  	vm10 =	vlt.f32 v3, $9.999999740e-05;
	v7 =	vsel vm2, $0x3F0F5C29, v7;
	v6 =	vsel vm9, $0x3C91D14E, v6  }
0x18c: {  	vm15 =	vlt.f32 v1, $9.999999770e-03;
	v7 =	vsel vm0, $0x3E3645A2, v7;
	v6 =	vsel vm10, $0x3BB78034, v6  }
0x18d: {  	vm11 =	vlt.f32 v1, $1.000000050e-03;
	v7 =	vsel vm15, $0x3D656042, v7;
	(erf) = vrcp.f32 v6  }
0x18e: {  	vm12 =	vlt.f32 v1, $9.999999740e-05;
	vm13 =	vlt.f32 v2, $1.000000000e+02;
	v7 =	vsel vm11, $0x3C91D14E, v7  }
0x18f: {  	vm6 =	vlt.f32 v2, $1.000000000e+00;
	vm7 =	vlt.f32 v2, $1.000000010e-01;
	v35 =	vsel vm12, $0x3BB78034, v7  }
0x190: {  	vm8 =	vlt.f32 v2, $9.999999770e-03;
	vm14 =	vlt.f32 v2, $1.000000000e+01;
	(erf) = vrcp.f32 v35  }
0x191: {  	v36 =	vsel vm13, $0x40B33333, v0;
	vm13 =	vlt.f32 v4, $9.999999770e-03;
	vm15 =	vlt.f32 v4, $1.000000000e+02  }
0x192: {  	vm0 =	vlt.f32 v2, $9.999999740e-05;
	v37 =	vsel vm15, $0x40B33333, v0;
	v7 =	vsel vm14, $0x3FE3D70A, v36  }
0x193: {  	vm9 =	vlt.f32 v4, $1.000000000e+00;
	vm10 =	vlt.f32 v4, $1.000000000e+01;
	v7 =	vsel vm6, $0x3F0F5C29, v7  }
0x194: {  	vm11 =	vlt.f32 v2, $1.000000050e-03;
	v8 =	vsel vm10, $0x3FE3D70A, v37;
	v7 =	vsel vm7, $0x3E3645A2, v7  }
0x195: {  	vm12 =	vlt.f32 v4, $1.000000010e-01;
	v8 =	vsel vm9, $0x3F0F5C29, v8;
	v7 =	vsel vm8, $0x3D656042, v7  }
0x196: {  	vm14 =	vlt.f32 v4, $1.000000050e-03;
	v8 =	vsel vm12, $0x3E3645A2, v8;
	v7 =	vsel vm11, $0x3C91D14E, v7;
	v38 =	vpop (erf)  }
0x197: {  	v8 =	vsel vm13, $0x3D656042, v8;
	v7 =	vsel vm0, $0x3BB78034, v7;
	v9 =	vmul.f32 v38, v3  }
0x198: {  	vm15 =	vlt.f32 v4, $9.999999740e-05;
	v8 =	vsel vm14, $0x3C91D14E, v8;
	(erf) = vrcp.f32 v7  }
0x199: {  	v8 =	vsel vm15, $0x3BB78034, v8;
	v39 =	vpop (erf);
	v6 =	vadd.f32 v9, v6  }
0x19a: {  	(erf) = vrcp.f32 v8;
	v40 =	vmul.f32 v39, v1  }
0x19b: {  	v6 =	vmul.f32 $5.000000000e-01, v6  }
0x19c: {  	v5 =	vadd.f32 v40, v35  }
0x19d: {  	(erf) = vrcp.f32 v6  }
0x19e: {  	v5 =	vmul.f32 $5.000000000e-01, v5;
	_ =	sdelay $0x1  }
0x19f: {  	(erf) = vrcp.f32 v5  }
0x1a0: {  	v41 =	vpop (erf)  }
0x1a1: {  	v9 =	vmul.f32 v41, v2  }
0x1a2: {  	v42 =	vpop (erf)  }
0x1a3: {  	v43 =	vmul.f32 v42, v4;
	v7 =	vadd.f32 v9, v7;
	_ =	sdelay $0x1  }
0x1a4: {  	v8 =	vadd.f32 v43, v8;
	v7 =	vmul.f32 $5.000000000e-01, v7;
	v44 =	vpop (erf)  }
0x1a5: {  	v9 =	vmul.f32 v44, v3  }
0x1a6: {  	v8 =	vmul.f32 $5.000000000e-01, v8;
	(erf) = vrcp.f32 v7  }
0x1a7: {  	v45 =	vpop (erf);
	v6 =	vadd.f32 v9, v6  }
0x1a8: {  	(erf) = vrcp.f32 v8;
	v46 =	vmul.f32 v45, v1  }
0x1a9: {  	v6 =	vmul.f32 $5.000000000e-01, v6  }
0x1aa: {  	v5 =	vadd.f32 v46, v5  }
0x1ab: {  	(erf) = vrcp.f32 v6  }
0x1ac: {  	v5 =	vmul.f32 $5.000000000e-01, v5;
	_ =	sdelay $0x1  }
0x1ad: {  	(erf) = vrcp.f32 v5  }
0x1ae: {  	v47 =	vpop (erf)  }
0x1af: {  	v9 =	vmul.f32 v47, v2  }
0x1b0: {  	v48 =	vpop (erf)  }
0x1b1: {  	v49 =	vmul.f32 v48, v4;
	v7 =	vadd.f32 v9, v7;
	_ =	sdelay $0x1  }
0x1b2: {  	v8 =	vadd.f32 v49, v8;
	v7 =	vmul.f32 $5.000000000e-01, v7;
	v50 =	vpop (erf)  }
0x1b3: {  	v9 =	vmul.f32 v50, v3  }
0x1b4: {  	v8 =	vmul.f32 $5.000000000e-01, v8;
	(erf) = vrcp.f32 v7  }
0x1b5: {  	v51 =	vpop (erf);
	v6 =	vadd.f32 v9, v6  }
0x1b6: {  	(erf) = vrcp.f32 v8;
	v52 =	vmul.f32 v51, v1  }
0x1b7: {  	v6 =	vmul.f32 $5.000000000e-01, v6  }
0x1b8: {  	v5 =	vadd.f32 v52, v5  }
0x1b9: {  	(erf) = vrcp.f32 v6  }
0x1ba: {  	v5 =	vmul.f32 $5.000000000e-01, v5;
	_ =	sdelay $0x1  }
0x1bb: {  	(erf) = vrcp.f32 v5  }
0x1bc: {  	v53 =	vpop (erf)  }
0x1bd: {  	v9 =	vmul.f32 v53, v2  }
0x1be: {  	v54 =	vpop (erf)  }
0x1bf: {  	v55 =	vmul.f32 v54, v4;
	v7 =	vadd.f32 v9, v7;
	_ =	sdelay $0x1  }
0x1c0: {  	v8 =	vadd.f32 v55, v8;
	v7 =	vmul.f32 $5.000000000e-01, v7;
	v56 =	vpop (erf)  }
0x1c1: {  	v9 =	vmul.f32 v56, v3  }
0x1c2: {  	v8 =	vmul.f32 $5.000000000e-01, v8;
	(erf) = vrcp.f32 v7  }
0x1c3: {  	v57 =	vpop (erf);
	v6 =	vadd.f32 v9, v6  }
0x1c4: {  	(erf) = vrcp.f32 v8;
	v58 =	vmul.f32 v57, v1  }
0x1c5: {  	v6 =	vmul.f32 $5.000000000e-01, v6  }
0x1c6: {  	v5 =	vadd.f32 v58, v5  }
0x1c7: {  	(erf) = vrcp.f32 v6  }
0x1c8: {  	v5 =	vmul.f32 $5.000000000e-01, v5;
	_ =	sdelay $0x1  }
0x1c9: {  	(erf) = vrcp.f32 v5  }
0x1ca: {  	v59 =	vpop (erf)  }
0x1cb: {  	v9 =	vmul.f32 v59, v2  }
0x1cc: {  	v60 =	vpop (erf)  }
0x1cd: {  	v61 =	vmul.f32 v60, v4;
	v7 =	vadd.f32 v9, v7;
	_ =	sdelay $0x1  }
0x1ce: {  	v8 =	vadd.f32 v61, v8;
	v7 =	vmul.f32 $5.000000000e-01, v7;
	v62 =	vpop (erf)  }
0x1cf: {  	v3 =	vmul.f32 v62, v3  }
0x1d0: {  	v8 =	vmul.f32 $5.000000000e-01, v8;
	(erf) = vrcp.f32 v7  }
0x1d1: {  	v63 =	vpop (erf);
	v3 =	vadd.f32 v3, v6  }
0x1d2: {  	(erf) = vrcp.f32 v8;
	v1 =	vmul.f32 v63, v1  }
0x1d3: {  	v3 =	vmul.f32 $5.000000000e-01, v3  }
0x1d4: {  	v1 =	vadd.f32 v1, v5  }
0x1d5: {  	v3 =	vadd.f32 $9.999999970e-07, v3  }
0x1d6: {  	v1 =	vmul.f32 $5.000000000e-01, v1;
	_ =	sdelay $0x1  }
0x1d7: {  	v1 =	vadd.f32 $9.999999970e-07, v1  }
0x1d8: {  	(erf) = vrcp.f32 v3;
	v3 =	vpop (erf)  }
0x1d9: {  	(erf) = vrcp.f32 v1;
	v1 =	vmul.f32 v3, v2  }
0x1da: {  	v2 =	vpop (erf)  }
0x1db: {  	v2 =	vmul.f32 v2, v4;
	v1 =	vadd.f32 v1, v7;
	_ =	sdelay $0x1  }
0x1dc: {  	v2 =	vadd.f32 v2, v8;
	v1 =	vmul.f32 $5.000000000e-01, v1;
	_ =	sdelay $0x1  }
0x1dd: {  	v2 =	vmul.f32 $5.000000000e-01, v2;
	v1 =	vadd.f32 $9.999999970e-07, v1;
	_ =	sdelay $0x1  }
0x1de: {  	v3 =	vpop (erf);
	(erf) = vrcp.f32 v1  }
0x1df: {  	v3 =	vsub.f32 $0.0e+00, v3;
	v1 =	vadd.f32 $9.999999970e-07, v2  }
0x1e0: {  	v2 =	vpop (erf)  }
0x1e1: {  	v3 =	vmul.f32 $1.442695020e+00, v3;
	v2 =	vsub.f32 $0.0e+00, v2;
	(erf) = vrcp.f32 v1;
	_ =	sdelay $0x1  }
0x1e2: {  	(erf) = vpow2.f32 v3;
	v1 =	vmul.f32 $1.442695020e+00, v2;
	_ =	sdelay $0x2  }
0x1e3: {  	(erf) = vpow2.f32 v1  }
0x1e4: {  	v1 =	vpop (erf)  }
0x1e5: {  	v1 =	vsub.f32 $0.0e+00, v1;
	_ =	sdelay $0x1  }
0x1e6: {  	v2 =	vpop (erf);
	v1 =	vmul.f32 $1.442695020e+00, v1  }
0x1e7: {  	v2 =	vsub.f32 $0.0e+00, v2  }
0x1e8: {  	v3 =	vpop (erf);
	(erf) = vpow2.f32 v1  }
0x1e9: {  	v3 =	vadd.f32 $1.000000000e+00, v3  }
0x1ea: {  	v1 =	vmul.f32 $1.442695020e+00, v2  }
0x1eb: {  	(erf) = vrcp.f32 v3;
	v2 =	vpop (erf)  }
0x1ec: {  	(erf) = vpow2.f32 v1;
	v2 =	vadd.f32 $1.000000000e+00, v2;
	_ =	sdelay $0x1  }
0x1ed: {  	(erf) = vrcp.f32 v2  }
0x1ee: {  	s25 =	simm.s32 $0x0  }
0x1ef: {  	s22 =	simm.s32 $0xC00;
	s23 =	simm.s32 $0x0;
	s21 =	simm.s32 $0x0;
	v1 =	vimm.f32 $0.0e+00;
	v2 =	vld [tilespmem:s25+$0x6800]  }
.LBB2_7:
0x1f0: {  	p2 =	sne.s32 s22, $0x12000;
	s20 =	sadd.s32 $0x1, s20;
	s23 =	sadd.s32 $0x10, s23;
	v3 =	vpop (erf)  }
0x1f1: {  	s24 =	smov.u32 s22;
	s22 =	sadd.s32 $0xC00, s22;
	s26 =	sshll.u32 s20, $0x6;
	v3 =	vadd.f32 $1.000000000e+00, v3  }
0x1f2: {  	v4 =	vld [tilespmem:s25+$0x6880]  }
0x1f3: {  	v5 =	vpop (erf);
	(erf) = vrcp.f32 v3  }
0x1f4: {  	v3 =	vmul.f32 v5, v2;
	v5 =	vpop (erf)  }
0x1f5: {  	v5 =	vadd.f32 $1.000000000e+00, v5  }
0x1f6: {  	v6 =	vmul.f32 $1.442695020e+00, v3;
	v7 =	vpop (erf)  }
0x1f7: {  	v7 =	vmul.f32 v7, v4;
	(erf) = vrcp.f32 v5  }
0x1f8: {  	(erf) = vpow2.f32 v6  }
0x1f9: {  	s28 =	sshll.u32 s20, $0x7;
	v5 =	vmul.f32 $1.442695020e+00, v7;
	v3 =	vadd.f32 v7, v3  }
0x1fa: {  	s29 =	sand.u32 $0x70, s23;
	s28 =	sand.u32 $0x3FFFFC00, s28;
	v6 =	vld [tilespmem:s25+$0x6980]  }
0x1fb: {  	s28 =	sor.u32 s29, s28;
	(erf) = vpow2.f32 v5  }
0x1fc: {  	v5 =	vld [tilespmem:s25+$0x6A00];
	v7 =	vpop (erf);
	_ =	sdelay $0x2  }
0x1fd: {  	v8 =	vld [tilespmem:s25+$0x6900];
	v10 =	vmul.f32 v7, v6  }
0x1fe: {  	v7 =	vld [tilespmem:s25+$0x6A80];
	v9 =	vpop (erf)  }
0x1ff: {  	v5 =	vmul.f32 v9, v5;
	v3 =	vadd.f32 v10, v3;
	v6 =	vpop (erf)  }
0x200: {  	v2 =	vmul.f32 v6, v2  }
0x201: {  	v3 =	vadd.f32 v5, v3  }
0x202: {  	s25 =	sand.u32 $0x3FFFFE00, s21;
	s21 =	smov.u32 s26;
	v5 =	vmul.f32 v2, v8;
	v6 =	vpop (erf)  }
0x203: {  	s25 =	sor.u32 s19, s25;
	s19 =	smov.u32 s29;
	v1 =	vadd.f32 v2, v1;
	v4 =	vmul.f32 v6, v4;
	v3 =	vmul.f32 v3, v7  }
0x204: {  	[tilespmem:s25+$0xB400] =	vst v5  }
0x205: {  	v2 =	vmul.f32 v4, v8;
	[tilespmem:s25+$0xB500] =	vst v3;
	v1 =	vadd.f32 v4, v1  }
0x206: {  	[tilespmem:s25+$0xB580] =	vst v3  }
0x207: {  	[tilespmem:s25+$0xB480] =	vst v2;
	_ =	sdelay $0x1  }
0x208: {  	v2 =	vld [tilespmem:s28+$0x180]  }
0x209: {  	v3 =	vld [tilespmem:s28+$0x280]  }
0x20a: {  	v4 =	vld [tilespmem:s28+$0x100]  }
0x20b: {  	v5 =	vld [tilespmem:s28+$0x200]  }
0x20c: {  	v6 =	vld [tilespmem:s28+$0x1000]  }
0x20d: {  	v7 =	vld [tilespmem:s28+$0x0]  }
0x20e: {  	v8 =	vld [tilespmem:s28+$0x80]  }
0x20f: {  	v9 =	vld [tilespmem:s28+$0x380]  }
0x210: {  	v10 =	vld [tilespmem:s28+$0x1080]  }
0x211: {  	v11 =	vld [tilespmem:s28+$0x300]  }
0x212: {  	v5 =	vsub.f32 v7, v5;
	v6 =	vsub.f32 v6, v7  }
0x213: {  	v4 =	vsub.f32 v7, v4;
	v3 =	vsub.f32 v8, v3  }
0x214: {  	v2 =	vsub.f32 v8, v2;
	v9 =	vsub.f32 v9, v8  }
0x215: {  	v5 =	vmul.f32 v5, v5;
	v3 =	vmul.f32 v3, v3;
	v8 =	vsub.f32 v10, v8  }
0x216: {  	v4 =	vmul.f32 v4, v4;
	v2 =	vmul.f32 v2, v2;
	v7 =	vsub.f32 v11, v7  }
0x217: {  	v3 =	vadd.f32 v3, v5;
	v5 =	vmul.f32 v9, v9;
	v8 =	vmul.f32 v8, v8  }
0x218: {  	v6 =	vmul.f32 v6, v6;
	v4 =	vadd.f32 v2, v4;
	v2 =	vmul.f32 v7, v7  }
0x219: {  	vm1 =	vlt.f32 v3, $1.000000010e-01;
	vm2 =	vlt.f32 v3, $1.000000000e+00;
	vm0 =	vlt.f32 v3, $1.000000000e+02  }
0x21a: {  	vm3 =	vlt.f32 v4, $1.000000000e+02;
	v7 =	vsel vm0, $0x40B33333, v0;
	v2 =	vadd.f32 v5, v2  }
0x21b: {  	vm0 =	vlt.f32 v4, $1.000000000e+01;
	v5 =	vsel vm3, $0x40B33333, v0;
	vm3 =	vlt.f32 v3, $1.000000050e-03  }
0x21c: {  	vm4 =	vlt.f32 v4, $1.000000000e+00;
	vm5 =	vlt.f32 v3, $9.999999770e-03;
	v5 =	vsel vm0, $0x3FE3D70A, v5  }
0x21d: {  	vm6 =	vlt.f32 v4, $1.000000010e-01;
	v5 =	vsel vm4, $0x3F0F5C29, v5;
	vm0 =	vlt.f32 v2, $9.999999740e-05  }
0x21e: {  	vm4 =	vlt.f32 v4, $9.999999770e-03;
	v5 =	vsel vm6, $0x3E3645A2, v5;
	vm6 =	vlt.f32 v3, $1.000000000e+01  }
0x21f: {  	vm7 =	vlt.f32 v4, $1.000000050e-03;
	v5 =	vsel vm4, $0x3D656042, v5;
	v7 =	vsel vm6, $0x3FE3D70A, v7  }
0x220: {  	vm4 =	vlt.f32 v4, $9.999999740e-05;
	v5 =	vsel vm7, $0x3C91D14E, v5;
	v7 =	vsel vm2, $0x3F0F5C29, v7  }
0x221: {  	vm2 =	vlt.f32 v3, $9.999999740e-05;
	v9 =	vsel vm4, $0x3BB78034, v5;
	v5 =	vsel vm1, $0x3E3645A2, v7  }
0x222: {  	v7 =	vsel vm5, $0x3D656042, v5;
	v5 =	vadd.f32 v8, v6;
	(erf) = vrcp.f32 v9  }
0x223: {  	vm1 =	vlt.f32 v2, $1.000000000e+01;
	v6 =	vsel vm3, $0x3C91D14E, v7;
	vm3 =	vlt.f32 v2, $1.000000000e+02  }
0x224: {  	v6 =	vsel vm2, $0x3BB78034, v6;
	v7 =	vsel vm3, $0x40B33333, v0;
	vm2 =	vlt.f32 v5, $1.000000000e+02  }
0x225: {  	vm3 =	vlt.f32 v2, $1.000000000e+00;
	v7 =	vsel vm1, $0x3FE3D70A, v7;
	(erf) = vrcp.f32 v6  }
0x226: {  	vm1 =	vlt.f32 v2, $1.000000010e-01;
	v8 =	vsel vm2, $0x40B33333, v0;
	v7 =	vsel vm3, $0x3F0F5C29, v7  }
0x227: {  	vm2 =	vlt.f32 v2, $9.999999770e-03;
	v7 =	vsel vm1, $0x3E3645A2, v7;
	vm1 =	vlt.f32 v5, $1.000000000e+00  }
0x228: {  	vm3 =	vlt.f32 v2, $1.000000050e-03;
	v7 =	vsel vm2, $0x3D656042, v7;
	vm2 =	vlt.f32 v5, $1.000000000e+01  }
0x229: {  	v7 =	vsel vm3, $0x3C91D14E, v7;
	vm3 =	vlt.f32 v5, $1.000000010e-01;
	v8 =	vsel vm2, $0x3FE3D70A, v8  }
0x22a: {  	v7 =	vsel vm0, $0x3BB78034, v7;
	vm0 =	vlt.f32 v5, $9.999999770e-03;
	v8 =	vsel vm1, $0x3F0F5C29, v8  }
0x22b: {  	vm1 =	vlt.f32 v5, $1.000000050e-03;
	v8 =	vsel vm3, $0x3E3645A2, v8;
	v10 =	vpop (erf);
	(erf) = vrcp.f32 v7  }
0x22c: {  	vm2 =	vlt.f32 v5, $9.999999740e-05;
	v8 =	vsel vm0, $0x3D656042, v8;
	v11 =	vmul.f32 v10, v4  }
0x22d: {  	v8 =	vsel vm1, $0x3C91D14E, v8  }
0x22e: {  	v8 =	vsel vm2, $0x3BB78034, v8;
	v9 =	vadd.f32 v11, v9;
	v10 =	vpop (erf)  }
0x22f: {  	v10 =	vmul.f32 v10, v3;
	(erf) = vrcp.f32 v8  }
0x230: {  	v9 =	vmul.f32 $5.000000000e-01, v9  }
0x231: {  	v6 =	vadd.f32 v10, v6  }
0x232: {  	(erf) = vrcp.f32 v9  }
0x233: {  	v6 =	vmul.f32 $5.000000000e-01, v6  }
0x234: {  	v10 =	vpop (erf)  }
0x235: {  	v11 =	vmul.f32 v10, v2;
	(erf) = vrcp.f32 v6;
	_ =	sdelay $0x1  }
0x236: {  	v7 =	vadd.f32 v11, v7  }
0x237: {  	v10 =	vpop (erf)  }
0x238: {  	v7 =	vmul.f32 $5.000000000e-01, v7;
	v11 =	vmul.f32 v10, v5;
	_ =	sdelay $0x1  }
0x239: {  	v8 =	vadd.f32 v11, v8;
	v10 =	vpop (erf);
	(erf) = vrcp.f32 v7  }
0x23a: {  	v11 =	vmul.f32 v10, v4  }
0x23b: {  	v8 =	vmul.f32 $5.000000000e-01, v8  }
0x23c: {  	v9 =	vadd.f32 v11, v9;
	v10 =	vpop (erf)  }
0x23d: {  	v10 =	vmul.f32 v10, v3;
	(erf) = vrcp.f32 v8  }
0x23e: {  	v9 =	vmul.f32 $5.000000000e-01, v9  }
0x23f: {  	v6 =	vadd.f32 v10, v6  }
0x240: {  	(erf) = vrcp.f32 v9  }
0x241: {  	v6 =	vmul.f32 $5.000000000e-01, v6  }
0x242: {  	v10 =	vpop (erf)  }
0x243: {  	v11 =	vmul.f32 v10, v2;
	(erf) = vrcp.f32 v6;
	_ =	sdelay $0x1  }
0x244: {  	v7 =	vadd.f32 v11, v7  }
0x245: {  	v10 =	vpop (erf)  }
0x246: {  	v7 =	vmul.f32 $5.000000000e-01, v7;
	v11 =	vmul.f32 v10, v5;
	_ =	sdelay $0x1  }
0x247: {  	v8 =	vadd.f32 v11, v8;
	v10 =	vpop (erf);
	(erf) = vrcp.f32 v7  }
0x248: {  	v11 =	vmul.f32 v10, v4  }
0x249: {  	v8 =	vmul.f32 $5.000000000e-01, v8  }
0x24a: {  	v9 =	vadd.f32 v11, v9;
	v10 =	vpop (erf)  }
0x24b: {  	v10 =	vmul.f32 v10, v3;
	(erf) = vrcp.f32 v8  }
0x24c: {  	v9 =	vmul.f32 $5.000000000e-01, v9  }
0x24d: {  	v6 =	vadd.f32 v10, v6  }
0x24e: {  	(erf) = vrcp.f32 v9  }
0x24f: {  	v6 =	vmul.f32 $5.000000000e-01, v6  }
0x250: {  	v10 =	vpop (erf)  }
0x251: {  	v11 =	vmul.f32 v10, v2;
	(erf) = vrcp.f32 v6;
	_ =	sdelay $0x1  }
0x252: {  	v7 =	vadd.f32 v11, v7  }
0x253: {  	v10 =	vpop (erf)  }
0x254: {  	v7 =	vmul.f32 $5.000000000e-01, v7;
	v11 =	vmul.f32 v10, v5;
	_ =	sdelay $0x1  }
0x255: {  	v8 =	vadd.f32 v11, v8;
	v10 =	vpop (erf);
	(erf) = vrcp.f32 v7  }
0x256: {  	v11 =	vmul.f32 v10, v4  }
0x257: {  	v8 =	vmul.f32 $5.000000000e-01, v8  }
0x258: {  	v9 =	vadd.f32 v11, v9;
	v10 =	vpop (erf)  }
0x259: {  	v10 =	vmul.f32 v10, v3;
	(erf) = vrcp.f32 v8  }
0x25a: {  	v9 =	vmul.f32 $5.000000000e-01, v9  }
0x25b: {  	v6 =	vadd.f32 v10, v6  }
0x25c: {  	(erf) = vrcp.f32 v9  }
0x25d: {  	v6 =	vmul.f32 $5.000000000e-01, v6  }
0x25e: {  	v10 =	vpop (erf)  }
0x25f: {  	v11 =	vmul.f32 v10, v2;
	(erf) = vrcp.f32 v6;
	_ =	sdelay $0x1  }
0x260: {  	v7 =	vadd.f32 v11, v7  }
0x261: {  	v10 =	vpop (erf)  }
0x262: {  	v7 =	vmul.f32 $5.000000000e-01, v7;
	v11 =	vmul.f32 v10, v5;
	_ =	sdelay $0x1  }
0x263: {  	v8 =	vadd.f32 v11, v8;
	v10 =	vpop (erf);
	(erf) = vrcp.f32 v7  }
0x264: {  	v4 =	vmul.f32 v10, v4  }
0x265: {  	v8 =	vmul.f32 $5.000000000e-01, v8  }
0x266: {  	v4 =	vadd.f32 v4, v9;
	v9 =	vpop (erf)  }
0x267: {  	v3 =	vmul.f32 v9, v3;
	(erf) = vrcp.f32 v8  }
0x268: {  	v4 =	vmul.f32 $5.000000000e-01, v4  }
0x269: {  	v3 =	vadd.f32 v3, v6  }
0x26a: {  	v6 =	vadd.f32 $9.999999970e-07, v4  }
0x26b: {  	v3 =	vmul.f32 $5.000000000e-01, v3  }
0x26c: {  	(erf) = vrcp.f32 v6;
	v4 =	vpop (erf)  }
0x26d: {  	v6 =	vadd.f32 $9.999999970e-07, v3;
	v2 =	vmul.f32 v4, v2;
	_ =	sdelay $0x1  }
0x26e: {  	v2 =	vadd.f32 v2, v7;
	(erf) = vrcp.f32 v6  }
0x26f: {  	v3 =	vpop (erf)  }
0x270: {  	v2 =	vmul.f32 $5.000000000e-01, v2;
	v3 =	vmul.f32 v3, v5;
	_ =	sdelay $0x1  }
0x271: {  	v2 =	vadd.f32 $9.999999970e-07, v2;
	v3 =	vadd.f32 v3, v8;
	_ =	sdelay $0x1  }
0x272: {  	v3 =	vmul.f32 $5.000000000e-01, v3;
	v4 =	vpop (erf);
	(erf) = vrcp.f32 v2  }
0x273: {  	v2 =	vsub.f32 $0.0e+00, v4  }
0x274: {  	v3 =	vadd.f32 $9.999999970e-07, v3  }
0x275: {  	v2 =	vmul.f32 $1.442695020e+00, v2;
	v4 =	vpop (erf)  }
0x276: {  	v4 =	vsub.f32 $0.0e+00, v4;
	(erf) = vrcp.f32 v3  }
0x277: {  	(erf) = vpow2.f32 v2  }
0x278: {  	v3 =	vmul.f32 $1.442695020e+00, v4;
	_ =	sdelay $0x1  }
0x279: {  	(erf) = vpow2.f32 v3  }
0x27a: {  	v2 =	vpop (erf)  }
0x27b: {  	v2 =	vsub.f32 $0.0e+00, v2;
	_ =	sdelay $0x1  }
0x27c: {  	v2 =	vmul.f32 $1.442695020e+00, v2  }
0x27d: {  	v3 =	vpop (erf)  }
0x27e: {  	v3 =	vsub.f32 $0.0e+00, v3;
	v4 =	vpop (erf);
	(erf) = vpow2.f32 v2  }
0x27f: {  	v4 =	vadd.f32 $1.000000000e+00, v4  }
0x280: {  	v3 =	vmul.f32 $1.442695020e+00, v3  }
0x281: {  	(erf) = vrcp.f32 v4;
	v2 =	vpop (erf)  }
.Ltmp5:
0x282: {  	v2 =	vadd.f32 $1.000000000e+00, v2;
	(erf) = vpow2.f32 v3;
	(pc) =	sbr.rel @p2 .LBB2_7-.Ltmp5, $4  }
0x283: {  	_ = 	snop  }
0x284: {  	(erf) = vrcp.f32 v2  }
0x285: {  	s25 =	sshra.s32 s24, $0x2  }
0x286: {  	v2 =	vld [tilespmem:s25+$0x6800]  }
.Ltmp6:
0x287: {  	_ = 	snop;
	(pc) =	sbr.rel .LBB2_8-.Ltmp6, $1  }
0x288: {  	_ =	sdelay $0x3  }
.LBB2_10:
0x289: {  	_ =	sfence.sel $0x180000  }
0x28a: {  	[bflag:$0x0] =	sbarrier.arrive $0xFFFF  }
0x28b: {  	p0 =	sne.s32 s2, $0x0;
	_ =	strace $0x90000047  }
0x28c: {  	s0 =	sadd.s32 @!p0 $0x100000, s0;
	[bflag:$0x2] =	sbarrier.arrive $0xFFFF  }
0x28d: {  	[sflag:s0] =	ssyncadd.tile.s32 @!p0 $0x1;
	_ =	shalt  }
.Lfunc_end2:
_tile_overlayer_lowered:
.L_overlay_start_2:
0x28e: {  	(tag) =	ssettag $0x2  }
0x28f: {  	s0 =	rddreg [dreg:$0x0];
	s2 =	stileid.u32  }
0x290: {  	s1 =	rddreg [dreg:$0x1];
	p0 =	sne.s32 s2, $0x0  }
0x291: {  	s3 =	rddreg [dreg:$0x2];
	[bflag:$0x3] =	sbarrier.arrive $0xFFFF;
	s2 =	simm.s32 @!p0 $0x1C01  }
0x292: {  	[timem:s3], [sflag:s2] =	dma.local @!p0 [hbm:s0], s1  }
0x293: {  	s0 =	simm.s32 @!p0 $0x1  }
0x294: {  	_ =	swait.ge @!p0 [sflag:s0], s1  }
0x295: {  	s1 =	ssub.s32 @!p0 $0x0, s1;
	[sflag:s0] =	ssyncset.done @!p0 $0x0  }
0x296: {  	[sflag:s0] =	ssyncadd.s32 @!p0 s1  }
0x297: {  	[bflag:$0x3] =	sbarrier.arrive $0xFFFF  }
0x298: {  	_ =	shalt  }

</sc_bundles>
